<compile_context>
chip_gen: v7x
topology: tpu7x:2x2x1
jax: 0.10.2.dev20260603
libtpu: 0.0.44.dev20260713+nightly
codegen_flags: <defaults>
</compile_context>

<pallas_src>
import jax
import jax.numpy as jnp
from jax import lax
from jax.experimental import pallas as pl
from jax.experimental.pallas import tpu as pltpu
from jax.experimental.pallas import tpu_sc as plsc

NODE = 1024
K = 16
C = 64
T = 60
B = 2
HID = 128


def _ln(x, g, b, eps=1e-5):
    m = x.mean(-1, keepdims=True)
    v = ((x - m) ** 2).mean(-1, keepdims=True)
    return (x - m) * jax.lax.rsqrt(v + eps) * g + b


def _ln_mxu(x, g, b, jmat, eps=1e-5):
    m = jnp.dot(x, jmat, preferred_element_type=jnp.float32)
    m2 = jnp.dot(x * x, jmat, preferred_element_type=jnp.float32)
    v = jnp.maximum(m2 - m * m, 0.0)
    return (x - m) * jax.lax.rsqrt(v + eps) * g + b


PREP_R = 128


def _prep_kernel(adj_ref, wemb_ref, bemb_ref, src_ref, wg1_ref, bg1_ref,
                 w1_ref, b1_ref, ds_ref, amat_ref, v1_ref, c1_ref):
    adj = adj_ref[...]
    ds_ref[...] = jnp.dot(adj, wemb_ref[...].T,
                          preferred_element_type=jnp.float32) + bemb_ref[...]
    src = src_ref[...]
    col = lax.broadcasted_iota(jnp.int32, (PREP_R, NODE), 1)
    acc = jnp.zeros((PREP_R, NODE), jnp.float32)
    for k in range(K):
        acc = acc + jnp.where(src[:, k:k + 1] == col, 1.0, 0.0)
    acc = acc * (1.0 / K)
    amat_ref[...] = acc.astype(jnp.bfloat16)
    wg1 = wg1_ref[...]
    v1_ref[...] = jnp.sum(wg1 * w1_ref[...][None, :], axis=1)
    c1_ref[...] = jnp.sum(wg1 * b1_ref[...][None, :], axis=1) + bg1_ref[...]


_SC_NW = 32
_SC_DPW = NODE // _SC_NW
_SC_E = _SC_DPW * K
_TB = 128


def _xbar_sc_body(xall_hbm, idx_hbm, out_hbm, idx_v, rows_v, out_v, sem):
    wid = lax.axis_index("s") * 2 + lax.axis_index("c")
    pltpu.sync_copy(idx_hbm.at[pl.ds(wid * _SC_E, _SC_E)], idx_v)
    for ci in range(_SC_E // 128):
        pltpu.async_copy(
            xall_hbm.at[idx_v.at[pl.ds(ci * 128, 128)]],
            rows_v.at[pl.ds(ci * 128, 128)], sem).wait()

    def body(j, carry):
        base = j * K
        for cg in range(_TB // 16):
            sl = slice(cg * 16, (cg + 1) * 16)
            acc0 = rows_v[base + 0, sl] + rows_v[base + 1, sl]
            acc1 = rows_v[base + 2, sl] + rows_v[base + 3, sl]
            for k in range(4, K, 4):
                acc0 = acc0 + (rows_v[base + k, sl] + rows_v[base + k + 1, sl])
                acc1 = acc1 + (rows_v[base + k + 2, sl]
                               + rows_v[base + k + 3, sl])
            out_v[j, sl] = (acc0 + acc1) * (1.0 / K)
        return carry

    lax.fori_loop(0, _SC_DPW, body, 0)
    pltpu.sync_copy(out_v, out_hbm.at[pl.ds(wid * _SC_DPW, _SC_DPW)])


def _gcn_kernel(xbt_ref, amat_ref, v1_ref, c1_ref, wg2_ref, bg2_ref, xg_ref):
    amat = amat_ref[...]
    v1 = v1_ref[...]
    c1 = c1_ref[...]
    hs = []
    for b in range(B):
        xb = xbt_ref[0, b, :]
        hs.append(jnp.maximum(xb[:, None] * v1[None, :] + c1[None, :], 0.0))
    hw = jnp.concatenate(hs, axis=1).astype(jnp.bfloat16)
    hbar = jnp.dot(amat, hw, preferred_element_type=jnp.float32)
    for b in range(B):
        xg_ref[0, b, :, :] = jnp.dot(
            hbar[:, b * HID:(b + 1) * HID], wg2_ref[...].T,
            preferred_element_type=jnp.float32) + bg2_ref[...]


def _band_matrix(w, pad):
    ic = lax.broadcasted_iota(jnp.int32, (C, C), 0)
    jc = lax.broadcasted_iota(jnp.int32, (C, C), 1)
    diff = ic - jc + pad
    m = jnp.zeros((C, C), jnp.float32)
    for d in range(2 * pad + 1):
        m = m + jnp.where(diff == d, w[d], 0.0)
    return m


def _conv_mid(x, w, pad):
    n = x.shape[1]
    zero = jnp.zeros((x.shape[0], pad, x.shape[2]), x.dtype)
    xp = jnp.concatenate([zero, x, zero], axis=1)
    accs = [None] * 4
    for d in range(2 * pad + 1):
        term = w[d] * xp[:, d:d + n, :]
        i = d % 4
        accs[i] = term if accs[i] is None else accs[i] + term
    accs = [a for a in accs if a is not None]
    while len(accs) > 1:
        accs = [accs[i] + accs[i + 1] if i + 1 < len(accs) else accs[i]
                for i in range(0, len(accs), 2)]
    return accs[0]


def _sattn_pre_kernel(xt_ref, ds_ref, w1_ref, b1_ref, cp_ref, pre_ref):
    ds = ds_ref[...]
    w1 = w1_ref[...]
    b1 = b1_ref[...]
    cp = lambda i: cp_ref[0, 0, i]
    xv = xt_ref[0]
    u = xv[:, :, None] * w1[None, None, :] + b1[None, None, :] + ds[None]
    attn0 = u * cp(0) + cp(1)
    w01 = [cp(2 + d) for d in range(7)]
    w02 = [cp(10 + d) for d in range(7)]
    w11 = [cp(18 + d) for d in range(11)]
    w12 = [cp(30 + d) for d in range(11)]
    w21 = [cp(42 + d) for d in range(21)]
    w22 = [cp(64 + d) for d in range(21)]
    band = jnp.concatenate([_band_matrix(w01, 3), _band_matrix(w11, 5),
                            _band_matrix(w21, 10)], axis=1)
    flat = attn0.reshape(B * NODE, C)
    abr = jnp.dot(flat, band, preferred_element_type=jnp.float32)
    bf16 = jnp.bfloat16
    a0 = (abr[:, 0 * C:1 * C].reshape(B, NODE, C) + cp(9)).astype(bf16)
    a1 = (abr[:, 1 * C:2 * C].reshape(B, NODE, C) + cp(29)).astype(bf16)
    a2 = (abr[:, 2 * C:3 * C].reshape(B, NODE, C) + cp(63)).astype(bf16)
    w02 = [w.astype(bf16) for w in w02]
    w12 = [w.astype(bf16) for w in w12]
    w22 = [w.astype(bf16) for w in w22]
    a0 = _conv_mid(a0, w02, 3).astype(jnp.float32) + cp(17)
    a1 = _conv_mid(a1, w12, 5).astype(jnp.float32) + cp(41)
    a2 = _conv_mid(a2, w22, 10).astype(jnp.float32) + cp(85)
    pre_ref[0] = attn0 + a0 + a1 + a2


def _c3_kernel(pre_ref, c3w_ref, c3b_ref, out_ref):
    out_ref[...] = jnp.dot(c3w_ref[...], pre_ref[...],
                           preferred_element_type=jnp.float32) + c3b_ref[...][:, None]


def _final_kernel(xt_ref, attn_ref, xg_ref, ds_ref, w1_ref, b1_ref,
                  ln1g_ref, ln1b_ref, ln2g_ref, ln2b_ref,
                  wf1_ref, bf1_ref, wf2_ref, bf2_ref,
                  wfs_ref, bfs_ref, wfg_ref, bfg_ref,
                  lb1g_ref, lb1b_ref, lb2g_ref, lb2b_ref,
                  w2_ref, b2_ref, y_ref):
    w1 = w1_ref[...]
    b1 = b1_ref[...]
    ds = ds_ref[...]
    bf16 = jnp.bfloat16
    xv = xt_ref[0]
    q = (xv[:, :, None] * w1[None, None, :]
         + b1[None, None, :]).reshape(B * NODE, C)
    q2 = q + jnp.concatenate([ds, ds], axis=0)
    attn = attn_ref[0].reshape(B * NODE, C)
    xg = xg_ref[0].reshape(B * NODE, C)
    m_s = _ln(attn * q2 + q2, ln1g_ref[...], ln1b_ref[...])
    ff = jnp.maximum(
        jnp.dot(m_s.astype(bf16), wf1_ref[...].T.astype(bf16),
                preferred_element_type=jnp.float32) + bf1_ref[...], 0.0)
    ff = jnp.dot(ff.astype(bf16), wf2_ref[...].T.astype(bf16),
                 preferred_element_type=jnp.float32) + bf2_ref[...]
    u_s = _ln(ff + m_s, ln2g_ref[...], ln2b_ref[...])
    gate = jnp.dot(u_s, wfs_ref[...].T,
                   preferred_element_type=jnp.float32) + bfs_ref[...]
    gate = gate + jnp.dot(xg, wfg_ref[...].T,
                          preferred_element_type=jnp.float32) + bfg_ref[...]
    gate = 1.0 / (1.0 + jnp.exp(-gate))
    st = gate * u_s + (1.0 - gate) * xg
    out1 = _ln(st + q, lb1g_ref[...], lb1b_ref[...])
    out2 = _ln(out1, lb2g_ref[...], lb2b_ref[...])
    y = jnp.sum(out2 * w2_ref[...][None, :], axis=1) + b2_ref[0, 0]
    y_ref[0] = y.reshape(B, NODE)


def kernel(x, params, edge_index):
    p = params
    f32 = jnp.float32
    xt = jnp.transpose(x[:, 0], (2, 0, 1))
    src2d = edge_index[0].reshape(NODE, K).astype(jnp.int32)
    w1 = p['conv1_w'].reshape(C)
    b1 = p['conv1_b'].reshape(C)
    w2 = p['conv2_w'].reshape(C)
    b2 = p['conv2_b'].reshape(1, 1)

    ds, amat, v1, c1 = pl.pallas_call(
        _prep_kernel,
        grid=(NODE // PREP_R,),
        in_specs=[
            pl.BlockSpec((PREP_R, NODE), lambda i: (i, 0)),
            pl.BlockSpec((C, NODE), lambda i: (0, 0)),
            pl.BlockSpec((C,), lambda i: (0,)),
            pl.BlockSpec((PREP_R, K), lambda i: (i, 0)),
            pl.BlockSpec((HID, C), lambda i: (0, 0)),
            pl.BlockSpec((HID,), lambda i: (0,)),
            pl.BlockSpec((C,), lambda i: (0,)),
            pl.BlockSpec((C,), lambda i: (0,)),
        ],
        out_specs=(pl.BlockSpec((PREP_R, C), lambda i: (i, 0)),
                   pl.BlockSpec((PREP_R, NODE), lambda i: (i, 0)),
                   pl.BlockSpec((HID,), lambda i: (0,)),
                   pl.BlockSpec((HID,), lambda i: (0,))),
        out_shape=(jax.ShapeDtypeStruct((NODE, C), f32),
                   jax.ShapeDtypeStruct((NODE, NODE), jnp.bfloat16),
                   jax.ShapeDtypeStruct((HID,), f32),
                   jax.ShapeDtypeStruct((HID,), f32)),
    )(p['D_S'], p['W_embed'], p['b_embed'], src2d, p['Wg1'], p['bg1'],
      w1, b1)

    xall = jnp.transpose(x[:, 0], (1, 2, 0)).reshape(NODE, T * B)
    xall = jnp.pad(xall, ((0, 0), (0, _TB - T * B)))
    mesh = plsc.VectorSubcoreMesh(core_axis_name="c", subcore_axis_name="s")
    xbar = pl.kernel(
        _xbar_sc_body,
        mesh=mesh,
        out_type=jax.ShapeDtypeStruct((NODE, _TB), f32),
        scratch_types=[
            pltpu.VMEM((_SC_E,), jnp.int32),
            pltpu.VMEM((_SC_E, _TB), f32),
            pltpu.VMEM((_SC_DPW, _TB), f32),
            pltpu.SemaphoreType.DMA,
        ],
    )(xall, src2d.reshape(NODE * K))
    xbt = jnp.transpose(xbar[:, :T * B].reshape(NODE, T, B),
                        (1, 2, 0))

    xg = pl.pallas_call(
        _gcn_kernel,
        grid=(T,),
        in_specs=[
            pl.BlockSpec((1, B, NODE), lambda t: (t, 0, 0)),
            pl.BlockSpec((NODE, NODE), lambda t: (0, 0)),
            pl.BlockSpec((HID,), lambda t: (0,)),
            pl.BlockSpec((HID,), lambda t: (0,)),
            pl.BlockSpec((C, HID), lambda t: (0, 0)),
            pl.BlockSpec((C,), lambda t: (0,)),
        ],
        out_specs=pl.BlockSpec((1, B, NODE, C), lambda t: (t, 0, 0, 0)),
        out_shape=jax.ShapeDtypeStruct((T, B, NODE, C), f32),
    )(xbt, amat, v1, c1, p['Wg2'], p['bg2'])

    cpack = jnp.concatenate([
        p['c0_w'].reshape(T, 1), p['c0_b'].reshape(T, 1),
        p['c01_w'].reshape(T, 7), p['c01_b'].reshape(T, 1),
        p['c02_w'].reshape(T, 7), p['c02_b'].reshape(T, 1),
        p['c11_w'].reshape(T, 11), p['c11_b'].reshape(T, 1),
        p['c12_w'].reshape(T, 11), p['c12_b'].reshape(T, 1),
        p['c21_w'].reshape(T, 21), p['c21_b'].reshape(T, 1),
        p['c22_w'].reshape(T, 21), p['c22_b'].reshape(T, 1),
        jnp.zeros((T, 42), f32),
    ], axis=1).reshape(T, 1, 128)
    pre = pl.pallas_call(
        _sattn_pre_kernel,
        grid=(T,),
        in_specs=[
            pl.BlockSpec((1, B, NODE), lambda t: (t, 0, 0)),
            pl.BlockSpec((NODE, C), lambda t: (0, 0)),
            pl.BlockSpec((C,), lambda t: (0,)),
            pl.BlockSpec((C,), lambda t: (0,)),
            pl.BlockSpec((1, 1, 128), lambda t: (t, 0, 0),
                         memory_space=pltpu.SMEM),
        ],
        out_specs=pl.BlockSpec((1, B, NODE, C), lambda t: (t, 0, 0, 0)),
        out_shape=jax.ShapeDtypeStruct((T, B, NODE, C), f32),
    )(xt, ds, w1, b1, cpack)

    M = B * NODE * C
    BM = 8192
    pre2 = pre.reshape(T, M)
    attn = pl.pallas_call(
        _c3_kernel,
        grid=(M // BM,),
        in_specs=[
            pl.BlockSpec((T, BM), lambda j: (0, j)),
            pl.BlockSpec((T, T), lambda j: (0, 0)),
            pl.BlockSpec((T,), lambda j: (0,)),
        ],
        out_specs=pl.BlockSpec((T, BM), lambda j: (0, j)),
        out_shape=jax.ShapeDtypeStruct((T, M), f32),
    )(pre2, p['c3_w'].reshape(T, T), p['c3_b'])
    attn = attn.reshape(T, B, NODE, C)

    vs = pl.BlockSpec((C,), lambda t: (0,))
    y = pl.pallas_call(
        _final_kernel,
        grid=(T,),
        in_specs=[
            pl.BlockSpec((1, B, NODE), lambda t: (t, 0, 0)),
            pl.BlockSpec((1, B, NODE, C), lambda t: (t, 0, 0, 0)),
            pl.BlockSpec((1, B, NODE, C), lambda t: (t, 0, 0, 0)),
            pl.BlockSpec((NODE, C), lambda t: (0, 0)),
            vs, vs,
            vs, vs, vs, vs,
            pl.BlockSpec((4 * C, C), lambda t: (0, 0)),
            pl.BlockSpec((4 * C,), lambda t: (0,)),
            pl.BlockSpec((C, 4 * C), lambda t: (0, 0)),
            vs,
            pl.BlockSpec((C, C), lambda t: (0, 0)), vs,
            pl.BlockSpec((C, C), lambda t: (0, 0)), vs,
            vs, vs, vs, vs,
            vs, pl.BlockSpec((1, 1), lambda t: (0, 0),
                             memory_space=pltpu.SMEM),
        ],
        out_specs=pl.BlockSpec((1, B, NODE), lambda t: (t, 0, 0)),
        out_shape=jax.ShapeDtypeStruct((T, B, NODE), f32),
    )(xt, attn, xg, ds, w1, b1,
      p['ln1s_g'], p['ln1s_b'], p['ln2s_g'], p['ln2s_b'],
      p['Wf1'], p['bf1'], p['Wf2'], p['bf2'],
      p['Wfs'], p['bfs'], p['Wfg'], p['bfg'],
      p['ln1b_g'], p['ln1b_b'], p['ln2b_g'], p['ln2b_b'],
      w2, b2)

    return jnp.transpose(y, (1, 2, 0))

# --- scband reference (transcript-rebuilt; emitter-appended) ---
"""Pipeline reference for scband-sttnsnet-26895085207710 (READ-ONLY COPY).

The authoritative reference and input builder live on the scoring server;
editing this copy changes nothing except your own understanding.
"""

import jax, jax.numpy as jnp
import numpy as np
from jax import lax

NODE = 1024; K = 16; C = 64; T = 60; B = 2; HID = 128; EMB_DIM = 40


def _ln(x, g, b, eps=1e-5):
    m = x.mean(-1, keepdims=True)
    v = x.var(-1, keepdims=True)
    return (x - m) / jnp.sqrt(v + eps) * g + b


def _conv(x, w, b, pad):
    groups = x.shape[1] // w.shape[1]
    y = lax.conv_general_dilated(x, w, (1, 1), pad,
                                 dimension_numbers=('NCHW', 'OIHW', 'NCHW'),
                                 feature_group_count=groups)
    return y + b[None, :, None, None]


def _sattn(x, p):
    # x: [B, N, T, C] -> permute to [B, T, N, C]; channels = T = 60
    x = jnp.transpose(x, (0, 2, 1, 3))
    u = x
    attn = _conv(x, p['c0_w'], p['c0_b'], [(0, 0), (0, 0)])
    a0 = _conv(_conv(attn, p['c01_w'], p['c01_b'], [(0, 0), (3, 3)]), p['c02_w'], p['c02_b'], [(3, 3), (0, 0)])
    a1 = _conv(_conv(attn, p['c11_w'], p['c11_b'], [(0, 0), (5, 5)]), p['c12_w'], p['c12_b'], [(5, 5), (0, 0)])
    a2 = _conv(_conv(attn, p['c21_w'], p['c21_b'], [(0, 0), (10, 10)]), p['c22_w'], p['c22_b'], [(10, 10), (0, 0)])
    attn = attn + a0 + a1 + a2
    attn = _conv(attn, p['c3_w'], p['c3_b'], [(0, 0), (0, 0)])
    out = attn * u
    return jnp.transpose(out, (0, 2, 1, 3))


def get_batch_edge_index(ei, batch, n):
    e = ei.shape[1]
    offs = jnp.repeat(jnp.arange(batch, dtype=ei.dtype) * n, e)
    return jnp.tile(ei, (1, batch)) + offs[None, :]


def _gcn(data, src, dst, p, n):
    def layer(h, W, b):
        msg = jnp.take(h, src, axis=0)
        agg = jax.ops.segment_sum(msg, dst, num_segments=n)
        deg = jax.ops.segment_sum(jnp.ones((src.shape[0],), h.dtype), dst, num_segments=n)
        agg = agg / jnp.maximum(deg, 1.0)[:, None]
        return agg @ W.T + b
    h = jax.nn.relu(layer(data, p['Wg1'], p['bg1']))
    return layer(h, p['Wg2'], p['bg2'])


def _forward(x, params, edge_index):
    p = params
    x = _conv(x, p['conv1_w'], p['conv1_b'], [(0, 0), (0, 0)])  # [B,C,N,T]
    q = jnp.transpose(x, (0, 2, 3, 1))  # [B,N,T,C]
    Bb, N, Tt, Cc = q.shape
    bedge = get_batch_edge_index(edge_index, Bb, N)
    src, dst = bedge[0], bedge[1]
    # X_G computed from q BEFORE positional D_S is added (matches original order)
    data = jnp.transpose(q, (2, 0, 1, 3)).reshape(Tt, Bb * N, Cc)
    xg = jax.vmap(lambda d: _gcn(d, src, dst, p, Bb * N))(data)
    X_G = jnp.transpose(xg.reshape(Tt, Bb, N, Cc), (1, 2, 0, 3))
    D_S = p['D_S'] @ p['W_embed'].T + p['b_embed']  # [N,C]
    q2 = q + D_S[None, :, None, :]
    attn = _sattn(q2, p)
    M_s = _ln(attn + q2, p['ln1s_g'], p['ln1s_b'])
    ff = jax.nn.relu(M_s @ p['Wf1'].T + p['bf1']) @ p['Wf2'].T + p['bf2']
    U_s = _ln(ff + M_s, p['ln2s_g'], p['ln2s_b'])
    g = jax.nn.sigmoid(U_s @ p['Wfs'].T + p['bfs'] + X_G @ p['Wfg'].T + p['bfg'])
    st = g * U_s + (1.0 - g) * X_G
    out1 = _ln(st + q, p['ln1b_g'], p['ln1b_b'])
    # Crossformer temporal branch returns 0 (baseline=False, in_len_add==0)
    out2 = _ln(out1, p['ln2b_g'], p['ln2b_b'])
    y = jnp.transpose(out2, (0, 3, 1, 2))
    y = _conv(y, p['conv2_w'], p['conv2_b'], [(0, 0), (0, 0)])
    return y[:, 0]


def setup_inputs():
    rng = np.random.default_rng(0)
    nv1 = rng.standard_normal((NODE, EMB_DIM)).astype(np.float32)
    nv2 = rng.standard_normal((NODE, EMB_DIM)).astype(np.float32)
    a = np.maximum(np.tanh(nv1 @ nv2.T - nv2 @ nv1.T), 0.0).astype(np.float32)
    idx = np.argsort(-a, axis=1)[:, :K]
    src = idx.reshape(-1).astype(np.int32)
    dst = np.repeat(np.arange(NODE), K).astype(np.int32)
    edge_index = np.stack([src, dst], axis=0)
    adj = np.zeros((NODE, NODE), np.float32)
    rows = np.repeat(np.arange(NODE), K)
    adj[rows, src] = a[rows, src]

    def w(*s, scale=0.05):
        return jnp.asarray(rng.standard_normal(s).astype(np.float32) * scale)

    params = {
        'conv1_w': w(C, 1, 1, 1), 'conv1_b': w(C),
        'conv2_w': w(1, C, 1, 1), 'conv2_b': w(1),
        'D_S': jnp.asarray(adj),
        'W_embed': w(C, NODE), 'b_embed': w(C),
        'c0_w': w(T, 1, 1, 1), 'c0_b': w(T),
        'c01_w': w(T, 1, 1, 7), 'c01_b': w(T),
        'c02_w': w(T, 1, 7, 1), 'c02_b': w(T),
        'c11_w': w(T, 1, 1, 11), 'c11_b': w(T),
        'c12_w': w(T, 1, 11, 1), 'c12_b': w(T),
        'c21_w': w(T, 1, 1, 21), 'c21_b': w(T),
        'c22_w': w(T, 1, 21, 1), 'c22_b': w(T),
        'c3_w': w(T, T, 1, 1), 'c3_b': w(T),
        'ln1s_g': jnp.ones(C, dtype=jnp.float32), 'ln1s_b': jnp.zeros(C, dtype=jnp.float32),
        'ln2s_g': jnp.ones(C, dtype=jnp.float32), 'ln2s_b': jnp.zeros(C, dtype=jnp.float32),
        'Wf1': w(4 * C, C), 'bf1': w(4 * C),
        'Wf2': w(C, 4 * C), 'bf2': w(C),
        'Wg1': w(HID, C), 'bg1': w(HID),
        'Wg2': w(C, HID), 'bg2': w(C),
        'Wfs': w(C, C), 'bfs': w(C),
        'Wfg': w(C, C), 'bfg': w(C),
        'ln1b_g': jnp.ones(C, dtype=jnp.float32), 'ln1b_b': jnp.zeros(C, dtype=jnp.float32),
        'ln2b_g': jnp.ones(C, dtype=jnp.float32), 'ln2b_b': jnp.zeros(C, dtype=jnp.float32),
    }
    x = jax.random.normal(jax.random.key(0), (B, 1, NODE, T), dtype=jnp.float32)
    return {'x': x, 'params': params, 'edge_index': jnp.asarray(edge_index)}


def reference(x, params, edge_index):
    return _forward(x, params, edge_index)

if __name__ == "__main__":
    import jax
    _d = setup_inputs()
    print(jax.jit(kernel)(*tuple(_d.values())))

</pallas_src>

<mosaic_0001>
#map = affine_map<(d0, d1) -> (0, 0)>
#map1 = affine_map<(d0, d1) -> (0)>
module attributes {stable_mosaic.version = 14 : i64} {
  func.func @_xbar_sc_body(%arg0: i32, %arg1: i32, %arg2: memref<1024x128xf32, #tpu.memory_space<hbm>>, %arg3: memref<16384xi32, #tpu.memory_space<hbm>>, %arg4: memref<1024x128xf32, #tpu.memory_space<hbm>>, %arg5: memref<512xi32, #tpu.memory_space<vmem>>, %arg6: memref<512x128xf32, #tpu.memory_space<vmem>>, %arg7: memref<32x128xf32, #tpu.memory_space<vmem>>, %arg8: memref<!tpu.dma_semaphore, #tpu.memory_space<semaphore_mem>>) attributes {dimension_semantics = [#tpu.dimension_semantics<core_parallel>, #tpu.dimension_semantics<subcore_parallel>], iteration_bounds = array<i64: 2, 16>, scalar_prefetch = 0 : i64, scratch_operands = 4 : i64, tpu.core_type = #tpu.core_type<sc_vector_subcore>, window_params = [{transform_indices = #map}, {transform_indices = #map1}, {transform_indices = #map}]} {
    %mul3A = arith.constant 2 : i32
    %mul3A_0 = arith.muli %arg1, %mul3A : i32
    %add3A = arith.addi %mul3A_0, %arg0 : i32
    %mul3A_1 = arith.constant 512 : i32
    %mul3A_2 = arith.muli %add3A, %mul3A_1 : i32
    "tpu.region"() ({
      %run_scoped3A = tpu.sem_alloc : memref<!tpu.dma_semaphore, #tpu.memory_space<semaphore_mem>>
      %dma_start3A_72 = tpu.memref_slice %arg3[%mul3A_2] : memref<16384xi32, #tpu.memory_space<hbm>> -> memref<512xi32, #tpu.memory_space<hbm>>
      %dma_start3A_73 = tpu.memref_slice %arg3[%mul3A_2] : memref<16384xi32, #tpu.memory_space<hbm>> -> memref<512xi32, #tpu.memory_space<hbm>>
      tpu.enqueue_dma source(%dma_start3A_73 : memref<512xi32, #tpu.memory_space<hbm>>) target(%arg5 : memref<512xi32, #tpu.memory_space<vmem>>) target_semaphore(%run_scoped3A : memref<!tpu.dma_semaphore, #tpu.memory_space<semaphore_mem>>)
      %dma_wait3A_74 = tpu.memref_slice %arg3[%mul3A_2] : memref<16384xi32, #tpu.memory_space<hbm>> -> memref<512xi32, #tpu.memory_space<hbm>>
      %dma_wait3A_75 = tpu.memref_slice %arg3[%mul3A_2] : memref<16384xi32, #tpu.memory_space<hbm>> -> memref<512xi32, #tpu.memory_space<hbm>>
      tpu.wait_dma2 semaphore(%run_scoped3A : memref<!tpu.dma_semaphore, #tpu.memory_space<semaphore_mem>>) src(%dma_wait3A_75 : memref<512xi32, #tpu.memory_space<hbm>>) dst(%arg5 : memref<512xi32, #tpu.memory_space<vmem>>)
      tpu.yield
    }) : () -> ()
    %dma_start3A = arith.constant 0 : i32
    %dma_start3A_3 = arith.constant 0 : i32
    %dma_start3A_4 = tpu.memref_slice %arg6[%dma_start3A, %dma_start3A_3] : memref<512x128xf32, #tpu.memory_space<vmem>> -> memref<128x128xf32, #tpu.memory_space<vmem>>
    %dma_start3A_5 = arith.constant 0 : i32
    %dma_start3A_6 = tpu.memref_slice %arg5[%dma_start3A_5] : memref<512xi32, #tpu.memory_space<vmem>> -> memref<128xi32, #tpu.memory_space<vmem>>
    %dma_start3A_7 = arith.constant 0 : i32
    %dma_start3A_8 = arith.constant 0 : i32
    %dma_start3A_9 = tpu.memref_slice %arg2[%dma_start3A_7, %dma_start3A_8] : memref<1024x128xf32, #tpu.memory_space<hbm>> -> memref<1024x128xf32, #tpu.memory_space<hbm>>
    tpu.enqueue_indirect_dma source(%dma_start3A_9 : memref<1024x128xf32, #tpu.memory_space<hbm>>) target(%dma_start3A_4 : memref<128x128xf32, #tpu.memory_space<vmem>>) offsets(%dma_start3A_6 : memref<128xi32, #tpu.memory_space<vmem>>) semaphore(%arg8 : memref<!tpu.dma_semaphore, #tpu.memory_space<semaphore_mem>>)
    %dma_wait3A = arith.constant 0 : i32
    %dma_wait3A_10 = arith.constant 0 : i32
    %dma_wait3A_11 = tpu.memref_slice %arg6[%dma_wait3A, %dma_wait3A_10] : memref<512x128xf32, #tpu.memory_space<vmem>> -> memref<128x128xf32, #tpu.memory_space<vmem>>
    %dma_wait3A_12 = arith.constant 0 : i32
    %dma_wait3A_13 = tpu.memref_slice %arg5[%dma_wait3A_12] : memref<512xi32, #tpu.memory_space<vmem>> -> memref<128xi32, #tpu.memory_space<vmem>>
    %dma_wait3A_14 = arith.constant 0 : i32
    %dma_wait3A_15 = arith.constant 0 : i32
    %dma_wait3A_16 = tpu.memref_slice %arg2[%dma_wait3A_14, %dma_wait3A_15] : memref<1024x128xf32, #tpu.memory_space<hbm>> -> memref<1024x128xf32, #tpu.memory_space<hbm>>
    tpu.wait_indirect_dma semaphore(%arg8 : memref<!tpu.dma_semaphore, #tpu.memory_space<semaphore_mem>>) src(%dma_wait3A_16 : memref<1024x128xf32, #tpu.memory_space<hbm>>) dst(%dma_wait3A_11 : memref<128x128xf32, #tpu.memory_space<vmem>>)
    %dma_start3A_17 = arith.constant 128 : i32
    %dma_start3A_18 = arith.constant 0 : i32
    %dma_start3A_19 = tpu.memref_slice %arg6[%dma_start3A_17, %dma_start3A_18] : memref<512x128xf32, #tpu.memory_space<vmem>> -> memref<128x128xf32, #tpu.memory_space<vmem>>
    %dma_start3A_20 = arith.constant 128 : i32
    %dma_start3A_21 = tpu.memref_slice %arg5[%dma_start3A_20] : memref<512xi32, #tpu.memory_space<vmem>> -> memref<128xi32, #tpu.memory_space<vmem>>
    %dma_start3A_22 = arith.constant 0 : i32
    %dma_start3A_23 = arith.constant 0 : i32
    %dma_start3A_24 = tpu.memref_slice %arg2[%dma_start3A_22, %dma_start3A_23] : memref<1024x128xf32, #tpu.memory_space<hbm>> -> memref<1024x128xf32, #tpu.memory_space<hbm>>
    tpu.enqueue_indirect_dma source(%dma_start3A_24 : memref<1024x128xf32, #tpu.memory_space<hbm>>) target(%dma_start3A_19 : memref<128x128xf32, #tpu.memory_space<vmem>>) offsets(%dma_start3A_21 : memref<128xi32, #tpu.memory_space<vmem>>) semaphore(%arg8 : memref<!tpu.dma_semaphore, #tpu.memory_space<semaphore_mem>>)
    %dma_wait3A_25 = arith.constant 128 : i32
    %dma_wait3A_26 = arith.constant 0 : i32
    %dma_wait3A_27 = tpu.memref_slice %arg6[%dma_wait3A_25, %dma_wait3A_26] : memref<512x128xf32, #tpu.memory_space<vmem>> -> memref<128x128xf32, #tpu.memory_space<vmem>>
    %dma_wait3A_28 = arith.constant 128 : i32
    %dma_wait3A_29 = tpu.memref_slice %arg5[%dma_wait3A_28] : memref<512xi32, #tpu.memory_space<vmem>> -> memref<128xi32, #tpu.memory_space<vmem>>
    %dma_wait3A_30 = arith.constant 0 : i32
    %dma_wait3A_31 = arith.constant 0 : i32
    %dma_wait3A_32 = tpu.memref_slice %arg2[%dma_wait3A_30, %dma_wait3A_31] : memref<1024x128xf32, #tpu.memory_space<hbm>> -> memref<1024x128xf32, #tpu.memory_space<hbm>>
    tpu.wait_indirect_dma semaphore(%arg8 : memref<!tpu.dma_semaphore, #tpu.memory_space<semaphore_mem>>) src(%dma_wait3A_32 : memref<1024x128xf32, #tpu.memory_space<hbm>>) dst(%dma_wait3A_27 : memref<128x128xf32, #tpu.memory_space<vmem>>)
    %dma_start3A_33 = arith.constant 256 : i32
    %dma_start3A_34 = arith.constant 0 : i32
    %dma_start3A_35 = tpu.memref_slice %arg6[%dma_start3A_33, %dma_start3A_34] : memref<512x128xf32, #tpu.memory_space<vmem>> -> memref<128x128xf32, #tpu.memory_space<vmem>>
    %dma_start3A_36 = arith.constant 256 : i32
    %dma_start3A_37 = tpu.memref_slice %arg5[%dma_start3A_36] : memref<512xi32, #tpu.memory_space<vmem>> -> memref<128xi32, #tpu.memory_space<vmem>>
    %dma_start3A_38 = arith.constant 0 : i32
    %dma_start3A_39 = arith.constant 0 : i32
    %dma_start3A_40 = tpu.memref_slice %arg2[%dma_start3A_38, %dma_start3A_39] : memref<1024x128xf32, #tpu.memory_space<hbm>> -> memref<1024x128xf32, #tpu.memory_space<hbm>>
    tpu.enqueue_indirect_dma source(%dma_start3A_40 : memref<1024x128xf32, #tpu.memory_space<hbm>>) target(%dma_start3A_35 : memref<128x128xf32, #tpu.memory_space<vmem>>) offsets(%dma_start3A_37 : memref<128xi32, #tpu.memory_space<vmem>>) semaphore(%arg8 : memref<!tpu.dma_semaphore, #tpu.memory_space<semaphore_mem>>)
    %dma_wait3A_41 = arith.constant 256 : i32
    %dma_wait3A_42 = arith.constant 0 : i32
    %dma_wait3A_43 = tpu.memref_slice %arg6[%dma_wait3A_41, %dma_wait3A_42] : memref<512x128xf32, #tpu.memory_space<vmem>> -> memref<128x128xf32, #tpu.memory_space<vmem>>
    %dma_wait3A_44 = arith.constant 256 : i32
    %dma_wait3A_45 = tpu.memref_slice %arg5[%dma_wait3A_44] : memref<512xi32, #tpu.memory_space<vmem>> -> memref<128xi32, #tpu.memory_space<vmem>>
    %dma_wait3A_46 = arith.constant 0 : i32
    %dma_wait3A_47 = arith.constant 0 : i32
    %dma_wait3A_48 = tpu.memref_slice %arg2[%dma_wait3A_46, %dma_wait3A_47] : memref<1024x128xf32, #tpu.memory_space<hbm>> -> memref<1024x128xf32, #tpu.memory_space<hbm>>
    tpu.wait_indirect_dma semaphore(%arg8 : memref<!tpu.dma_semaphore, #tpu.memory_space<semaphore_mem>>) src(%dma_wait3A_48 : memref<1024x128xf32, #tpu.memory_space<hbm>>) dst(%dma_wait3A_43 : memref<128x128xf32, #tpu.memory_space<vmem>>)
    %dma_start3A_49 = arith.constant 384 : i32
    %dma_start3A_50 = arith.constant 0 : i32
    %dma_start3A_51 = tpu.memref_slice %arg6[%dma_start3A_49, %dma_start3A_50] : memref<512x128xf32, #tpu.memory_space<vmem>> -> memref<128x128xf32, #tpu.memory_space<vmem>>
    %dma_start3A_52 = arith.constant 384 : i32
    %dma_start3A_53 = tpu.memref_slice %arg5[%dma_start3A_52] : memref<512xi32, #tpu.memory_space<vmem>> -> memref<128xi32, #tpu.memory_space<vmem>>
    %dma_start3A_54 = arith.constant 0 : i32
    %dma_start3A_55 = arith.constant 0 : i32
    %dma_start3A_56 = tpu.memref_slice %arg2[%dma_start3A_54, %dma_start3A_55] : memref<1024x128xf32, #tpu.memory_space<hbm>> -> memref<1024x128xf32, #tpu.memory_space<hbm>>
    tpu.enqueue_indirect_dma source(%dma_start3A_56 : memref<1024x128xf32, #tpu.memory_space<hbm>>) target(%dma_start3A_51 : memref<128x128xf32, #tpu.memory_space<vmem>>) offsets(%dma_start3A_53 : memref<128xi32, #tpu.memory_space<vmem>>) semaphore(%arg8 : memref<!tpu.dma_semaphore, #tpu.memory_space<semaphore_mem>>)
    %dma_wait3A_57 = arith.constant 384 : i32
    %dma_wait3A_58 = arith.constant 0 : i32
    %dma_wait3A_59 = tpu.memref_slice %arg6[%dma_wait3A_57, %dma_wait3A_58] : memref<512x128xf32, #tpu.memory_space<vmem>> -> memref<128x128xf32, #tpu.memory_space<vmem>>
    %dma_wait3A_60 = arith.constant 384 : i32
    %dma_wait3A_61 = tpu.memref_slice %arg5[%dma_wait3A_60] : memref<512xi32, #tpu.memory_space<vmem>> -> memref<128xi32, #tpu.memory_space<vmem>>
    %dma_wait3A_62 = arith.constant 0 : i32
    %dma_wait3A_63 = arith.constant 0 : i32
    %dma_wait3A_64 = tpu.memref_slice %arg2[%dma_wait3A_62, %dma_wait3A_63] : memref<1024x128xf32, #tpu.memory_space<hbm>> -> memref<1024x128xf32, #tpu.memory_space<hbm>>
    tpu.wait_indirect_dma semaphore(%arg8 : memref<!tpu.dma_semaphore, #tpu.memory_space<semaphore_mem>>) src(%dma_wait3A_64 : memref<1024x128xf32, #tpu.memory_space<hbm>>) dst(%dma_wait3A_59 : memref<128x128xf32, #tpu.memory_space<vmem>>)
    %scan3A = arith.constant 0 : i32
    %scan3A_65 = arith.constant 0 : i32
    %scan3A_66 = arith.constant 32 : i32
    %scan3A_67 = arith.addi %scan3A_65, %scan3A_66 : i32
    %scan3A_68 = arith.constant 1 : i32
    scf.for %scan3A_72 = %scan3A_65 to %scan3A_67 step %scan3A_68  : i32 {
      %mul3A_73 = arith.constant 16 : i32
      %mul3A_74 = arith.muli %scan3A_72, %mul3A_73 : i32
      %add3A_75 = arith.constant 0 : i32
      %add3A_76 = arith.addi %mul3A_74, %add3A_75 : i32
      %get3A = arith.index_cast %add3A_76 : i32 to index
      %get3A_77 = arith.constant 0 : index
      %get3A_78 = tpu.vector_load %arg6[%get3A, %get3A_77] {strides = array<i32>} : memref<512x128xf32, #tpu.memory_space<vmem>>, vector<1x16xf32>,
      %get3A_79 = vector.shape_cast %get3A_78 : vector<1x16xf32> to vector<16xf32>
      %add3A_80 = arith.constant 1 : i32
      %add3A_81 = arith.addi %mul3A_74, %add3A_80 : i32
      %get3A_82 = arith.index_cast %add3A_81 : i32 to index
      %get3A_83 = arith.constant 0 : index
      %get3A_84 = tpu.vector_load %arg6[%get3A_82, %get3A_83] {strides = array<i32>} : memref<512x128xf32, #tpu.memory_space<vmem>>, vector<1x16xf32>,
      %get3A_85 = vector.shape_cast %get3A_84 : vector<1x16xf32> to vector<16xf32>
      %add3A_86 = arith.addf %get3A_79, %get3A_85 : vector<16xf32>
      %add3A_87 = arith.constant 2 : i32
      %add3A_88 = arith.addi %mul3A_74, %add3A_87 : i32
      %get3A_89 = arith.index_cast %add3A_88 : i32 to index
      %get3A_90 = arith.constant 0 : index
      %get3A_91 = tpu.vector_load %arg6[%get3A_89, %get3A_90] {strides = array<i32>} : memref<512x128xf32, #tpu.memory_space<vmem>>, vector<1x16xf32>,
      %get3A_92 = vector.shape_cast %get3A_91 : vector<1x16xf32> to vector<16xf32>
      %add3A_93 = arith.constant 3 : i32
      %add3A_94 = arith.addi %mul3A_74, %add3A_93 : i32
      %get3A_95 = arith.index_cast %add3A_94 : i32 to index
      %get3A_96 = arith.constant 0 : index
      %get3A_97 = tpu.vector_load %arg6[%get3A_95, %get3A_96] {strides = array<i32>} : memref<512x128xf32, #tpu.memory_space<vmem>>, vector<1x16xf32>,
      %get3A_98 = vector.shape_cast %get3A_97 : vector<1x16xf32> to vector<16xf32>
      %add3A_99 = arith.addf %get3A_92, %get3A_98 : vector<16xf32>
      %add3A_100 = arith.constant 4 : i32
      %add3A_101 = arith.addi %mul3A_74, %add3A_100 : i32
      %get3A_102 = arith.index_cast %add3A_101 : i32 to index
      %get3A_103 = arith.constant 0 : index
      %get3A_104 = tpu.vector_load %arg6[%get3A_102, %get3A_103] {strides = array<i32>} : memref<512x128xf32, #tpu.memory_space<vmem>>, vector<1x16xf32>,
      %get3A_105 = vector.shape_cast %get3A_104 : vector<1x16xf32> to vector<16xf32>
      %add3A_106 = arith.constant 4 : i32
      %add3A_107 = arith.addi %mul3A_74, %add3A_106 : i32
      %add3A_108 = arith.constant 1 : i32
      %add3A_109 = arith.addi %add3A_107, %add3A_108 : i32
      %get3A_110 = arith.index_cast %add3A_109 : i32 to index
      %get3A_111 = arith.constant 0 : index
      %get3A_112 = tpu.vector_load %arg6[%get3A_110, %get3A_111] {strides = array<i32>} : memref<512x128xf32, #tpu.memory_space<vmem>>, vector<1x16xf32>,
      %get3A_113 = vector.shape_cast %get3A_112 : vector<1x16xf32> to vector<16xf32>
      %add3A_114 = arith.addf %get3A_105, %get3A_113 : vector<16xf32>
      %add3A_115 = arith.addf %add3A_86, %add3A_114 : vector<16xf32>
      %add3A_116 = arith.constant 4 : i32
      %add3A_117 = arith.addi %mul3A_74, %add3A_116 : i32
      %add3A_118 = arith.constant 2 : i32
      %add3A_119 = arith.addi %add3A_117, %add3A_118 : i32
      %get3A_120 = arith.index_cast %add3A_119 : i32 to index
      %get3A_121 = arith.constant 0 : index
      %get3A_122 = tpu.vector_load %arg6[%get3A_120, %get3A_121] {strides = array<i32>} : memref<512x128xf32, #tpu.memory_space<vmem>>, vector<1x16xf32>,
      %get3A_123 = vector.shape_cast %get3A_122 : vector<1x16xf32> to vector<16xf32>
      %add3A_124 = arith.constant 4 : i32
      %add3A_125 = arith.addi %mul3A_74, %add3A_124 : i32
      %add3A_126 = arith.constant 3 : i32
      %add3A_127 = arith.addi %add3A_125, %add3A_126 : i32
      %get3A_128 = arith.index_cast %add3A_127 : i32 to index
      %get3A_129 = arith.constant 0 : index
      %get3A_130 = tpu.vector_load %arg6[%get3A_128, %get3A_129] {strides = array<i32>} : memref<512x128xf32, #tpu.memory_space<vmem>>, vector<1x16xf32>,
      %get3A_131 = vector.shape_cast %get3A_130 : vector<1x16xf32> to vector<16xf32>
      %add3A_132 = arith.addf %get3A_123, %get3A_131 : vector<16xf32>
      %add3A_133 = arith.addf %add3A_99, %add3A_132 : vector<16xf32>
      %add3A_134 = arith.constant 8 : i32
      %add3A_135 = arith.addi %mul3A_74, %add3A_134 : i32
      %get3A_136 = arith.index_cast %add3A_135 : i32 to index
      %get3A_137 = arith.constant 0 : index
      %get3A_138 = tpu.vector_load %arg6[%get3A_136, %get3A_137] {strides = array<i32>} : memref<512x128xf32, #tpu.memory_space<vmem>>, vector<1x16xf32>,
      %get3A_139 = vector.shape_cast %get3A_138 : vector<1x16xf32> to vector<16xf32>
      %add3A_140 = arith.constant 8 : i32
      %add3A_141 = arith.addi %mul3A_74, %add3A_140 : i32
      %add3A_142 = arith.constant 1 : i32
      %add3A_143 = arith.addi %add3A_141, %add3A_142 : i32
      %get3A_144 = arith.index_cast %add3A_143 : i32 to index
      %get3A_145 = arith.constant 0 : index
      %get3A_146 = tpu.vector_load %arg6[%get3A_144, %get3A_145] {strides = array<i32>} : memref<512x128xf32, #tpu.memory_space<vmem>>, vector<1x16xf32>,
      %get3A_147 = vector.shape_cast %get3A_146 : vector<1x16xf32> to vector<16xf32>
      %add3A_148 = arith.addf %get3A_139, %get3A_147 : vector<16xf32>
      %add3A_149 = arith.addf %add3A_115, %add3A_148 : vector<16xf32>
      %add3A_150 = arith.constant 8 : i32
      %add3A_151 = arith.addi %mul3A_74, %add3A_150 : i32
      %add3A_152 = arith.constant 2 : i32
      %add3A_153 = arith.addi %add3A_151, %add3A_152 : i32
      %get3A_154 = arith.index_cast %add3A_153 : i32 to index
      %get3A_155 = arith.constant 0 : index
      %get3A_156 = tpu.vector_load %arg6[%get3A_154, %get3A_155] {strides = array<i32>} : memref<512x128xf32, #tpu.memory_space<vmem>>, vector<1x16xf32>,
      %get3A_157 = vector.shape_cast %get3A_156 : vector<1x16xf32> to vector<16xf32>
      %add3A_158 = arith.constant 8 : i32
      %add3A_159 = arith.addi %mul3A_74, %add3A_158 : i32
      %add3A_160 = arith.constant 3 : i32
      %add3A_161 = arith.addi %add3A_159, %add3A_160 : i32
      %get3A_162 = arith.index_cast %add3A_161 : i32 to index
      %get3A_163 = arith.constant 0 : index
      %get3A_164 = tpu.vector_load %arg6[%get3A_162, %get3A_163] {strides = array<i32>} : memref<512x128xf32, #tpu.memory_space<vmem>>, vector<1x16xf32>,
      %get3A_165 = vector.shape_cast %get3A_164 : vector<1x16xf32> to vector<16xf32>
      %add3A_166 = arith.addf %get3A_157, %get3A_165 : vector<16xf32>
      %add3A_167 = arith.addf %add3A_133, %add3A_166 : vector<16xf32>
      %add3A_168 = arith.constant 12 : i32
      %add3A_169 = arith.addi %mul3A_74, %add3A_168 : i32
      %get3A_170 = arith.index_cast %add3A_169 : i32 to index
      %get3A_171 = arith.constant 0 : index
      %get3A_172 = tpu.vector_load %arg6[%get3A_170, %get3A_171] {strides = array<i32>} : memref<512x128xf32, #tpu.memory_space<vmem>>, vector<1x16xf32>,
      %get3A_173 = vector.shape_cast %get3A_172 : vector<1x16xf32> to vector<16xf32>
      %add3A_174 = arith.constant 12 : i32
      %add3A_175 = arith.addi %mul3A_74, %add3A_174 : i32
      %add3A_176 = arith.constant 1 : i32
      %add3A_177 = arith.addi %add3A_175, %add3A_176 : i32
      %get3A_178 = arith.index_cast %add3A_177 : i32 to index
      %get3A_179 = arith.constant 0 : index
      %get3A_180 = tpu.vector_load %arg6[%get3A_178, %get3A_179] {strides = array<i32>} : memref<512x128xf32, #tpu.memory_space<vmem>>, vector<1x16xf32>,
      %get3A_181 = vector.shape_cast %get3A_180 : vector<1x16xf32> to vector<16xf32>
      %add3A_182 = arith.addf %get3A_173, %get3A_181 : vector<16xf32>
      %add3A_183 = arith.addf %add3A_149, %add3A_182 : vector<16xf32>
      %add3A_184 = arith.constant 12 : i32
      %add3A_185 = arith.addi %mul3A_74, %add3A_184 : i32
      %add3A_186 = arith.constant 2 : i32
      %add3A_187 = arith.addi %add3A_185, %add3A_186 : i32
      %get3A_188 = arith.index_cast %add3A_187 : i32 to index
      %get3A_189 = arith.constant 0 : index
      %get3A_190 = tpu.vector_load %arg6[%get3A_188, %get3A_189] {strides = array<i32>} : memref<512x128xf32, #tpu.memory_space<vmem>>, vector<1x16xf32>,
      %get3A_191 = vector.shape_cast %get3A_190 : vector<1x16xf32> to vector<16xf32>
      %add3A_192 = arith.constant 12 : i32
      %add3A_193 = arith.addi %mul3A_74, %add3A_192 : i32
      %add3A_194 = arith.constant 3 : i32
      %add3A_195 = arith.addi %add3A_193, %add3A_194 : i32
      %get3A_196 = arith.index_cast %add3A_195 : i32 to index
      %get3A_197 = arith.constant 0 : index
      %get3A_198 = tpu.vector_load %arg6[%get3A_196, %get3A_197] {strides = array<i32>} : memref<512x128xf32, #tpu.memory_space<vmem>>, vector<1x16xf32>,
      %get3A_199 = vector.shape_cast %get3A_198 : vector<1x16xf32> to vector<16xf32>
      %add3A_200 = arith.addf %get3A_191, %get3A_199 : vector<16xf32>
      %add3A_201 = arith.addf %add3A_167, %add3A_200 : vector<16xf32>
      %add3A_202 = arith.addf %add3A_183, %add3A_201 : vector<16xf32>
      %mul3A_203 = arith.constant 6.250000e-02 : f32
      %mul3A_204 = vector.broadcast %mul3A_203 : f32 to vector<16xf32>
      %mul3A_205 = arith.mulf %add3A_202, %mul3A_204 : vector<16xf32>
      %swap3A = arith.index_cast %scan3A_72 : i32 to index
      %swap3A_206 = arith.constant 0 : index
      %swap3A_207 = tpu.vector_load %arg7[%swap3A, %swap3A_206] {strides = array<i32>} : memref<32x128xf32, #tpu.memory_space<vmem>>, vector<1x16xf32>,
      %swap3A_208 = vector.shape_cast %swap3A_207 : vector<1x16xf32> to vector<16xf32>
      %swap3A_209 = vector.shape_cast %mul3A_205 : vector<16xf32> to vector<1x16xf32>
      tpu.vector_store %arg7[%swap3A, %swap3A_206], %swap3A_209 {strides = array<i32>} : memref<32x128xf32, #tpu.memory_space<vmem>>, vector<1x16xf32>,
      %add3A_210 = arith.constant 0 : i32
      %add3A_211 = arith.addi %mul3A_74, %add3A_210 : i32
      %get3A_212 = arith.index_cast %add3A_211 : i32 to index
      %get3A_213 = arith.constant 16 : index
      %get3A_214 = tpu.vector_load %arg6[%get3A_212, %get3A_213] {strides = array<i32>} : memref<512x128xf32, #tpu.memory_space<vmem>>, vector<1x16xf32>,
      %get3A_215 = vector.shape_cast %get3A_214 : vector<1x16xf32> to vector<16xf32>
      %add3A_216 = arith.constant 1 : i32
      %add3A_217 = arith.addi %mul3A_74, %add3A_216 : i32
      %get3A_218 = arith.index_cast %add3A_217 : i32 to index
      %get3A_219 = arith.constant 16 : index
      %get3A_220 = tpu.vector_load %arg6[%get3A_218, %get3A_219] {strides = array<i32>} : memref<512x128xf32, #tpu.memory_space<vmem>>, vector<1x16xf32>,
      %get3A_221 = vector.shape_cast %get3A_220 : vector<1x16xf32> to vector<16xf32>
      %add3A_222 = arith.addf %get3A_215, %get3A_221 : vector<16xf32>
      %add3A_223 = arith.constant 2 : i32
      %add3A_224 = arith.addi %mul3A_74, %add3A_223 : i32
      %get3A_225 = arith.index_cast %add3A_224 : i32 to index
      %get3A_226 = arith.constant 16 : index
      %get3A_227 = tpu.vector_load %arg6[%get3A_225, %get3A_226] {strides = array<i32>} : memref<512x128xf32, #tpu.memory_space<vmem>>, vector<1x16xf32>,
      %get3A_228 = vector.shape_cast %get3A_227 : vector<1x16xf32> to vector<16xf32>
      %add3A_229 = arith.constant 3 : i32
      %add3A_230 = arith.addi %mul3A_74, %add3A_229 : i32
      %get3A_231 = arith.index_cast %add3A_230 : i32 to index
      %get3A_232 = arith.constant 16 : index
      %get3A_233 = tpu.vector_load %arg6[%get3A_231, %get3A_232] {strides = array<i32>} : memref<512x128xf32, #tpu.memory_space<vmem>>, vector<1x16xf32>,
      %get3A_234 = vector.shape_cast %get3A_233 : vector<1x16xf32> to vector<16xf32>
      %add3A_235 = arith.addf %get3A_228, %get3A_234 : vector<16xf32>
      %add3A_236 = arith.constant 4 : i32
      %add3A_237 = arith.addi %mul3A_74, %add3A_236 : i32
      %get3A_238 = arith.index_cast %add3A_237 : i32 to index
      %get3A_239 = arith.constant 16 : index
      %get3A_240 = tpu.vector_load %arg6[%get3A_238, %get3A_239] {strides = array<i32>} : memref<512x128xf32, #tpu.memory_space<vmem>>, vector<1x16xf32>,
      %get3A_241 = vector.shape_cast %get3A_240 : vector<1x16xf32> to vector<16xf32>
      %add3A_242 = arith.constant 4 : i32
      %add3A_243 = arith.addi %mul3A_74, %add3A_242 : i32
      %add3A_244 = arith.constant 1 : i32
      %add3A_245 = arith.addi %add3A_243, %add3A_244 : i32
      %get3A_246 = arith.index_cast %add3A_245 : i32 to index
      %get3A_247 = arith.constant 16 : index
      %get3A_248 = tpu.vector_load %arg6[%get3A_246, %get3A_247] {strides = array<i32>} : memref<512x128xf32, #tpu.memory_space<vmem>>, vector<1x16xf32>,
      %get3A_249 = vector.shape_cast %get3A_248 : vector<1x16xf32> to vector<16xf32>
      %add3A_250 = arith.addf %get3A_241, %get3A_249 : vector<16xf32>
      %add3A_251 = arith.addf %add3A_222, %add3A_250 : vector<16xf32>
      %add3A_252 = arith.constant 4 : i32
      %add3A_253 = arith.addi %mul3A_74, %add3A_252 : i32
      %add3A_254 = arith.constant 2 : i32
      %add3A_255 = arith.addi %add3A_253, %add3A_254 : i32
      %get3A_256 = arith.index_cast %add3A_255 : i32 to index
      %get3A_257 = arith.constant 16 : index
      %get3A_258 = tpu.vector_load %arg6[%get3A_256, %get3A_257] {strides = array<i32>} : memref<512x128xf32, #tpu.memory_space<vmem>>, vector<1x16xf32>,
      %get3A_259 = vector.shape_cast %get3A_258 : vector<1x16xf32> to vector<16xf32>
      %add3A_260 = arith.constant 4 : i32
      %add3A_261 = arith.addi %mul3A_74, %add3A_260 : i32
      %add3A_262 = arith.constant 3 : i32
      %add3A_263 = arith.addi %add3A_261, %add3A_262 : i32
      %get3A_264 = arith.index_cast %add3A_263 : i32 to index
      %get3A_265 = arith.constant 16 : index
      %get3A_266 = tpu.vector_load %arg6[%get3A_264, %get3A_265] {strides = array<i32>} : memref<512x128xf32, #tpu.memory_space<vmem>>, vector<1x16xf32>,
      %get3A_267 = vector.shape_cast %get3A_266 : vector<1x16xf32> to vector<16xf32>
      %add3A_268 = arith.addf %get3A_259, %get3A_267 : vector<16xf32>
      %add3A_269 = arith.addf %add3A_235, %add3A_268 : vector<16xf32>
      %add3A_270 = arith.constant 8 : i32
      %add3A_271 = arith.addi %mul3A_74, %add3A_270 : i32
      %get3A_272 = arith.index_cast %add3A_271 : i32 to index
      %get3A_273 = arith.constant 16 : index
      %get3A_274 = tpu.vector_load %arg6[%get3A_272, %get3A_273] {strides = array<i32>} : memref<512x128xf32, #tpu.memory_space<vmem>>, vector<1x16xf32>,
      %get3A_275 = vector.shape_cast %get3A_274 : vector<1x16xf32> to vector<16xf32>
      %add3A_276 = arith.constant 8 : i32
      %add3A_277 = arith.addi %mul3A_74, %add3A_276 : i32
      %add3A_278 = arith.constant 1 : i32
      %add3A_279 = arith.addi %add3A_277, %add3A_278 : i32
      %get3A_280 = arith.index_cast %add3A_279 : i32 to index
      %get3A_281 = arith.constant 16 : index
      %get3A_282 = tpu.vector_load %arg6[%get3A_280, %get3A_281] {strides = array<i32>} : memref<512x128xf32, #tpu.memory_space<vmem>>, vector<1x16xf32>,
      %get3A_283 = vector.shape_cast %get3A_282 : vector<1x16xf32> to vector<16xf32>
      %add3A_284 = arith.addf %get3A_275, %get3A_283 : vector<16xf32>
      %add3A_285 = arith.addf %add3A_251, %add3A_284 : vector<16xf32>
      %add3A_286 = arith.constant 8 : i32
      %add3A_287 = arith.addi %mul3A_74, %add3A_286 : i32
      %add3A_288 = arith.constant 2 : i32
      %add3A_289 = arith.addi %add3A_287, %add3A_288 : i32
      %get3A_290 = arith.index_cast %add3A_289 : i32 to index
      %get3A_291 = arith.constant 16 : index
      %get3A_292 = tpu.vector_load %arg6[%get3A_290, %get3A_291] {strides = array<i32>} : memref<512x128xf32, #tpu.memory_space<vmem>>, vector<1x16xf32>,
      %get3A_293 = vector.shape_cast %get3A_292 : vector<1x16xf32> to vector<16xf32>
      %add3A_294 = arith.constant 8 : i32
      %add3A_295 = arith.addi %mul3A_74, %add3A_294 : i32
      %add3A_296 = arith.constant 3 : i32
      %add3A_297 = arith.addi %add3A_295, %add3A_296 : i32
      %get3A_298 = arith.index_cast %add3A_297 : i32 to index
      %get3A_299 = arith.constant 16 : index
      %get3A_300 = tpu.vector_load %arg6[%get3A_298, %get3A_299] {strides = array<i32>} : memref<512x128xf32, #tpu.memory_space<vmem>>, vector<1x16xf32>,
      %get3A_301 = vector.shape_cast %get3A_300 : vector<1x16xf32> to vector<16xf32>
      %add3A_302 = arith.addf %get3A_293, %get3A_301 : vector<16xf32>
      %add3A_303 = arith.addf %add3A_269, %add3A_302 : vector<16xf32>
      %add3A_304 = arith.constant 12 : i32
      %add3A_305 = arith.addi %mul3A_74, %add3A_304 : i32
      %get3A_306 = arith.index_cast %add3A_305 : i32 to index
      %get3A_307 = arith.constant 16 : index
      %get3A_308 = tpu.vector_load %arg6[%get3A_306, %get3A_307] {strides = array<i32>} : memref<512x128xf32, #tpu.memory_space<vmem>>, vector<1x16xf32>,
      %get3A_309 = vector.shape_cast %get3A_308 : vector<1x16xf32> to vector<16xf32>
      %add3A_310 = arith.constant 12 : i32
      %add3A_311 = arith.addi %mul3A_74, %add3A_310 : i32
      %add3A_312 = arith.constant 1 : i32
      %add3A_313 = arith.addi %add3A_311, %add3A_312 : i32
      %get3A_314 = arith.index_cast %add3A_313 : i32 to index
      %get3A_315 = arith.constant 16 : index
      %get3A_316 = tpu.vector_load %arg6[%get3A_314, %get3A_315] {strides = array<i32>} : memref<512x128xf32, #tpu.memory_space<vmem>>, vector<1x16xf32>,
      %get3A_317 = vector.shape_cast %get3A_316 : vector<1x16xf32> to vector<16xf32>
      %add3A_318 = arith.addf %get3A_309, %get3A_317 : vector<16xf32>
      %add3A_319 = arith.addf %add3A_285, %add3A_318 : vector<16xf32>
      %add3A_320 = arith.constant 12 : i32
      %add3A_321 = arith.addi %mul3A_74, %add3A_320 : i32
      %add3A_322 = arith.constant 2 : i32
      %add3A_323 = arith.addi %add3A_321, %add3A_322 : i32
      %get3A_324 = arith.index_cast %add3A_323 : i32 to index
      %get3A_325 = arith.constant 16 : index
      %get3A_326 = tpu.vector_load %arg6[%get3A_324, %get3A_325] {strides = array<i32>} : memref<512x128xf32, #tpu.memory_space<vmem>>, vector<1x16xf32>,
      %get3A_327 = vector.shape_cast %get3A_326 : vector<1x16xf32> to vector<16xf32>
      %add3A_328 = arith.constant 12 : i32
      %add3A_329 = arith.addi %mul3A_74, %add3A_328 : i32
      %add3A_330 = arith.constant 3 : i32
      %add3A_331 = arith.addi %add3A_329, %add3A_330 : i32
      %get3A_332 = arith.index_cast %add3A_331 : i32 to index
      %get3A_333 = arith.constant 16 : index
      %get3A_334 = tpu.vector_load %arg6[%get3A_332, %get3A_333] {strides = array<i32>} : memref<512x128xf32, #tpu.memory_space<vmem>>, vector<1x16xf32>,
      %get3A_335 = vector.shape_cast %get3A_334 : vector<1x16xf32> to vector<16xf32>
      %add3A_336 = arith.addf %get3A_327, %get3A_335 : vector<16xf32>
      %add3A_337 = arith.addf %add3A_303, %add3A_336 : vector<16xf32>
      %add3A_338 = arith.addf %add3A_319, %add3A_337 : vector<16xf32>
      %mul3A_339 = arith.constant 6.250000e-02 : f32
      %mul3A_340 = vector.broadcast %mul3A_339 : f32 to vector<16xf32>
      %mul3A_341 = arith.mulf %add3A_338, %mul3A_340 : vector<16xf32>
      %swap3A_342 = arith.index_cast %scan3A_72 : i32 to index
      %swap3A_343 = arith.constant 16 : index
      %swap3A_344 = tpu.vector_load %arg7[%swap3A_342, %swap3A_343] {strides = array<i32>} : memref<32x128xf32, #tpu.memory_space<vmem>>, vector<1x16xf32>,
      %swap3A_345 = vector.shape_cast %swap3A_344 : vector<1x16xf32> to vector<16xf32>
      %swap3A_346 = vector.shape_cast %mul3A_341 : vector<16xf32> to vector<1x16xf32>
      tpu.vector_store %arg7[%swap3A_342, %swap3A_343], %swap3A_346 {strides = array<i32>} : memref<32x128xf32, #tpu.memory_space<vmem>>, vector<1x16xf32>,
      %add3A_347 = arith.constant 0 : i32
      %add3A_348 = arith.addi %mul3A_74, %add3A_347 : i32
      %get3A_349 = arith.index_cast %add3A_348 : i32 to index
      %get3A_350 = arith.constant 32 : index
      %get3A_351 = tpu.vector_load %arg6[%get3A_349, %get3A_350] {strides = array<i32>} : memref<512x128xf32, #tpu.memory_space<vmem>>, vector<1x16xf32>,
      %get3A_352 = vector.shape_cast %get3A_351 : vector<1x16xf32> to vector<16xf32>
      %add3A_353 = arith.constant 1 : i32
      %add3A_354 = arith.addi %mul3A_74, %add3A_353 : i32
      %get3A_355 = arith.index_cast %add3A_354 : i32 to index
      %get3A_356 = arith.constant 32 : index
      %get3A_357 = tpu.vector_load %arg6[%get3A_355, %get3A_356] {strides = array<i32>} : memref<512x128xf32, #tpu.memory_space<vmem>>, vector<1x16xf32>,
      %get3A_358 = vector.shape_cast %get3A_357 : vector<1x16xf32> to vector<16xf32>
      %add3A_359 = arith.addf %get3A_352, %get3A_358 : vector<16xf32>
      %add3A_360 = arith.constant 2 : i32
      %add3A_361 = arith.addi %mul3A_74, %add3A_360 : i32
      %get3A_362 = arith.index_cast %add3A_361 : i32 to index
      %get3A_363 = arith.constant 32 : index
      %get3A_364 = tpu.vector_load %arg6[%get3A_362, %get3A_363] {strides = array<i32>} : memref<512x128xf32, #tpu.memory_space<vmem>>, vector<1x16xf32>,
      %get3A_365 = vector.shape_cast %get3A_364 : vector<1x16xf32> to vector<16xf32>
      %add3A_366 = arith.constant 3 : i32
      %add3A_367 = arith.addi %mul3A_74, %add3A_366 : i32
      %get3A_368 = arith.index_cast %add3A_367 : i32 to index
      %get3A_369 = arith.constant 32 : index
      %get3A_370 = tpu.vector_load %arg6[%get3A_368, %get3A_369] {strides = array<i32>} : memref<512x128xf32, #tpu.memory_space<vmem>>, vector<1x16xf32>,
      %get3A_371 = vector.shape_cast %get3A_370 : vector<1x16xf32> to vector<16xf32>
      %add3A_372 = arith.addf %get3A_365, %get3A_371 : vector<16xf32>
      %add3A_373 = arith.constant 4 : i32
      %add3A_374 = arith.addi %mul3A_74, %add3A_373 : i32
      %get3A_375 = arith.index_cast %add3A_374 : i32 to index
      %get3A_376 = arith.constant 32 : index
      %get3A_377 = tpu.vector_load %arg6[%get3A_375, %get3A_376] {strides = array<i32>} : memref<512x128xf32, #tpu.memory_space<vmem>>, vector<1x16xf32>,
      %get3A_378 = vector.shape_cast %get3A_377 : vector<1x16xf32> to vector<16xf32>
      %add3A_379 = arith.constant 4 : i32
      %add3A_380 = arith.addi %mul3A_74, %add3A_379 : i32
      %add3A_381 = arith.constant 1 : i32
      %add3A_382 = arith.addi %add3A_380, %add3A_381 : i32
      %get3A_383 = arith.index_cast %add3A_382 : i32 to index
      %get3A_384 = arith.constant 32 : index
      %get3A_385 = tpu.vector_load %arg6[%get3A_383, %get3A_384] {strides = array<i32>} : memref<512x128xf32, #tpu.memory_space<vmem>>, vector<1x16xf32>,
      %get3A_386 = vector.shape_cast %get3A_385 : vector<1x16xf32> to vector<16xf32>
      %add3A_387 = arith.addf %get3A_378, %get3A_386 : vector<16xf32>
      %add3A_388 = arith.addf %add3A_359, %add3A_387 : vector<16xf32>
      %add3A_389 = arith.constant 4 : i32
      %add3A_390 = arith.addi %mul3A_74, %add3A_389 : i32
      %add3A_391 = arith.constant 2 : i32
      %add3A_392 = arith.addi %add3A_390, %add3A_391 : i32
      %get3A_393 = arith.index_cast %add3A_392 : i32 to index
      %get3A_394 = arith.constant 32 : index
      %get3A_395 = tpu.vector_load %arg6[%get3A_393, %get3A_394] {strides = array<i32>} : memref<512x128xf32, #tpu.memory_space<vmem>>, vector<1x16xf32>,
      %get3A_396 = vector.shape_cast %get3A_395 : vector<1x16xf32> to vector<16xf32>
      %add3A_397 = arith.constant 4 : i32
      %add3A_398 = arith.addi %mul3A_74, %add3A_397 : i32
      %add3A_399 = arith.constant 3 : i32
      %add3A_400 = arith.addi %add3A_398, %add3A_399 : i32
      %get3A_401 = arith.index_cast %add3A_400 : i32 to index
      %get3A_402 = arith.constant 32 : index
      %get3A_403 = tpu.vector_load %arg6[%get3A_401, %get3A_402] {strides = array<i32>} : memref<512x128xf32, #tpu.memory_space<vmem>>, vector<1x16xf32>,
      %get3A_404 = vector.shape_cast %get3A_403 : vector<1x16xf32> to vector<16xf32>
      %add3A_405 = arith.addf %get3A_396, %get3A_404 : vector<16xf32>
      %add3A_406 = arith.addf %add3A_372, %add3A_405 : vector<16xf32>
      %add3A_407 = arith.constant 8 : i32
      %add3A_408 = arith.addi %mul3A_74, %add3A_407 : i32
      %get3A_409 = arith.index_cast %add3A_408 : i32 to index
      %get3A_410 = arith.constant 32 : index
      %get3A_411 = tpu.vector_load %arg6[%get3A_409, %get3A_410] {strides = array<i32>} : memref<512x128xf32, #tpu.memory_space<vmem>>, vector<1x16xf32>,
      %get3A_412 = vector.shape_cast %get3A_411 : vector<1x16xf32> to vector<16xf32>
      %add3A_413 = arith.constant 8 : i32
      %add3A_414 = arith.addi %mul3A_74, %add3A_413 : i32
      %add3A_415 = arith.constant 1 : i32
      %add3A_416 = arith.addi %add3A_414, %add3A_415 : i32
      %get3A_417 = arith.index_cast %add3A_416 : i32 to index
      %get3A_418 = arith.constant 32 : index
      %get3A_419 = tpu.vector_load %arg6[%get3A_417, %get3A_418] {strides = array<i32>} : memref<512x128xf32, #tpu.memory_space<vmem>>, vector<1x16xf32>,
      %get3A_420 = vector.shape_cast %get3A_419 : vector<1x16xf32> to vector<16xf32>
      %add3A_421 = arith.addf %get3A_412, %get3A_420 : vector<16xf32>
      %add3A_422 = arith.addf %add3A_388, %add3A_421 : vector<16xf32>
      %add3A_423 = arith.constant 8 : i32
      %add3A_424 = arith.addi %mul3A_74, %add3A_423 : i32
      %add3A_425 = arith.constant 2 : i32
      %add3A_426 = arith.addi %add3A_424, %add3A_425 : i32
      %get3A_427 = arith.index_cast %add3A_426 : i32 to index
      %get3A_428 = arith.constant 32 : index
      %get3A_429 = tpu.vector_load %arg6[%get3A_427, %get3A_428] {strides = array<i32>} : memref<512x128xf32, #tpu.memory_space<vmem>>, vector<1x16xf32>,
      %get3A_430 = vector.shape_cast %get3A_429 : vector<1x16xf32> to vector<16xf32>
      %add3A_431 = arith.constant 8 : i32
      %add3A_432 = arith.addi %mul3A_74, %add3A_431 : i32
      %add3A_433 = arith.constant 3 : i32
      %add3A_434 = arith.addi %add3A_432, %add3A_433 : i32
      %get3A_435 = arith.index_cast %add3A_434 : i32 to index
      %get3A_436 = arith.constant 32 : index
      %get3A_437 = tpu.vector_load %arg6[%get3A_435, %get3A_436] {strides = array<i32>} : memref<512x128xf32, #tpu.memory_space<vmem>>, vector<1x16xf32>,
      %get3A_438 = vector.shape_cast %get3A_437 : vector<1x16xf32> to vector<16xf32>
      %add3A_439 = arith.addf %get3A_430, %get3A_438 : vector<16xf32>
      %add3A_440 = arith.addf %add3A_406, %add3A_439 : vector<16xf32>
      %add3A_441 = arith.constant 12 : i32
      %add3A_442 = arith.addi %mul3A_74, %add3A_441 : i32
      %get3A_443 = arith.index_cast %add3A_442 : i32 to index
      %get3A_444 = arith.constant 32 : index
      %get3A_445 = tpu.vector_load %arg6[%get3A_443, %get3A_444] {strides = array<i32>} : memref<512x128xf32, #tpu.memory_space<vmem>>, vector<1x16xf32>,
      %get3A_446 = vector.shape_cast %get3A_445 : vector<1x16xf32> to vector<16xf32>
      %add3A_447 = arith.constant 12 : i32
      %add3A_448 = arith.addi %mul3A_74, %add3A_447 : i32
      %add3A_449 = arith.constant 1 : i32
      %add3A_450 = arith.addi %add3A_448, %add3A_449 : i32
      %get3A_451 = arith.index_cast %add3A_450 : i32 to index
      %get3A_452 = arith.constant 32 : index
      %get3A_453 = tpu.vector_load %arg6[%get3A_451, %get3A_452] {strides = array<i32>} : memref<512x128xf32, #tpu.memory_space<vmem>>, vector<1x16xf32>,
      %get3A_454 = vector.shape_cast %get3A_453 : vector<1x16xf32> to vector<16xf32>
      %add3A_455 = arith.addf %get3A_446, %get3A_454 : vector<16xf32>
      %add3A_456 = arith.addf %add3A_422, %add3A_455 : vector<16xf32>
      %add3A_457 = arith.constant 12 : i32
      %add3A_458 = arith.addi %mul3A_74, %add3A_457 : i32
      %add3A_459 = arith.constant 2 : i32
      %add3A_460 = arith.addi %add3A_458, %add3A_459 : i32
      %get3A_461 = arith.index_cast %add3A_460 : i32 to index
      %get3A_462 = arith.constant 32 : index
      %get3A_463 = tpu.vector_load %arg6[%get3A_461, %get3A_462] {strides = array<i32>} : memref<512x128xf32, #tpu.memory_space<vmem>>, vector<1x16xf32>,
      %get3A_464 = vector.shape_cast %get3A_463 : vector<1x16xf32> to vector<16xf32>
      %add3A_465 = arith.constant 12 : i32
      %add3A_466 = arith.addi %mul3A_74, %add3A_465 : i32
      %add3A_467 = arith.constant 3 : i32
      %add3A_468 = arith.addi %add3A_466, %add3A_467 : i32
      %get3A_469 = arith.index_cast %add3A_468 : i32 to index
      %get3A_470 = arith.constant 32 : index
      %get3A_471 = tpu.vector_load %arg6[%get3A_469, %get3A_470] {strides = array<i32>} : memref<512x128xf32, #tpu.memory_space<vmem>>, vector<1x16xf32>,
      %get3A_472 = vector.shape_cast %get3A_471 : vector<1x16xf32> to vector<16xf32>
      %add3A_473 = arith.addf %get3A_464, %get3A_472 : vector<16xf32>
      %add3A_474 = arith.addf %add3A_440, %add3A_473 : vector<16xf32>
      %add3A_475 = arith.addf %add3A_456, %add3A_474 : vector<16xf32>
      %mul3A_476 = arith.constant 6.250000e-02 : f32
      %mul3A_477 = vector.broadcast %mul3A_476 : f32 to vector<16xf32>
      %mul3A_478 = arith.mulf %add3A_475, %mul3A_477 : vector<16xf32>
      %swap3A_479 = arith.index_cast %scan3A_72 : i32 to index
      %swap3A_480 = arith.constant 32 : index
      %swap3A_481 = tpu.vector_load %arg7[%swap3A_479, %swap3A_480] {strides = array<i32>} : memref<32x128xf32, #tpu.memory_space<vmem>>, vector<1x16xf32>,
      %swap3A_482 = vector.shape_cast %swap3A_481 : vector<1x16xf32> to vector<16xf32>
      %swap3A_483 = vector.shape_cast %mul3A_478 : vector<16xf32> to vector<1x16xf32>
      tpu.vector_store %arg7[%swap3A_479, %swap3A_480], %swap3A_483 {strides = array<i32>} : memref<32x128xf32, #tpu.memory_space<vmem>>, vector<1x16xf32>,
      %add3A_484 = arith.constant 0 : i32
      %add3A_485 = arith.addi %mul3A_74, %add3A_484 : i32
      %get3A_486 = arith.index_cast %add3A_485 : i32 to index
      %get3A_487 = arith.constant 48 : index
      %get3A_488 = tpu.vector_load %arg6[%get3A_486, %get3A_487] {strides = array<i32>} : memref<512x128xf32, #tpu.memory_space<vmem>>, vector<1x16xf32>,
      %get3A_489 = vector.shape_cast %get3A_488 : vector<1x16xf32> to vector<16xf32>
      %add3A_490 = arith.constant 1 : i32
      %add3A_491 = arith.addi %mul3A_74, %add3A_490 : i32
      %get3A_492 = arith.index_cast %add3A_491 : i32 to index
      %get3A_493 = arith.constant 48 : index
      %get3A_494 = tpu.vector_load %arg6[%get3A_492, %get3A_493] {strides = array<i32>} : memref<512x128xf32, #tpu.memory_space<vmem>>, vector<1x16xf32>,
      %get3A_495 = vector.shape_cast %get3A_494 : vector<1x16xf32> to vector<16xf32>
      %add3A_496 = arith.addf %get3A_489, %get3A_495 : vector<16xf32>
      %add3A_497 = arith.constant 2 : i32
      %add3A_498 = arith.addi %mul3A_74, %add3A_497 : i32
      %get3A_499 = arith.index_cast %add3A_498 : i32 to index
      %get3A_500 = arith.constant 48 : index
      %get3A_501 = tpu.vector_load %arg6[%get3A_499, %get3A_500] {strides = array<i32>} : memref<512x128xf32, #tpu.memory_space<vmem>>, vector<1x16xf32>,
      %get3A_502 = vector.shape_cast %get3A_501 : vector<1x16xf32> to vector<16xf32>
      %add3A_503 = arith.constant 3 : i32
      %add3A_504 = arith.addi %mul3A_74, %add3A_503 : i32
      %get3A_505 = arith.index_cast %add3A_504 : i32 to index
      %get3A_506 = arith.constant 48 : index
      %get3A_507 = tpu.vector_load %arg6[%get3A_505, %get3A_506] {strides = array<i32>} : memref<512x128xf32, #tpu.memory_space<vmem>>, vector<1x16xf32>,
      %get3A_508 = vector.shape_cast %get3A_507 : vector<1x16xf32> to vector<16xf32>
      %add3A_509 = arith.addf %get3A_502, %get3A_508 : vector<16xf32>
      %add3A_510 = arith.constant 4 : i32
      %add3A_511 = arith.addi %mul3A_74, %add3A_510 : i32
      %get3A_512 = arith.index_cast %add3A_511 : i32 to index
      %get3A_513 = arith.constant 48 : index
      %get3A_514 = tpu.vector_load %arg6[%get3A_512, %get3A_513] {strides = array<i32>} : memref<512x128xf32, #tpu.memory_space<vmem>>, vector<1x16xf32>,
      %get3A_515 = vector.shape_cast %get3A_514 : vector<1x16xf32> to vector<16xf32>
      %add3A_516 = arith.constant 4 : i32
      %add3A_517 = arith.addi %mul3A_74, %add3A_516 : i32
      %add3A_518 = arith.constant 1 : i32
      %add3A_519 = arith.addi %add3A_517, %add3A_518 : i32
      %get3A_520 = arith.index_cast %add3A_519 : i32 to index
      %get3A_521 = arith.constant 48 : index
      %get3A_522 = tpu.vector_load %arg6[%get3A_520, %get3A_521] {strides = array<i32>} : memref<512x128xf32, #tpu.memory_space<vmem>>, vector<1x16xf32>,
      %get3A_523 = vector.shape_cast %get3A_522 : vector<1x16xf32> to vector<16xf32>
      %add3A_524 = arith.addf %get3A_515, %get3A_523 : vector<16xf32>
      %add3A_525 = arith.addf %add3A_496, %add3A_524 : vector<16xf32>
      %add3A_526 = arith.constant 4 : i32
      %add3A_527 = arith.addi %mul3A_74, %add3A_526 : i32
      %add3A_528 = arith.constant 2 : i32
      %add3A_529 = arith.addi %add3A_527, %add3A_528 : i32
      %get3A_530 = arith.index_cast %add3A_529 : i32 to index
      %get3A_531 = arith.constant 48 : index
      %get3A_532 = tpu.vector_load %arg6[%get3A_530, %get3A_531] {strides = array<i32>} : memref<512x128xf32, #tpu.memory_space<vmem>>, vector<1x16xf32>,
      %get3A_533 = vector.shape_cast %get3A_532 : vector<1x16xf32> to vector<16xf32>
      %add3A_534 = arith.constant 4 : i32
      %add3A_535 = arith.addi %mul3A_74, %add3A_534 : i32
      %add3A_536 = arith.constant 3 : i32
      %add3A_537 = arith.addi %add3A_535, %add3A_536 : i32
      %get3A_538 = arith.index_cast %add3A_537 : i32 to index
      %get3A_539 = arith.constant 48 : index
      %get3A_540 = tpu.vector_load %arg6[%get3A_538, %get3A_539] {strides = array<i32>} : memref<512x128xf32, #tpu.memory_space<vmem>>, vector<1x16xf32>,
      %get3A_541 = vector.shape_cast %get3A_540 : vector<1x16xf32> to vector<16xf32>
      %add3A_542 = arith.addf %get3A_533, %get3A_541 : vector<16xf32>
      %add3A_543 = arith.addf %add3A_509, %add3A_542 : vector<16xf32>
      %add3A_544 = arith.constant 8 : i32
      %add3A_545 = arith.addi %mul3A_74, %add3A_544 : i32
      %get3A_546 = arith.index_cast %add3A_545 : i32 to index
      %get3A_547 = arith.constant 48 : index
      %get3A_548 = tpu.vector_load %arg6[%get3A_546, %get3A_547] {strides = array<i32>} : memref<512x128xf32, #tpu.memory_space<vmem>>, vector<1x16xf32>,
      %get3A_549 = vector.shape_cast %get3A_548 : vector<1x16xf32> to vector<16xf32>
      %add3A_550 = arith.constant 8 : i32
      %add3A_551 = arith.addi %mul3A_74, %add3A_550 : i32
      %add3A_552 = arith.constant 1 : i32
      %add3A_553 = arith.addi %add3A_551, %add3A_552 : i32
      %get3A_554 = arith.index_cast %add3A_553 : i32 to index
      %get3A_555 = arith.constant 48 : index
      %get3A_556 = tpu.vector_load %arg6[%get3A_554, %get3A_555] {strides = array<i32>} : memref<512x128xf32, #tpu.memory_space<vmem>>, vector<1x16xf32>,
      %get3A_557 = vector.shape_cast %get3A_556 : vector<1x16xf32> to vector<16xf32>
      %add3A_558 = arith.addf %get3A_549, %get3A_557 : vector<16xf32>
      %add3A_559 = arith.addf %add3A_525, %add3A_558 : vector<16xf32>
      %add3A_560 = arith.constant 8 : i32
      %add3A_561 = arith.addi %mul3A_74, %add3A_560 : i32
      %add3A_562 = arith.constant 2 : i32
      %add3A_563 = arith.addi %add3A_561, %add3A_562 : i32
      %get3A_564 = arith.index_cast %add3A_563 : i32 to index
      %get3A_565 = arith.constant 48 : index
      %get3A_566 = tpu.vector_load %arg6[%get3A_564, %get3A_565] {strides = array<i32>} : memref<512x128xf32, #tpu.memory_space<vmem>>, vector<1x16xf32>,
      %get3A_567 = vector.shape_cast %get3A_566 : vector<1x16xf32> to vector<16xf32>
      %add3A_568 = arith.constant 8 : i32
      %add3A_569 = arith.addi %mul3A_74, %add3A_568 : i32
      %add3A_570 = arith.constant 3 : i32
      %add3A_571 = arith.addi %add3A_569, %add3A_570 : i32
      %get3A_572 = arith.index_cast %add3A_571 : i32 to index
      %get3A_573 = arith.constant 48 : index
      %get3A_574 = tpu.vector_load %arg6[%get3A_572, %get3A_573] {strides = array<i32>} : memref<512x128xf32, #tpu.memory_space<vmem>>, vector<1x16xf32>,
      %get3A_575 = vector.shape_cast %get3A_574 : vector<1x16xf32> to vector<16xf32>
      %add3A_576 = arith.addf %get3A_567, %get3A_575 : vector<16xf32>
      %add3A_577 = arith.addf %add3A_543, %add3A_576 : vector<16xf32>
      %add3A_578 = arith.constant 12 : i32
      %add3A_579 = arith.addi %mul3A_74, %add3A_578 : i32
      %get3A_580 = arith.index_cast %add3A_579 : i32 to index
      %get3A_581 = arith.constant 48 : index
      %get3A_582 = tpu.vector_load %arg6[%get3A_580, %get3A_581] {strides = array<i32>} : memref<512x128xf32, #tpu.memory_space<vmem>>, vector<1x16xf32>,
      %get3A_583 = vector.shape_cast %get3A_582 : vector<1x16xf32> to vector<16xf32>
      %add3A_584 = arith.constant 12 : i32
      %add3A_585 = arith.addi %mul3A_74, %add3A_584 : i32
      %add3A_586 = arith.constant 1 : i32
      %add3A_587 = arith.addi %add3A_585, %add3A_586 : i32
      %get3A_588 = arith.index_cast %add3A_587 : i32 to index
      %get3A_589 = arith.constant 48 : index
      %get3A_590 = tpu.vector_load %arg6[%get3A_588, %get3A_589] {strides = array<i32>} : memref<512x128xf32, #tpu.memory_space<vmem>>, vector<1x16xf32>,
      %get3A_591 = vector.shape_cast %get3A_590 : vector<1x16xf32> to vector<16xf32>
      %add3A_592 = arith.addf %get3A_583, %get3A_591 : vector<16xf32>
      %add3A_593 = arith.addf %add3A_559, %add3A_592 : vector<16xf32>
      %add3A_594 = arith.constant 12 : i32
      %add3A_595 = arith.addi %mul3A_74, %add3A_594 : i32
      %add3A_596 = arith.constant 2 : i32
      %add3A_597 = arith.addi %add3A_595, %add3A_596 : i32
      %get3A_598 = arith.index_cast %add3A_597 : i32 to index
      %get3A_599 = arith.constant 48 : index
      %get3A_600 = tpu.vector_load %arg6[%get3A_598, %get3A_599] {strides = array<i32>} : memref<512x128xf32, #tpu.memory_space<vmem>>, vector<1x16xf32>,
      %get3A_601 = vector.shape_cast %get3A_600 : vector<1x16xf32> to vector<16xf32>
      %add3A_602 = arith.constant 12 : i32
      %add3A_603 = arith.addi %mul3A_74, %add3A_602 : i32
      %add3A_604 = arith.constant 3 : i32
      %add3A_605 = arith.addi %add3A_603, %add3A_604 : i32
      %get3A_606 = arith.index_cast %add3A_605 : i32 to index
      %get3A_607 = arith.constant 48 : index
      %get3A_608 = tpu.vector_load %arg6[%get3A_606, %get3A_607] {strides = array<i32>} : memref<512x128xf32, #tpu.memory_space<vmem>>, vector<1x16xf32>,
      %get3A_609 = vector.shape_cast %get3A_608 : vector<1x16xf32> to vector<16xf32>
      %add3A_610 = arith.addf %get3A_601, %get3A_609 : vector<16xf32>
      %add3A_611 = arith.addf %add3A_577, %add3A_610 : vector<16xf32>
      %add3A_612 = arith.addf %add3A_593, %add3A_611 : vector<16xf32>
      %mul3A_613 = arith.constant 6.250000e-02 : f32
      %mul3A_614 = vector.broadcast %mul3A_613 : f32 to vector<16xf32>
      %mul3A_615 = arith.mulf %add3A_612, %mul3A_614 : vector<16xf32>
      %swap3A_616 = arith.index_cast %scan3A_72 : i32 to index
      %swap3A_617 = arith.constant 48 : index
      %swap3A_618 = tpu.vector_load %arg7[%swap3A_616, %swap3A_617] {strides = array<i32>} : memref<32x128xf32, #tpu.memory_space<vmem>>, vector<1x16xf32>,
      %swap3A_619 = vector.shape_cast %swap3A_618 : vector<1x16xf32> to vector<16xf32>
      %swap3A_620 = vector.shape_cast %mul3A_615 : vector<16xf32> to vector<1x16xf32>
      tpu.vector_store %arg7[%swap3A_616, %swap3A_617], %swap3A_620 {strides = array<i32>} : memref<32x128xf32, #tpu.memory_space<vmem>>, vector<1x16xf32>,
      %add3A_621 = arith.constant 0 : i32
      %add3A_622 = arith.addi %mul3A_74, %add3A_621 : i32
      %get3A_623 = arith.index_cast %add3A_622 : i32 to index
      %get3A_624 = arith.constant 64 : index
      %get3A_625 = tpu.vector_load %arg6[%get3A_623, %get3A_624] {strides = array<i32>} : memref<512x128xf32, #tpu.memory_space<vmem>>, vector<1x16xf32>,
      %get3A_626 = vector.shape_cast %get3A_625 : vector<1x16xf32> to vector<16xf32>
      %add3A_627 = arith.constant 1 : i32
      %add3A_628 = arith.addi %mul3A_74, %add3A_627 : i32
      %get3A_629 = arith.index_cast %add3A_628 : i32 to index
      %get3A_630 = arith.constant 64 : index
      %get3A_631 = tpu.vector_load %arg6[%get3A_629, %get3A_630] {strides = array<i32>} : memref<512x128xf32, #tpu.memory_space<vmem>>, vector<1x16xf32>,
      %get3A_632 = vector.shape_cast %get3A_631 : vector<1x16xf32> to vector<16xf32>
      %add3A_633 = arith.addf %get3A_626, %get3A_632 : vector<16xf32>
      %add3A_634 = arith.constant 2 : i32
      %add3A_635 = arith.addi %mul3A_74, %add3A_634 : i32
      %get3A_636 = arith.index_cast %add3A_635 : i32 to index
      %get3A_637 = arith.constant 64 : index
      %get3A_638 = tpu.vector_load %arg6[%get3A_636, %get3A_637] {strides = array<i32>} : memref<512x128xf32, #tpu.memory_space<vmem>>, vector<1x16xf32>,
      %get3A_639 = vector.shape_cast %get3A_638 : vector<1x16xf32> to vector<16xf32>
      %add3A_640 = arith.constant 3 : i32
      %add3A_641 = arith.addi %mul3A_74, %add3A_640 : i32
      %get3A_642 = arith.index_cast %add3A_641 : i32 to index
      %get3A_643 = arith.constant 64 : index
      %get3A_644 = tpu.vector_load %arg6[%get3A_642, %get3A_643] {strides = array<i32>} : memref<512x128xf32, #tpu.memory_space<vmem>>, vector<1x16xf32>,
      %get3A_645 = vector.shape_cast %get3A_644 : vector<1x16xf32> to vector<16xf32>
      %add3A_646 = arith.addf %get3A_639, %get3A_645 : vector<16xf32>
      %add3A_647 = arith.constant 4 : i32
      %add3A_648 = arith.addi %mul3A_74, %add3A_647 : i32
      %get3A_649 = arith.index_cast %add3A_648 : i32 to index
      %get3A_650 = arith.constant 64 : index
      %get3A_651 = tpu.vector_load %arg6[%get3A_649, %get3A_650] {strides = array<i32>} : memref<512x128xf32, #tpu.memory_space<vmem>>, vector<1x16xf32>,
      %get3A_652 = vector.shape_cast %get3A_651 : vector<1x16xf32> to vector<16xf32>
      %add3A_653 = arith.constant 4 : i32
      %add3A_654 = arith.addi %mul3A_74, %add3A_653 : i32
      %add3A_655 = arith.constant 1 : i32
      %add3A_656 = arith.addi %add3A_654, %add3A_655 : i32
      %get3A_657 = arith.index_cast %add3A_656 : i32 to index
      %get3A_658 = arith.constant 64 : index
      %get3A_659 = tpu.vector_load %arg6[%get3A_657, %get3A_658] {strides = array<i32>} : memref<512x128xf32, #tpu.memory_space<vmem>>, vector<1x16xf32>,
      %get3A_660 = vector.shape_cast %get3A_659 : vector<1x16xf32> to vector<16xf32>
      %add3A_661 = arith.addf %get3A_652, %get3A_660 : vector<16xf32>
      %add3A_662 = arith.addf %add3A_633, %add3A_661 : vector<16xf32>
      %add3A_663 = arith.constant 4 : i32
      %add3A_664 = arith.addi %mul3A_74, %add3A_663 : i32
      %add3A_665 = arith.constant 2 : i32
      %add3A_666 = arith.addi %add3A_664, %add3A_665 : i32
      %get3A_667 = arith.index_cast %add3A_666 : i32 to index
      %get3A_668 = arith.constant 64 : index
      %get3A_669 = tpu.vector_load %arg6[%get3A_667, %get3A_668] {strides = array<i32>} : memref<512x128xf32, #tpu.memory_space<vmem>>, vector<1x16xf32>,
      %get3A_670 = vector.shape_cast %get3A_669 : vector<1x16xf32> to vector<16xf32>
      %add3A_671 = arith.constant 4 : i32
      %add3A_672 = arith.addi %mul3A_74, %add3A_671 : i32
      %add3A_673 = arith.constant 3 : i32
      %add3A_674 = arith.addi %add3A_672, %add3A_673 : i32
      %get3A_675 = arith.index_cast %add3A_674 : i32 to index
      %get3A_676 = arith.constant 64 : index
      %get3A_677 = tpu.vector_load %arg6[%get3A_675, %get3A_676] {strides = array<i32>} : memref<512x128xf32, #tpu.memory_space<vmem>>, vector<1x16xf32>,
      %get3A_678 = vector.shape_cast %get3A_677 : vector<1x16xf32> to vector<16xf32>
      %add3A_679 = arith.addf %get3A_670, %get3A_678 : vector<16xf32>
      %add3A_680 = arith.addf %add3A_646, %add3A_679 : vector<16xf32>
      %add3A_681 = arith.constant 8 : i32
      %add3A_682 = arith.addi %mul3A_74, %add3A_681 : i32
      %get3A_683 = arith.index_cast %add3A_682 : i32 to index
      %get3A_684 = arith.constant 64 : index
      %get3A_685 = tpu.vector_load %arg6[%get3A_683, %get3A_684] {strides = array<i32>} : memref<512x128xf32, #tpu.memory_space<vmem>>, vector<1x16xf32>,
      %get3A_686 = vector.shape_cast %get3A_685 : vector<1x16xf32> to vector<16xf32>
      %add3A_687 = arith.constant 8 : i32
      %add3A_688 = arith.addi %mul3A_74, %add3A_687 : i32
      %add3A_689 = arith.constant 1 : i32
      %add3A_690 = arith.addi %add3A_688, %add3A_689 : i32
      %get3A_691 = arith.index_cast %add3A_690 : i32 to index
      %get3A_692 = arith.constant 64 : index
      %get3A_693 = tpu.vector_load %arg6[%get3A_691, %get3A_692] {strides = array<i32>} : memref<512x128xf32, #tpu.memory_space<vmem>>, vector<1x16xf32>,
      %get3A_694 = vector.shape_cast %get3A_693 : vector<1x16xf32> to vector<16xf32>
      %add3A_695 = arith.addf %get3A_686, %get3A_694 : vector<16xf32>
      %add3A_696 = arith.addf %add3A_662, %add3A_695 : vector<16xf32>
      %add3A_697 = arith.constant 8 : i32
      %add3A_698 = arith.addi %mul3A_74, %add3A_697 : i32
      %add3A_699 = arith.constant 2 : i32
      %add3A_700 = arith.addi %add3A_698, %add3A_699 : i32
      %get3A_701 = arith.index_cast %add3A_700 : i32 to index
      %get3A_702 = arith.constant 64 : index
      %get3A_703 = tpu.vector_load %arg6[%get3A_701, %get3A_702] {strides = array<i32>} : memref<512x128xf32, #tpu.memory_space<vmem>>, vector<1x16xf32>,
      %get3A_704 = vector.shape_cast %get3A_703 : vector<1x16xf32> to vector<16xf32>
      %add3A_705 = arith.constant 8 : i32
      %add3A_706 = arith.addi %mul3A_74, %add3A_705 : i32
      %add3A_707 = arith.constant 3 : i32
      %add3A_708 = arith.addi %add3A_706, %add3A_707 : i32
      %get3A_709 = arith.index_cast %add3A_708 : i32 to index
      %get3A_710 = arith.constant 64 : index
      %get3A_711 = tpu.vector_load %arg6[%get3A_709, %get3A_710] {strides = array<i32>} : memref<512x128xf32, #tpu.memory_space<vmem>>, vector<1x16xf32>,
      %get3A_712 = vector.shape_cast %get3A_711 : vector<1x16xf32> to vector<16xf32>
      %add3A_713 = arith.addf %get3A_704, %get3A_712 : vector<16xf32>
      %add3A_714 = arith.addf %add3A_680, %add3A_713 : vector<16xf32>
      %add3A_715 = arith.constant 12 : i32
      %add3A_716 = arith.addi %mul3A_74, %add3A_715 : i32
      %get3A_717 = arith.index_cast %add3A_716 : i32 to index
      %get3A_718 = arith.constant 64 : index
      %get3A_719 = tpu.vector_load %arg6[%get3A_717, %get3A_718] {strides = array<i32>} : memref<512x128xf32, #tpu.memory_space<vmem>>, vector<1x16xf32>,
      %get3A_720 = vector.shape_cast %get3A_719 : vector<1x16xf32> to vector<16xf32>
      %add3A_721 = arith.constant 12 : i32
      %add3A_722 = arith.addi %mul3A_74, %add3A_721 : i32
      %add3A_723 = arith.constant 1 : i32
      %add3A_724 = arith.addi %add3A_722, %add3A_723 : i32
      %get3A_725 = arith.index_cast %add3A_724 : i32 to index
      %get3A_726 = arith.constant 64 : index
      %get3A_727 = tpu.vector_load %arg6[%get3A_725, %get3A_726] {strides = array<i32>} : memref<512x128xf32, #tpu.memory_space<vmem>>, vector<1x16xf32>,
      %get3A_728 = vector.shape_cast %get3A_727 : vector<1x16xf32> to vector<16xf32>
      %add3A_729 = arith.addf %get3A_720, %get3A_728 : vector<16xf32>
      %add3A_730 = arith.addf %add3A_696, %add3A_729 : vector<16xf32>
      %add3A_731 = arith.constant 12 : i32
      %add3A_732 = arith.addi %mul3A_74, %add3A_731 : i32
      %add3A_733 = arith.constant 2 : i32
      %add3A_734 = arith.addi %add3A_732, %add3A_733 : i32
      %get3A_735 = arith.index_cast %add3A_734 : i32 to index
      %get3A_736 = arith.constant 64 : index
      %get3A_737 = tpu.vector_load %arg6[%get3A_735, %get3A_736] {strides = array<i32>} : memref<512x128xf32, #tpu.memory_space<vmem>>, vector<1x16xf32>,
      %get3A_738 = vector.shape_cast %get3A_737 : vector<1x16xf32> to vector<16xf32>
      %add3A_739 = arith.constant 12 : i32
      %add3A_740 = arith.addi %mul3A_74, %add3A_739 : i32
      %add3A_741 = arith.constant 3 : i32
      %add3A_742 = arith.addi %add3A_740, %add3A_741 : i32
      %get3A_743 = arith.index_cast %add3A_742 : i32 to index
      %get3A_744 = arith.constant 64 : index
      %get3A_745 = tpu.vector_load %arg6[%get3A_743, %get3A_744] {strides = array<i32>} : memref<512x128xf32, #tpu.memory_space<vmem>>, vector<1x16xf32>,
      %get3A_746 = vector.shape_cast %get3A_745 : vector<1x16xf32> to vector<16xf32>
      %add3A_747 = arith.addf %get3A_738, %get3A_746 : vector<16xf32>
      %add3A_748 = arith.addf %add3A_714, %add3A_747 : vector<16xf32>
      %add3A_749 = arith.addf %add3A_730, %add3A_748 : vector<16xf32>
      %mul3A_750 = arith.constant 6.250000e-02 : f32
      %mul3A_751 = vector.broadcast %mul3A_750 : f32 to vector<16xf32>
      %mul3A_752 = arith.mulf %add3A_749, %mul3A_751 : vector<16xf32>
      %swap3A_753 = arith.index_cast %scan3A_72 : i32 to index
      %swap3A_754 = arith.constant 64 : index
      %swap3A_755 = tpu.vector_load %arg7[%swap3A_753, %swap3A_754] {strides = array<i32>} : memref<32x128xf32, #tpu.memory_space<vmem>>, vector<1x16xf32>,
      %swap3A_756 = vector.shape_cast %swap3A_755 : vector<1x16xf32> to vector<16xf32>
      %swap3A_757 = vector.shape_cast %mul3A_752 : vector<16xf32> to vector<1x16xf32>
      tpu.vector_store %arg7[%swap3A_753, %swap3A_754], %swap3A_757 {strides = array<i32>} : memref<32x128xf32, #tpu.memory_space<vmem>>, vector<1x16xf32>,
      %add3A_758 = arith.constant 0 : i32
      %add3A_759 = arith.addi %mul3A_74, %add3A_758 : i32
      %get3A_760 = arith.index_cast %add3A_759 : i32 to index
      %get3A_761 = arith.constant 80 : index
      %get3A_762 = tpu.vector_load %arg6[%get3A_760, %get3A_761] {strides = array<i32>} : memref<512x128xf32, #tpu.memory_space<vmem>>, vector<1x16xf32>,
      %get3A_763 = vector.shape_cast %get3A_762 : vector<1x16xf32> to vector<16xf32>
      %add3A_764 = arith.constant 1 : i32
      %add3A_765 = arith.addi %mul3A_74, %add3A_764 : i32
      %get3A_766 = arith.index_cast %add3A_765 : i32 to index
      %get3A_767 = arith.constant 80 : index
      %get3A_768 = tpu.vector_load %arg6[%get3A_766, %get3A_767] {strides = array<i32>} : memref<512x128xf32, #tpu.memory_space<vmem>>, vector<1x16xf32>,
      %get3A_769 = vector.shape_cast %get3A_768 : vector<1x16xf32> to vector<16xf32>
      %add3A_770 = arith.addf %get3A_763, %get3A_769 : vector<16xf32>
      %add3A_771 = arith.constant 2 : i32
      %add3A_772 = arith.addi %mul3A_74, %add3A_771 : i32
      %get3A_773 = arith.index_cast %add3A_772 : i32 to index
      %get3A_774 = arith.constant 80 : index
      %get3A_775 = tpu.vector_load %arg6[%get3A_773, %get3A_774] {strides = array<i32>} : memref<512x128xf32, #tpu.memory_space<vmem>>, vector<1x16xf32>,
      %get3A_776 = vector.shape_cast %get3A_775 : vector<1x16xf32> to vector<16xf32>
      %add3A_777 = arith.constant 3 : i32
      %add3A_778 = arith.addi %mul3A_74, %add3A_777 : i32
      %get3A_779 = arith.index_cast %add3A_778 : i32 to index
      %get3A_780 = arith.constant 80 : index
      %get3A_781 = tpu.vector_load %arg6[%get3A_779, %get3A_780] {strides = array<i32>} : memref<512x128xf32, #tpu.memory_space<vmem>>, vector<1x16xf32>,
      %get3A_782 = vector.shape_cast %get3A_781 : vector<1x16xf32> to vector<16xf32>
      %add3A_783 = arith.addf %get3A_776, %get3A_782 : vector<16xf32>
      %add3A_784 = arith.constant 4 : i32
      %add3A_785 = arith.addi %mul3A_74, %add3A_784 : i32
      %get3A_786 = arith.index_cast %add3A_785 : i32 to index
      %get3A_787 = arith.constant 80 : index
      %get3A_788 = tpu.vector_load %arg6[%get3A_786, %get3A_787] {strides = array<i32>} : memref<512x128xf32, #tpu.memory_space<vmem>>, vector<1x16xf32>,
      %get3A_789 = vector.shape_cast %get3A_788 : vector<1x16xf32> to vector<16xf32>
      %add3A_790 = arith.constant 4 : i32
      %add3A_791 = arith.addi %mul3A_74, %add3A_790 : i32
      %add3A_792 = arith.constant 1 : i32
      %add3A_793 = arith.addi %add3A_791, %add3A_792 : i32
      %get3A_794 = arith.index_cast %add3A_793 : i32 to index
      %get3A_795 = arith.constant 80 : index
      %get3A_796 = tpu.vector_load %arg6[%get3A_794, %get3A_795] {strides = array<i32>} : memref<512x128xf32, #tpu.memory_space<vmem>>, vector<1x16xf32>,
      %get3A_797 = vector.shape_cast %get3A_796 : vector<1x16xf32> to vector<16xf32>
      %add3A_798 = arith.addf %get3A_789, %get3A_797 : vector<16xf32>
      %add3A_799 = arith.addf %add3A_770, %add3A_798 : vector<16xf32>
      %add3A_800 = arith.constant 4 : i32
      %add3A_801 = arith.addi %mul3A_74, %add3A_800 : i32
      %add3A_802 = arith.constant 2 : i32
      %add3A_803 = arith.addi %add3A_801, %add3A_802 : i32
      %get3A_804 = arith.index_cast %add3A_803 : i32 to index
      %get3A_805 = arith.constant 80 : index
      %get3A_806 = tpu.vector_load %arg6[%get3A_804, %get3A_805] {strides = array<i32>} : memref<512x128xf32, #tpu.memory_space<vmem>>, vector<1x16xf32>,
      %get3A_807 = vector.shape_cast %get3A_806 : vector<1x16xf32> to vector<16xf32>
      %add3A_808 = arith.constant 4 : i32
      %add3A_809 = arith.addi %mul3A_74, %add3A_808 : i32
      %add3A_810 = arith.constant 3 : i32
      %add3A_811 = arith.addi %add3A_809, %add3A_810 : i32
      %get3A_812 = arith.index_cast %add3A_811 : i32 to index
      %get3A_813 = arith.constant 80 : index
      %get3A_814 = tpu.vector_load %arg6[%get3A_812, %get3A_813] {strides = array<i32>} : memref<512x128xf32, #tpu.memory_space<vmem>>, vector<1x16xf32>,
      %get3A_815 = vector.shape_cast %get3A_814 : vector<1x16xf32> to vector<16xf32>
      %add3A_816 = arith.addf %get3A_807, %get3A_815 : vector<16xf32>
      %add3A_817 = arith.addf %add3A_783, %add3A_816 : vector<16xf32>
      %add3A_818 = arith.constant 8 : i32
      %add3A_819 = arith.addi %mul3A_74, %add3A_818 : i32
      %get3A_820 = arith.index_cast %add3A_819 : i32 to index
      %get3A_821 = arith.constant 80 : index
      %get3A_822 = tpu.vector_load %arg6[%get3A_820, %get3A_821] {strides = array<i32>} : memref<512x128xf32, #tpu.memory_space<vmem>>, vector<1x16xf32>,
      %get3A_823 = vector.shape_cast %get3A_822 : vector<1x16xf32> to vector<16xf32>
      %add3A_824 = arith.constant 8 : i32
      %add3A_825 = arith.addi %mul3A_74, %add3A_824 : i32
      %add3A_826 = arith.constant 1 : i32
      %add3A_827 = arith.addi %add3A_825, %add3A_826 : i32
      %get3A_828 = arith.index_cast %add3A_827 : i32 to index
      %get3A_829 = arith.constant 80 : index
      %get3A_830 = tpu.vector_load %arg6[%get3A_828, %get3A_829] {strides = array<i32>} : memref<512x128xf32, #tpu.memory_space<vmem>>, vector<1x16xf32>,
      %get3A_831 = vector.shape_cast %get3A_830 : vector<1x16xf32> to vector<16xf32>
      %add3A_832 = arith.addf %get3A_823, %get3A_831 : vector<16xf32>
      %add3A_833 = arith.addf %add3A_799, %add3A_832 : vector<16xf32>
      %add3A_834 = arith.constant 8 : i32
      %add3A_835 = arith.addi %mul3A_74, %add3A_834 : i32
      %add3A_836 = arith.constant 2 : i32
      %add3A_837 = arith.addi %add3A_835, %add3A_836 : i32
      %get3A_838 = arith.index_cast %add3A_837 : i32 to index
      %get3A_839 = arith.constant 80 : index
      %get3A_840 = tpu.vector_load %arg6[%get3A_838, %get3A_839] {strides = array<i32>} : memref<512x128xf32, #tpu.memory_space<vmem>>, vector<1x16xf32>,
      %get3A_841 = vector.shape_cast %get3A_840 : vector<1x16xf32> to vector<16xf32>
      %add3A_842 = arith.constant 8 : i32
      %add3A_843 = arith.addi %mul3A_74, %add3A_842 : i32
      %add3A_844 = arith.constant 3 : i32
      %add3A_845 = arith.addi %add3A_843, %add3A_844 : i32
      %get3A_846 = arith.index_cast %add3A_845 : i32 to index
      %get3A_847 = arith.constant 80 : index
      %get3A_848 = tpu.vector_load %arg6[%get3A_846, %get3A_847] {strides = array<i32>} : memref<512x128xf32, #tpu.memory_space<vmem>>, vector<1x16xf32>,
      %get3A_849 = vector.shape_cast %get3A_848 : vector<1x16xf32> to vector<16xf32>
      %add3A_850 = arith.addf %get3A_841, %get3A_849 : vector<16xf32>
      %add3A_851 = arith.addf %add3A_817, %add3A_850 : vector<16xf32>
      %add3A_852 = arith.constant 12 : i32
      %add3A_853 = arith.addi %mul3A_74, %add3A_852 : i32
      %get3A_854 = arith.index_cast %add3A_853 : i32 to index
      %get3A_855 = arith.constant 80 : index
      %get3A_856 = tpu.vector_load %arg6[%get3A_854, %get3A_855] {strides = array<i32>} : memref<512x128xf32, #tpu.memory_space<vmem>>, vector<1x16xf32>,
      %get3A_857 = vector.shape_cast %get3A_856 : vector<1x16xf32> to vector<16xf32>
      %add3A_858 = arith.constant 12 : i32
      %add3A_859 = arith.addi %mul3A_74, %add3A_858 : i32
      %add3A_860 = arith.constant 1 : i32
      %add3A_861 = arith.addi %add3A_859, %add3A_860 : i32
      %get3A_862 = arith.index_cast %add3A_861 : i32 to index
      %get3A_863 = arith.constant 80 : index
      %get3A_864 = tpu.vector_load %arg6[%get3A_862, %get3A_863] {strides = array<i32>} : memref<512x128xf32, #tpu.memory_space<vmem>>, vector<1x16xf32>,
      %get3A_865 = vector.shape_cast %get3A_864 : vector<1x16xf32> to vector<16xf32>
      %add3A_866 = arith.addf %get3A_857, %get3A_865 : vector<16xf32>
      %add3A_867 = arith.addf %add3A_833, %add3A_866 : vector<16xf32>
      %add3A_868 = arith.constant 12 : i32
      %add3A_869 = arith.addi %mul3A_74, %add3A_868 : i32
      %add3A_870 = arith.constant 2 : i32
      %add3A_871 = arith.addi %add3A_869, %add3A_870 : i32
      %get3A_872 = arith.index_cast %add3A_871 : i32 to index
      %get3A_873 = arith.constant 80 : index
      %get3A_874 = tpu.vector_load %arg6[%get3A_872, %get3A_873] {strides = array<i32>} : memref<512x128xf32, #tpu.memory_space<vmem>>, vector<1x16xf32>,
      %get3A_875 = vector.shape_cast %get3A_874 : vector<1x16xf32> to vector<16xf32>
      %add3A_876 = arith.constant 12 : i32
      %add3A_877 = arith.addi %mul3A_74, %add3A_876 : i32
      %add3A_878 = arith.constant 3 : i32
      %add3A_879 = arith.addi %add3A_877, %add3A_878 : i32
      %get3A_880 = arith.index_cast %add3A_879 : i32 to index
      %get3A_881 = arith.constant 80 : index
      %get3A_882 = tpu.vector_load %arg6[%get3A_880, %get3A_881] {strides = array<i32>} : memref<512x128xf32, #tpu.memory_space<vmem>>, vector<1x16xf32>,
      %get3A_883 = vector.shape_cast %get3A_882 : vector<1x16xf32> to vector<16xf32>
      %add3A_884 = arith.addf %get3A_875, %get3A_883 : vector<16xf32>
      %add3A_885 = arith.addf %add3A_851, %add3A_884 : vector<16xf32>
      %add3A_886 = arith.addf %add3A_867, %add3A_885 : vector<16xf32>
      %mul3A_887 = arith.constant 6.250000e-02 : f32
      %mul3A_888 = vector.broadcast %mul3A_887 : f32 to vector<16xf32>
      %mul3A_889 = arith.mulf %add3A_886, %mul3A_888 : vector<16xf32>
      %swap3A_890 = arith.index_cast %scan3A_72 : i32 to index
      %swap3A_891 = arith.constant 80 : index
      %swap3A_892 = tpu.vector_load %arg7[%swap3A_890, %swap3A_891] {strides = array<i32>} : memref<32x128xf32, #tpu.memory_space<vmem>>, vector<1x16xf32>,
      %swap3A_893 = vector.shape_cast %swap3A_892 : vector<1x16xf32> to vector<16xf32>
      %swap3A_894 = vector.shape_cast %mul3A_889 : vector<16xf32> to vector<1x16xf32>
      tpu.vector_store %arg7[%swap3A_890, %swap3A_891], %swap3A_894 {strides = array<i32>} : memref<32x128xf32, #tpu.memory_space<vmem>>, vector<1x16xf32>,
      %add3A_895 = arith.constant 0 : i32
      %add3A_896 = arith.addi %mul3A_74, %add3A_895 : i32
      %get3A_897 = arith.index_cast %add3A_896 : i32 to index
      %get3A_898 = arith.constant 96 : index
      %get3A_899 = tpu.vector_load %arg6[%get3A_897, %get3A_898] {strides = array<i32>} : memref<512x128xf32, #tpu.memory_space<vmem>>, vector<1x16xf32>,
      %get3A_900 = vector.shape_cast %get3A_899 : vector<1x16xf32> to vector<16xf32>
      %add3A_901 = arith.constant 1 : i32
      %add3A_902 = arith.addi %mul3A_74, %add3A_901 : i32
      %get3A_903 = arith.index_cast %add3A_902 : i32 to index
      %get3A_904 = arith.constant 96 : index
      %get3A_905 = tpu.vector_load %arg6[%get3A_903, %get3A_904] {strides = array<i32>} : memref<512x128xf32, #tpu.memory_space<vmem>>, vector<1x16xf32>,
      %get3A_906 = vector.shape_cast %get3A_905 : vector<1x16xf32> to vector<16xf32>
      %add3A_907 = arith.addf %get3A_900, %get3A_906 : vector<16xf32>
      %add3A_908 = arith.constant 2 : i32
      %add3A_909 = arith.addi %mul3A_74, %add3A_908 : i32
      %get3A_910 = arith.index_cast %add3A_909 : i32 to index
      %get3A_911 = arith.constant 96 : index
      %get3A_912 = tpu.vector_load %arg6[%get3A_910, %get3A_911] {strides = array<i32>} : memref<512x128xf32, #tpu.memory_space<vmem>>, vector<1x16xf32>,
      %get3A_913 = vector.shape_cast %get3A_912 : vector<1x16xf32> to vector<16xf32>
      %add3A_914 = arith.constant 3 : i32
      %add3A_915 = arith.addi %mul3A_74, %add3A_914 : i32
      %get3A_916 = arith.index_cast %add3A_915 : i32 to index
      %get3A_917 = arith.constant 96 : index
      %get3A_918 = tpu.vector_load %arg6[%get3A_916, %get3A_917] {strides = array<i32>} : memref<512x128xf32, #tpu.memory_space<vmem>>, vector<1x16xf32>,
      %get3A_919 = vector.shape_cast %get3A_918 : vector<1x16xf32> to vector<16xf32>
      %add3A_920 = arith.addf %get3A_913, %get3A_919 : vector<16xf32>
      %add3A_921 = arith.constant 4 : i32
      %add3A_922 = arith.addi %mul3A_74, %add3A_921 : i32
      %get3A_923 = arith.index_cast %add3A_922 : i32 to index
      %get3A_924 = arith.constant 96 : index
      %get3A_925 = tpu.vector_load %arg6[%get3A_923, %get3A_924] {strides = array<i32>} : memref<512x128xf32, #tpu.memory_space<vmem>>, vector<1x16xf32>,
      %get3A_926 = vector.shape_cast %get3A_925 : vector<1x16xf32> to vector<16xf32>
      %add3A_927 = arith.constant 4 : i32
      %add3A_928 = arith.addi %mul3A_74, %add3A_927 : i32
      %add3A_929 = arith.constant 1 : i32
      %add3A_930 = arith.addi %add3A_928, %add3A_929 : i32
      %get3A_931 = arith.index_cast %add3A_930 : i32 to index
      %get3A_932 = arith.constant 96 : index
      %get3A_933 = tpu.vector_load %arg6[%get3A_931, %get3A_932] {strides = array<i32>} : memref<512x128xf32, #tpu.memory_space<vmem>>, vector<1x16xf32>,
      %get3A_934 = vector.shape_cast %get3A_933 : vector<1x16xf32> to vector<16xf32>
      %add3A_935 = arith.addf %get3A_926, %get3A_934 : vector<16xf32>
      %add3A_936 = arith.addf %add3A_907, %add3A_935 : vector<16xf32>
      %add3A_937 = arith.constant 4 : i32
      %add3A_938 = arith.addi %mul3A_74, %add3A_937 : i32
      %add3A_939 = arith.constant 2 : i32
      %add3A_940 = arith.addi %add3A_938, %add3A_939 : i32
      %get3A_941 = arith.index_cast %add3A_940 : i32 to index
      %get3A_942 = arith.constant 96 : index
      %get3A_943 = tpu.vector_load %arg6[%get3A_941, %get3A_942] {strides = array<i32>} : memref<512x128xf32, #tpu.memory_space<vmem>>, vector<1x16xf32>,
      %get3A_944 = vector.shape_cast %get3A_943 : vector<1x16xf32> to vector<16xf32>
      %add3A_945 = arith.constant 4 : i32
      %add3A_946 = arith.addi %mul3A_74, %add3A_945 : i32
      %add3A_947 = arith.constant 3 : i32
      %add3A_948 = arith.addi %add3A_946, %add3A_947 : i32
      %get3A_949 = arith.index_cast %add3A_948 : i32 to index
      %get3A_950 = arith.constant 96 : index
      %get3A_951 = tpu.vector_load %arg6[%get3A_949, %get3A_950] {strides = array<i32>} : memref<512x128xf32, #tpu.memory_space<vmem>>, vector<1x16xf32>,
      %get3A_952 = vector.shape_cast %get3A_951 : vector<1x16xf32> to vector<16xf32>
      %add3A_953 = arith.addf %get3A_944, %get3A_952 : vector<16xf32>
      %add3A_954 = arith.addf %add3A_920, %add3A_953 : vector<16xf32>
      %add3A_955 = arith.constant 8 : i32
      %add3A_956 = arith.addi %mul3A_74, %add3A_955 : i32
      %get3A_957 = arith.index_cast %add3A_956 : i32 to index
      %get3A_958 = arith.constant 96 : index
      %get3A_959 = tpu.vector_load %arg6[%get3A_957, %get3A_958] {strides = array<i32>} : memref<512x128xf32, #tpu.memory_space<vmem>>, vector<1x16xf32>,
      %get3A_960 = vector.shape_cast %get3A_959 : vector<1x16xf32> to vector<16xf32>
      %add3A_961 = arith.constant 8 : i32
      %add3A_962 = arith.addi %mul3A_74, %add3A_961 : i32
      %add3A_963 = arith.constant 1 : i32
      %add3A_964 = arith.addi %add3A_962, %add3A_963 : i32
      %get3A_965 = arith.index_cast %add3A_964 : i32 to index
      %get3A_966 = arith.constant 96 : index
      %get3A_967 = tpu.vector_load %arg6[%get3A_965, %get3A_966] {strides = array<i32>} : memref<512x128xf32, #tpu.memory_space<vmem>>, vector<1x16xf32>,
      %get3A_968 = vector.shape_cast %get3A_967 : vector<1x16xf32> to vector<16xf32>
      %add3A_969 = arith.addf %get3A_960, %get3A_968 : vector<16xf32>
      %add3A_970 = arith.addf %add3A_936, %add3A_969 : vector<16xf32>
      %add3A_971 = arith.constant 8 : i32
      %add3A_972 = arith.addi %mul3A_74, %add3A_971 : i32
      %add3A_973 = arith.constant 2 : i32
      %add3A_974 = arith.addi %add3A_972, %add3A_973 : i32
      %get3A_975 = arith.index_cast %add3A_974 : i32 to index
      %get3A_976 = arith.constant 96 : index
      %get3A_977 = tpu.vector_load %arg6[%get3A_975, %get3A_976] {strides = array<i32>} : memref<512x128xf32, #tpu.memory_space<vmem>>, vector<1x16xf32>,
      %get3A_978 = vector.shape_cast %get3A_977 : vector<1x16xf32> to vector<16xf32>
      %add3A_979 = arith.constant 8 : i32
      %add3A_980 = arith.addi %mul3A_74, %add3A_979 : i32
      %add3A_981 = arith.constant 3 : i32
      %add3A_982 = arith.addi %add3A_980, %add3A_981 : i32
      %get3A_983 = arith.index_cast %add3A_982 : i32 to index
      %get3A_984 = arith.constant 96 : index
      %get3A_985 = tpu.vector_load %arg6[%get3A_983, %get3A_984] {strides = array<i32>} : memref<512x128xf32, #tpu.memory_space<vmem>>, vector<1x16xf32>,
      %get3A_986 = vector.shape_cast %get3A_985 : vector<1x16xf32> to vector<16xf32>
      %add3A_987 = arith.addf %get3A_978, %get3A_986 : vector<16xf32>
      %add3A_988 = arith.addf %add3A_954, %add3A_987 : vector<16xf32>
      %add3A_989 = arith.constant 12 : i32
      %add3A_990 = arith.addi %mul3A_74, %add3A_989 : i32
      %get3A_991 = arith.index_cast %add3A_990 : i32 to index
      %get3A_992 = arith.constant 96 : index
      %get3A_993 = tpu.vector_load %arg6[%get3A_991, %get3A_992] {strides = array<i32>} : memref<512x128xf32, #tpu.memory_space<vmem>>, vector<1x16xf32>,
      %get3A_994 = vector.shape_cast %get3A_993 : vector<1x16xf32> to vector<16xf32>
      %add3A_995 = arith.constant 12 : i32
      %add3A_996 = arith.addi %mul3A_74, %add3A_995 : i32
      %add3A_997 = arith.constant 1 : i32
      %add3A_998 = arith.addi %add3A_996, %add3A_997 : i32
      %get3A_999 = arith.index_cast %add3A_998 : i32 to index
      %get3A_1000 = arith.constant 96 : index
      %get3A_1001 = tpu.vector_load %arg6[%get3A_999, %get3A_1000] {strides = array<i32>} : memref<512x128xf32, #tpu.memory_space<vmem>>, vector<1x16xf32>,
      %get3A_1002 = vector.shape_cast %get3A_1001 : vector<1x16xf32> to vector<16xf32>
      %add3A_1003 = arith.addf %get3A_994, %get3A_1002 : vector<16xf32>
      %add3A_1004 = arith.addf %add3A_970, %add3A_1003 : vector<16xf32>
      %add3A_1005 = arith.constant 12 : i32
      %add3A_1006 = arith.addi %mul3A_74, %add3A_1005 : i32
      %add3A_1007 = arith.constant 2 : i32
      %add3A_1008 = arith.addi %add3A_1006, %add3A_1007 : i32
      %get3A_1009 = arith.index_cast %add3A_1008 : i32 to index
      %get3A_1010 = arith.constant 96 : index
      %get3A_1011 = tpu.vector_load %arg6[%get3A_1009, %get3A_1010] {strides = array<i32>} : memref<512x128xf32, #tpu.memory_space<vmem>>, vector<1x16xf32>,
      %get3A_1012 = vector.shape_cast %get3A_1011 : vector<1x16xf32> to vector<16xf32>
      %add3A_1013 = arith.constant 12 : i32
      %add3A_1014 = arith.addi %mul3A_74, %add3A_1013 : i32
      %add3A_1015 = arith.constant 3 : i32
      %add3A_1016 = arith.addi %add3A_1014, %add3A_1015 : i32
      %get3A_1017 = arith.index_cast %add3A_1016 : i32 to index
      %get3A_1018 = arith.constant 96 : index
      %get3A_1019 = tpu.vector_load %arg6[%get3A_1017, %get3A_1018] {strides = array<i32>} : memref<512x128xf32, #tpu.memory_space<vmem>>, vector<1x16xf32>,
      %get3A_1020 = vector.shape_cast %get3A_1019 : vector<1x16xf32> to vector<16xf32>
      %add3A_1021 = arith.addf %get3A_1012, %get3A_1020 : vector<16xf32>
      %add3A_1022 = arith.addf %add3A_988, %add3A_1021 : vector<16xf32>
      %add3A_1023 = arith.addf %add3A_1004, %add3A_1022 : vector<16xf32>
      %mul3A_1024 = arith.constant 6.250000e-02 : f32
      %mul3A_1025 = vector.broadcast %mul3A_1024 : f32 to vector<16xf32>
      %mul3A_1026 = arith.mulf %add3A_1023, %mul3A_1025 : vector<16xf32>
      %swap3A_1027 = arith.index_cast %scan3A_72 : i32 to index
      %swap3A_1028 = arith.constant 96 : index
      %swap3A_1029 = tpu.vector_load %arg7[%swap3A_1027, %swap3A_1028] {strides = array<i32>} : memref<32x128xf32, #tpu.memory_space<vmem>>, vector<1x16xf32>,
      %swap3A_1030 = vector.shape_cast %swap3A_1029 : vector<1x16xf32> to vector<16xf32>
      %swap3A_1031 = vector.shape_cast %mul3A_1026 : vector<16xf32> to vector<1x16xf32>
      tpu.vector_store %arg7[%swap3A_1027, %swap3A_1028], %swap3A_1031 {strides = array<i32>} : memref<32x128xf32, #tpu.memory_space<vmem>>, vector<1x16xf32>,
      %add3A_1032 = arith.constant 0 : i32
      %add3A_1033 = arith.addi %mul3A_74, %add3A_1032 : i32
      %get3A_1034 = arith.index_cast %add3A_1033 : i32 to index
      %get3A_1035 = arith.constant 112 : index
      %get3A_1036 = tpu.vector_load %arg6[%get3A_1034, %get3A_1035] {strides = array<i32>} : memref<512x128xf32, #tpu.memory_space<vmem>>, vector<1x16xf32>,
      %get3A_1037 = vector.shape_cast %get3A_1036 : vector<1x16xf32> to vector<16xf32>
      %add3A_1038 = arith.constant 1 : i32
      %add3A_1039 = arith.addi %mul3A_74, %add3A_1038 : i32
      %get3A_1040 = arith.index_cast %add3A_1039 : i32 to index
      %get3A_1041 = arith.constant 112 : index
      %get3A_1042 = tpu.vector_load %arg6[%get3A_1040, %get3A_1041] {strides = array<i32>} : memref<512x128xf32, #tpu.memory_space<vmem>>, vector<1x16xf32>,
      %get3A_1043 = vector.shape_cast %get3A_1042 : vector<1x16xf32> to vector<16xf32>
      %add3A_1044 = arith.addf %get3A_1037, %get3A_1043 : vector<16xf32>
      %add3A_1045 = arith.constant 2 : i32
      %add3A_1046 = arith.addi %mul3A_74, %add3A_1045 : i32
      %get3A_1047 = arith.index_cast %add3A_1046 : i32 to index
      %get3A_1048 = arith.constant 112 : index
      %get3A_1049 = tpu.vector_load %arg6[%get3A_1047, %get3A_1048] {strides = array<i32>} : memref<512x128xf32, #tpu.memory_space<vmem>>, vector<1x16xf32>,
      %get3A_1050 = vector.shape_cast %get3A_1049 : vector<1x16xf32> to vector<16xf32>
      %add3A_1051 = arith.constant 3 : i32
      %add3A_1052 = arith.addi %mul3A_74, %add3A_1051 : i32
      %get3A_1053 = arith.index_cast %add3A_1052 : i32 to index
      %get3A_1054 = arith.constant 112 : index
      %get3A_1055 = tpu.vector_load %arg6[%get3A_1053, %get3A_1054] {strides = array<i32>} : memref<512x128xf32, #tpu.memory_space<vmem>>, vector<1x16xf32>,
      %get3A_1056 = vector.shape_cast %get3A_1055 : vector<1x16xf32> to vector<16xf32>
      %add3A_1057 = arith.addf %get3A_1050, %get3A_1056 : vector<16xf32>
      %add3A_1058 = arith.constant 4 : i32
      %add3A_1059 = arith.addi %mul3A_74, %add3A_1058 : i32
      %get3A_1060 = arith.index_cast %add3A_1059 : i32 to index
      %get3A_1061 = arith.constant 112 : index
      %get3A_1062 = tpu.vector_load %arg6[%get3A_1060, %get3A_1061] {strides = array<i32>} : memref<512x128xf32, #tpu.memory_space<vmem>>, vector<1x16xf32>,
      %get3A_1063 = vector.shape_cast %get3A_1062 : vector<1x16xf32> to vector<16xf32>
      %add3A_1064 = arith.constant 4 : i32
      %add3A_1065 = arith.addi %mul3A_74, %add3A_1064 : i32
      %add3A_1066 = arith.constant 1 : i32
      %add3A_1067 = arith.addi %add3A_1065, %add3A_1066 : i32
      %get3A_1068 = arith.index_cast %add3A_1067 : i32 to index
      %get3A_1069 = arith.constant 112 : index
      %get3A_1070 = tpu.vector_load %arg6[%get3A_1068, %get3A_1069] {strides = array<i32>} : memref<512x128xf32, #tpu.memory_space<vmem>>, vector<1x16xf32>,
      %get3A_1071 = vector.shape_cast %get3A_1070 : vector<1x16xf32> to vector<16xf32>
      %add3A_1072 = arith.addf %get3A_1063, %get3A_1071 : vector<16xf32>
      %add3A_1073 = arith.addf %add3A_1044, %add3A_1072 : vector<16xf32>
      %add3A_1074 = arith.constant 4 : i32
      %add3A_1075 = arith.addi %mul3A_74, %add3A_1074 : i32
      %add3A_1076 = arith.constant 2 : i32
      %add3A_1077 = arith.addi %add3A_1075, %add3A_1076 : i32
      %get3A_1078 = arith.index_cast %add3A_1077 : i32 to index
      %get3A_1079 = arith.constant 112 : index
      %get3A_1080 = tpu.vector_load %arg6[%get3A_1078, %get3A_1079] {strides = array<i32>} : memref<512x128xf32, #tpu.memory_space<vmem>>, vector<1x16xf32>,
      %get3A_1081 = vector.shape_cast %get3A_1080 : vector<1x16xf32> to vector<16xf32>
      %add3A_1082 = arith.constant 4 : i32
      %add3A_1083 = arith.addi %mul3A_74, %add3A_1082 : i32
      %add3A_1084 = arith.constant 3 : i32
      %add3A_1085 = arith.addi %add3A_1083, %add3A_1084 : i32
      %get3A_1086 = arith.index_cast %add3A_1085 : i32 to index
      %get3A_1087 = arith.constant 112 : index
      %get3A_1088 = tpu.vector_load %arg6[%get3A_1086, %get3A_1087] {strides = array<i32>} : memref<512x128xf32, #tpu.memory_space<vmem>>, vector<1x16xf32>,
      %get3A_1089 = vector.shape_cast %get3A_1088 : vector<1x16xf32> to vector<16xf32>
      %add3A_1090 = arith.addf %get3A_1081, %get3A_1089 : vector<16xf32>
      %add3A_1091 = arith.addf %add3A_1057, %add3A_1090 : vector<16xf32>
      %add3A_1092 = arith.constant 8 : i32
      %add3A_1093 = arith.addi %mul3A_74, %add3A_1092 : i32
      %get3A_1094 = arith.index_cast %add3A_1093 : i32 to index
      %get3A_1095 = arith.constant 112 : index
      %get3A_1096 = tpu.vector_load %arg6[%get3A_1094, %get3A_1095] {strides = array<i32>} : memref<512x128xf32, #tpu.memory_space<vmem>>, vector<1x16xf32>,
      %get3A_1097 = vector.shape_cast %get3A_1096 : vector<1x16xf32> to vector<16xf32>
      %add3A_1098 = arith.constant 8 : i32
      %add3A_1099 = arith.addi %mul3A_74, %add3A_1098 : i32
      %add3A_1100 = arith.constant 1 : i32
      %add3A_1101 = arith.addi %add3A_1099, %add3A_1100 : i32
      %get3A_1102 = arith.index_cast %add3A_1101 : i32 to index
      %get3A_1103 = arith.constant 112 : index
      %get3A_1104 = tpu.vector_load %arg6[%get3A_1102, %get3A_1103] {strides = array<i32>} : memref<512x128xf32, #tpu.memory_space<vmem>>, vector<1x16xf32>,
      %get3A_1105 = vector.shape_cast %get3A_1104 : vector<1x16xf32> to vector<16xf32>
      %add3A_1106 = arith.addf %get3A_1097, %get3A_1105 : vector<16xf32>
      %add3A_1107 = arith.addf %add3A_1073, %add3A_1106 : vector<16xf32>
      %add3A_1108 = arith.constant 8 : i32
      %add3A_1109 = arith.addi %mul3A_74, %add3A_1108 : i32
      %add3A_1110 = arith.constant 2 : i32
      %add3A_1111 = arith.addi %add3A_1109, %add3A_1110 : i32
      %get3A_1112 = arith.index_cast %add3A_1111 : i32 to index
      %get3A_1113 = arith.constant 112 : index
      %get3A_1114 = tpu.vector_load %arg6[%get3A_1112, %get3A_1113] {strides = array<i32>} : memref<512x128xf32, #tpu.memory_space<vmem>>, vector<1x16xf32>,
      %get3A_1115 = vector.shape_cast %get3A_1114 : vector<1x16xf32> to vector<16xf32>
      %add3A_1116 = arith.constant 8 : i32
      %add3A_1117 = arith.addi %mul3A_74, %add3A_1116 : i32
      %add3A_1118 = arith.constant 3 : i32
      %add3A_1119 = arith.addi %add3A_1117, %add3A_1118 : i32
      %get3A_1120 = arith.index_cast %add3A_1119 : i32 to index
      %get3A_1121 = arith.constant 112 : index
      %get3A_1122 = tpu.vector_load %arg6[%get3A_1120, %get3A_1121] {strides = array<i32>} : memref<512x128xf32, #tpu.memory_space<vmem>>, vector<1x16xf32>,
      %get3A_1123 = vector.shape_cast %get3A_1122 : vector<1x16xf32> to vector<16xf32>
      %add3A_1124 = arith.addf %get3A_1115, %get3A_1123 : vector<16xf32>
      %add3A_1125 = arith.addf %add3A_1091, %add3A_1124 : vector<16xf32>
      %add3A_1126 = arith.constant 12 : i32
      %add3A_1127 = arith.addi %mul3A_74, %add3A_1126 : i32
      %get3A_1128 = arith.index_cast %add3A_1127 : i32 to index
      %get3A_1129 = arith.constant 112 : index
      %get3A_1130 = tpu.vector_load %arg6[%get3A_1128, %get3A_1129] {strides = array<i32>} : memref<512x128xf32, #tpu.memory_space<vmem>>, vector<1x16xf32>,
      %get3A_1131 = vector.shape_cast %get3A_1130 : vector<1x16xf32> to vector<16xf32>
      %add3A_1132 = arith.constant 12 : i32
      %add3A_1133 = arith.addi %mul3A_74, %add3A_1132 : i32
      %add3A_1134 = arith.constant 1 : i32
      %add3A_1135 = arith.addi %add3A_1133, %add3A_1134 : i32
      %get3A_1136 = arith.index_cast %add3A_1135 : i32 to index
      %get3A_1137 = arith.constant 112 : index
      %get3A_1138 = tpu.vector_load %arg6[%get3A_1136, %get3A_1137] {strides = array<i32>} : memref<512x128xf32, #tpu.memory_space<vmem>>, vector<1x16xf32>,
      %get3A_1139 = vector.shape_cast %get3A_1138 : vector<1x16xf32> to vector<16xf32>
      %add3A_1140 = arith.addf %get3A_1131, %get3A_1139 : vector<16xf32>
      %add3A_1141 = arith.addf %add3A_1107, %add3A_1140 : vector<16xf32>
      %add3A_1142 = arith.constant 12 : i32
      %add3A_1143 = arith.addi %mul3A_74, %add3A_1142 : i32
      %add3A_1144 = arith.constant 2 : i32
      %add3A_1145 = arith.addi %add3A_1143, %add3A_1144 : i32
      %get3A_1146 = arith.index_cast %add3A_1145 : i32 to index
      %get3A_1147 = arith.constant 112 : index
      %get3A_1148 = tpu.vector_load %arg6[%get3A_1146, %get3A_1147] {strides = array<i32>} : memref<512x128xf32, #tpu.memory_space<vmem>>, vector<1x16xf32>,
      %get3A_1149 = vector.shape_cast %get3A_1148 : vector<1x16xf32> to vector<16xf32>
      %add3A_1150 = arith.constant 12 : i32
      %add3A_1151 = arith.addi %mul3A_74, %add3A_1150 : i32
      %add3A_1152 = arith.constant 3 : i32
      %add3A_1153 = arith.addi %add3A_1151, %add3A_1152 : i32
      %get3A_1154 = arith.index_cast %add3A_1153 : i32 to index
      %get3A_1155 = arith.constant 112 : index
      %get3A_1156 = tpu.vector_load %arg6[%get3A_1154, %get3A_1155] {strides = array<i32>} : memref<512x128xf32, #tpu.memory_space<vmem>>, vector<1x16xf32>,
      %get3A_1157 = vector.shape_cast %get3A_1156 : vector<1x16xf32> to vector<16xf32>
      %add3A_1158 = arith.addf %get3A_1149, %get3A_1157 : vector<16xf32>
      %add3A_1159 = arith.addf %add3A_1125, %add3A_1158 : vector<16xf32>
      %add3A_1160 = arith.addf %add3A_1141, %add3A_1159 : vector<16xf32>
      %mul3A_1161 = arith.constant 6.250000e-02 : f32
      %mul3A_1162 = vector.broadcast %mul3A_1161 : f32 to vector<16xf32>
      %mul3A_1163 = arith.mulf %add3A_1160, %mul3A_1162 : vector<16xf32>
      %swap3A_1164 = arith.index_cast %scan3A_72 : i32 to index
      %swap3A_1165 = arith.constant 112 : index
      %swap3A_1166 = tpu.vector_load %arg7[%swap3A_1164, %swap3A_1165] {strides = array<i32>} : memref<32x128xf32, #tpu.memory_space<vmem>>, vector<1x16xf32>,
      %swap3A_1167 = vector.shape_cast %swap3A_1166 : vector<1x16xf32> to vector<16xf32>
      %swap3A_1168 = vector.shape_cast %mul3A_1163 : vector<16xf32> to vector<1x16xf32>
      tpu.vector_store %arg7[%swap3A_1164, %swap3A_1165], %swap3A_1168 {strides = array<i32>} : memref<32x128xf32, #tpu.memory_space<vmem>>, vector<1x16xf32>,
    }
    %scan3A_69 = arith.constant 32 : i32
    %mul3A_70 = arith.constant 32 : i32
    %mul3A_71 = arith.muli %add3A, %mul3A_70 : i32
    "tpu.region"() ({
      %run_scoped3A = tpu.sem_alloc : memref<!tpu.dma_semaphore, #tpu.memory_space<semaphore_mem>>
      %dma_start3A_72 = arith.constant 0 : i32
      %dma_start3A_73 = tpu.memref_slice %arg4[%mul3A_71, %dma_start3A_72] : memref<1024x128xf32, #tpu.memory_space<hbm>> -> memref<32x128xf32, #tpu.memory_space<hbm>>
      %dma_start3A_74 = arith.constant 0 : i32
      %dma_start3A_75 = tpu.memref_slice %arg4[%mul3A_71, %dma_start3A_74] : memref<1024x128xf32, #tpu.memory_space<hbm>> -> memref<32x128xf32, #tpu.memory_space<hbm>>
      tpu.enqueue_dma source(%arg7 : memref<32x128xf32, #tpu.memory_space<vmem>>) target(%dma_start3A_75 : memref<32x128xf32, #tpu.memory_space<hbm>>) target_semaphore(%run_scoped3A : memref<!tpu.dma_semaphore, #tpu.memory_space<semaphore_mem>>)
      %dma_wait3A_76 = arith.constant 0 : i32
      %dma_wait3A_77 = tpu.memref_slice %arg4[%mul3A_71, %dma_wait3A_76] : memref<1024x128xf32, #tpu.memory_space<hbm>> -> memref<32x128xf32, #tpu.memory_space<hbm>>
      %dma_wait3A_78 = arith.constant 0 : i32
      %dma_wait3A_79 = tpu.memref_slice %arg4[%mul3A_71, %dma_wait3A_78] : memref<1024x128xf32, #tpu.memory_space<hbm>> -> memref<32x128xf32, #tpu.memory_space<hbm>>
      tpu.wait_dma2 semaphore(%run_scoped3A : memref<!tpu.dma_semaphore, #tpu.memory_space<semaphore_mem>>) src(%arg7 : memref<32x128xf32, #tpu.memory_space<vmem>>) dst(%dma_wait3A_79 : memref<32x128xf32, #tpu.memory_space<hbm>>)
      tpu.yield
    }) : () -> ()
    return
  }
}

module attributes {stable_mosaic.version = 14 : i64} {
  func.func @_c3_kernel(%arg0: i32, %arg1: memref<60x8192xf32, #tpu.memory_space<vmem>>, %arg2: memref<60x60xf32, #tpu.memory_space<vmem>>, %arg3: memref<60xf32, #tpu.memory_space<vmem>>, %arg4: memref<60x8192xf32, #tpu.memory_space<vmem>>) attributes {dimension_semantics = [#tpu.dimension_semantics<arbitrary>], iteration_bounds = array<i64: 16>, scalar_prefetch = 0 : i64, scratch_operands = 0 : i64, tpu.core_type = #tpu.core_type<tc>, window_params = [{transform_indices = @transform_0, window_bounds = array<i64: 60, 8192>}, {pipeline_mode = #tpu.pipeline_mode<synchronous>, transform_indices = @transform_1, window_bounds = array<i64: 60, 60>}, {pipeline_mode = #tpu.pipeline_mode<synchronous>, transform_indices = @transform_2, window_bounds = array<i64: 60>}, {transform_indices = @transform_3, window_bounds = array<i64: 60, 8192>}]} {
    %get3A = arith.constant 0 : index
    %get3A_0 = arith.constant 0 : index
    %get3A_1 = vector.load %arg2[%get3A, %get3A_0] : memref<60x60xf32, #tpu.memory_space<vmem>>, vector<60x60xf32>
    %get3A_2 = arith.constant 0 : index
    %get3A_3 = arith.constant 0 : index
    %get3A_4 = vector.load %arg1[%get3A_2, %get3A_3] : memref<60x8192xf32, #tpu.memory_space<vmem>>, vector<60x8192xf32>
    %dot_general3A = arith.constant dense<0.000000e+00> : vector<60x8192xf32>
    %dot_general3A_5 = tpu.matmul %get3A_1, %get3A_4, %dot_general3A {dimension_numbers = #tpu.dot_dimension_numbers<[1], [0], [0], [1], [0, 0, 1, 1], [], []>, transpose_lhs_hint = false} : vector<60x60xf32>, vector<60x8192xf32>, vector<60x8192xf32> -> vector<60x8192xf32>
    %get3A_6 = arith.constant 0 : index
    %get3A_7 = vector.load %arg3[%get3A_6] : memref<60xf32, #tpu.memory_space<vmem>>, vector<60xf32>
    %broadcast_in_dim3A = vector.shape_cast %get3A_7 : vector<60xf32> to vector<60x1xf32>
    %add3A = vector.broadcast %broadcast_in_dim3A : vector<60x1xf32> to vector<60x8192xf32>
    %add3A_8 = arith.addf %dot_general3A_5, %add3A : vector<60x8192xf32>
    %swap3A = arith.constant 0 : index
    %swap3A_9 = arith.constant 0 : index
    %swap3A_10 = vector.load %arg4[%swap3A, %swap3A_9] : memref<60x8192xf32, #tpu.memory_space<vmem>>, vector<60x8192xf32>
    tpu.vector_store %arg4[%swap3A, %swap3A_9], %add3A_8 {strides = array<i32>} : memref<60x8192xf32, #tpu.memory_space<vmem>>, vector<60x8192xf32>,
    return
  }
  func.func @transform_0(%arg0: i32) -> (i32, i32) {
    %c0_i32 = arith.constant 0 : i32
    %c0_i32_0 = arith.constant 0 : i32
    return %c0_i32, %arg0 : i32, i32
  }
  func.func @transform_1(%arg0: i32) -> (i32, i32) {
    %c0_i32 = arith.constant 0 : i32
    %c0_i32_0 = arith.constant 0 : i32
    %c0_i32_1 = arith.constant 0 : i32
    return %c0_i32, %c0_i32_0 : i32, i32
  }
  func.func @transform_2(%arg0: i32) -> i32 {
    %c0_i32 = arith.constant 0 : i32
    %c0_i32_0 = arith.constant 0 : i32
    return %c0_i32 : i32
  }
  func.func @transform_3(%arg0: i32) -> (i32, i32) {
    %c0_i32 = arith.constant 0 : i32
    %c0_i32_0 = arith.constant 0 : i32
    return %c0_i32, %arg0 : i32, i32
  }
}

module attributes {stable_mosaic.version = 14 : i64} {
  func.func @_prep_kernel(%arg0: i32, %arg1: memref<128x1024xf32, #tpu.memory_space<vmem>>, %arg2: memref<64x1024xf32, #tpu.memory_space<vmem>>, %arg3: memref<64xf32, #tpu.memory_space<vmem>>, %arg4: memref<128x16xi32, #tpu.memory_space<vmem>>, %arg5: memref<128x64xf32, #tpu.memory_space<vmem>>, %arg6: memref<128xf32, #tpu.memory_space<vmem>>, %arg7: memref<64xf32, #tpu.memory_space<vmem>>, %arg8: memref<64xf32, #tpu.memory_space<vmem>>, %arg9: memref<128x64xf32, #tpu.memory_space<vmem>>, %arg10: memref<128x1024xbf16, #tpu.memory_space<vmem>>, %arg11: memref<128xf32, #tpu.memory_space<vmem>>, %arg12: memref<128xf32, #tpu.memory_space<vmem>>) attributes {dimension_semantics = [#tpu.dimension_semantics<arbitrary>], iteration_bounds = array<i64: 8>, scalar_prefetch = 0 : i64, scratch_operands = 0 : i64, tpu.core_type = #tpu.core_type<tc>, window_params = [{transform_indices = @transform_0, window_bounds = array<i64: 128, 1024>}, {pipeline_mode = #tpu.pipeline_mode<synchronous>, transform_indices = @transform_1, window_bounds = array<i64: 64, 1024>}, {pipeline_mode = #tpu.pipeline_mode<synchronous>, transform_indices = @transform_2, window_bounds = array<i64: 64>}, {transform_indices = @transform_3, window_bounds = array<i64: 128, 16>}, {pipeline_mode = #tpu.pipeline_mode<synchronous>, transform_indices = @transform_4, window_bounds = array<i64: 128, 64>}, {pipeline_mode = #tpu.pipeline_mode<synchronous>, transform_indices = @transform_5, window_bounds = array<i64: 128>}, {pipeline_mode = #tpu.pipeline_mode<synchronous>, transform_indices = @transform_6, window_bounds = array<i64: 64>}, {pipeline_mode = #tpu.pipeline_mode<synchronous>, transform_indices = @transform_7, window_bounds = array<i64: 64>}, {transform_indices = @transform_8, window_bounds = array<i64: 128, 64>}, {transform_indices = @transform_9, window_bounds = array<i64: 128, 1024>}, {pipeline_mode = #tpu.pipeline_mode<synchronous>, transform_indices = @transform_10, window_bounds = array<i64: 128>}, {pipeline_mode = #tpu.pipeline_mode<synchronous>, transform_indices = @transform_11, window_bounds = array<i64: 128>}]} {
    %get3A = arith.constant 0 : index
    %get3A_0 = arith.constant 0 : index
    %get3A_1 = vector.load %arg1[%get3A, %get3A_0] : memref<128x1024xf32, #tpu.memory_space<vmem>>, vector<128x1024xf32>
    %get3A_2 = arith.constant 0 : index
    %get3A_3 = arith.constant 0 : index
    %get3A_4 = vector.load %arg2[%get3A_2, %get3A_3] : memref<64x1024xf32, #tpu.memory_space<vmem>>, vector<64x1024xf32>
    %transpose3A = tpu.transpose %get3A_4, [1, 0] : vector<64x1024xf32> -> vector<1024x64xf32>
    %dot_general3A = arith.constant dense<0.000000e+00> : vector<128x64xf32>
    %dot_general3A_5 = tpu.matmul %get3A_1, %transpose3A, %dot_general3A {dimension_numbers = #tpu.dot_dimension_numbers<[1], [0], [0], [1], [0, 0, 1, 1], [], []>, transpose_lhs_hint = false} : vector<128x1024xf32>, vector<1024x64xf32>, vector<128x64xf32> -> vector<128x64xf32>
    %get3A_6 = arith.constant 0 : index
    %get3A_7 = vector.load %arg3[%get3A_6] : memref<64xf32, #tpu.memory_space<vmem>>, vector<64xf32>
    %broadcast_in_dim3A = vector.shape_cast %get3A_7 : vector<64xf32> to vector<1x64xf32>
    %add3A = vector.broadcast %broadcast_in_dim3A : vector<1x64xf32> to vector<128x64xf32>
    %add3A_8 = arith.addf %dot_general3A_5, %add3A : vector<128x64xf32>
    %swap3A = arith.constant 0 : index
    %swap3A_9 = arith.constant 0 : index
    %swap3A_10 = vector.load %arg9[%swap3A, %swap3A_9] : memref<128x64xf32, #tpu.memory_space<vmem>>, vector<128x64xf32>
    tpu.vector_store %arg9[%swap3A, %swap3A_9], %add3A_8 {strides = array<i32>} : memref<128x64xf32, #tpu.memory_space<vmem>>, vector<128x64xf32>,
    %get3A_11 = arith.constant 0 : index
    %get3A_12 = arith.constant 0 : index
    %get3A_13 = vector.load %arg4[%get3A_11, %get3A_12] : memref<128x16xi32, #tpu.memory_space<vmem>>, vector<128x16xi32>
    %iota3A = tpu.iota {dimensions = array<i32: 1>} : vector<128x1024xi32>
    %broadcast_in_dim3A_14 = arith.constant 0.000000e+00 : f32
    %broadcast_in_dim3A_15 = vector.broadcast %broadcast_in_dim3A_14 : f32 to vector<128x1024xf32>
    %slice3A = vector.extract_strided_slice %get3A_13 {offsets = [0, 0], sizes = [128, 1], strides = [1, 1]} : vector<128x16xi32> to vector<128x1xi32>
    %eq3A = vector.broadcast %slice3A : vector<128x1xi32> to vector<128x1024xi32>
    %eq3A_16 = arith.cmpi eq, %eq3A, %iota3A : vector<128x1024xi32>
    %jit3A = arith.constant 1.000000e+00 : f32
    %jit3A_17 = arith.constant 0.000000e+00 : f32
    %broadcast_in_dim3A_18 = vector.broadcast %jit3A : f32 to vector<128x1024xf32>
    %broadcast_in_dim3A_19 = vector.broadcast %jit3A_17 : f32 to vector<128x1024xf32>
    %select_n3A = arith.select %eq3A_16, %broadcast_in_dim3A_18, %broadcast_in_dim3A_19 : vector<128x1024xi1>, vector<128x1024xf32>
    %add3A_20 = arith.addf %broadcast_in_dim3A_15, %select_n3A : vector<128x1024xf32>
    %slice3A_21 = vector.extract_strided_slice %get3A_13 {offsets = [0, 1], sizes = [128, 1], strides = [1, 1]} : vector<128x16xi32> to vector<128x1xi32>
    %eq3A_22 = vector.broadcast %slice3A_21 : vector<128x1xi32> to vector<128x1024xi32>
    %eq3A_23 = arith.cmpi eq, %eq3A_22, %iota3A : vector<128x1024xi32>
    %jit3A_24 = arith.constant 1.000000e+00 : f32
    %jit3A_25 = arith.constant 0.000000e+00 : f32
    %broadcast_in_dim3A_26 = vector.broadcast %jit3A_24 : f32 to vector<128x1024xf32>
    %broadcast_in_dim3A_27 = vector.broadcast %jit3A_25 : f32 to vector<128x1024xf32>
    %select_n3A_28 = arith.select %eq3A_23, %broadcast_in_dim3A_26, %broadcast_in_dim3A_27 : vector<128x1024xi1>, vector<128x1024xf32>
    %add3A_29 = arith.addf %add3A_20, %select_n3A_28 : vector<128x1024xf32>
    %slice3A_30 = vector.extract_strided_slice %get3A_13 {offsets = [0, 2], sizes = [128, 1], strides = [1, 1]} : vector<128x16xi32> to vector<128x1xi32>
    %eq3A_31 = vector.broadcast %slice3A_30 : vector<128x1xi32> to vector<128x1024xi32>
    %eq3A_32 = arith.cmpi eq, %eq3A_31, %iota3A : vector<128x1024xi32>
    %jit3A_33 = arith.constant 1.000000e+00 : f32
    %jit3A_34 = arith.constant 0.000000e+00 : f32
    %broadcast_in_dim3A_35 = vector.broadcast %jit3A_33 : f32 to vector<128x1024xf32>
    %broadcast_in_dim3A_36 = vector.broadcast %jit3A_34 : f32 to vector<128x1024xf32>
    %select_n3A_37 = arith.select %eq3A_32, %broadcast_in_dim3A_35, %broadcast_in_dim3A_36 : vector<128x1024xi1>, vector<128x1024xf32>
    %add3A_38 = arith.addf %add3A_29, %select_n3A_37 : vector<128x1024xf32>
    %slice3A_39 = vector.extract_strided_slice %get3A_13 {offsets = [0, 3], sizes = [128, 1], strides = [1, 1]} : vector<128x16xi32> to vector<128x1xi32>
    %eq3A_40 = vector.broadcast %slice3A_39 : vector<128x1xi32> to vector<128x1024xi32>
    %eq3A_41 = arith.cmpi eq, %eq3A_40, %iota3A : vector<128x1024xi32>
    %jit3A_42 = arith.constant 1.000000e+00 : f32
    %jit3A_43 = arith.constant 0.000000e+00 : f32
    %broadcast_in_dim3A_44 = vector.broadcast %jit3A_42 : f32 to vector<128x1024xf32>
    %broadcast_in_dim3A_45 = vector.broadcast %jit3A_43 : f32 to vector<128x1024xf32>
    %select_n3A_46 = arith.select %eq3A_41, %broadcast_in_dim3A_44, %broadcast_in_dim3A_45 : vector<128x1024xi1>, vector<128x1024xf32>
    %add3A_47 = arith.addf %add3A_38, %select_n3A_46 : vector<128x1024xf32>
    %slice3A_48 = vector.extract_strided_slice %get3A_13 {offsets = [0, 4], sizes = [128, 1], strides = [1, 1]} : vector<128x16xi32> to vector<128x1xi32>
    %eq3A_49 = vector.broadcast %slice3A_48 : vector<128x1xi32> to vector<128x1024xi32>
    %eq3A_50 = arith.cmpi eq, %eq3A_49, %iota3A : vector<128x1024xi32>
    %jit3A_51 = arith.constant 1.000000e+00 : f32
    %jit3A_52 = arith.constant 0.000000e+00 : f32
    %broadcast_in_dim3A_53 = vector.broadcast %jit3A_51 : f32 to vector<128x1024xf32>
    %broadcast_in_dim3A_54 = vector.broadcast %jit3A_52 : f32 to vector<128x1024xf32>
    %select_n3A_55 = arith.select %eq3A_50, %broadcast_in_dim3A_53, %broadcast_in_dim3A_54 : vector<128x1024xi1>, vector<128x1024xf32>
    %add3A_56 = arith.addf %add3A_47, %select_n3A_55 : vector<128x1024xf32>
    %slice3A_57 = vector.extract_strided_slice %get3A_13 {offsets = [0, 5], sizes = [128, 1], strides = [1, 1]} : vector<128x16xi32> to vector<128x1xi32>
    %eq3A_58 = vector.broadcast %slice3A_57 : vector<128x1xi32> to vector<128x1024xi32>
    %eq3A_59 = arith.cmpi eq, %eq3A_58, %iota3A : vector<128x1024xi32>
    %jit3A_60 = arith.constant 1.000000e+00 : f32
    %jit3A_61 = arith.constant 0.000000e+00 : f32
    %broadcast_in_dim3A_62 = vector.broadcast %jit3A_60 : f32 to vector<128x1024xf32>
    %broadcast_in_dim3A_63 = vector.broadcast %jit3A_61 : f32 to vector<128x1024xf32>
    %select_n3A_64 = arith.select %eq3A_59, %broadcast_in_dim3A_62, %broadcast_in_dim3A_63 : vector<128x1024xi1>, vector<128x1024xf32>
    %add3A_65 = arith.addf %add3A_56, %select_n3A_64 : vector<128x1024xf32>
    %slice3A_66 = vector.extract_strided_slice %get3A_13 {offsets = [0, 6], sizes = [128, 1], strides = [1, 1]} : vector<128x16xi32> to vector<128x1xi32>
    %eq3A_67 = vector.broadcast %slice3A_66 : vector<128x1xi32> to vector<128x1024xi32>
    %eq3A_68 = arith.cmpi eq, %eq3A_67, %iota3A : vector<128x1024xi32>
    %jit3A_69 = arith.constant 1.000000e+00 : f32
    %jit3A_70 = arith.constant 0.000000e+00 : f32
    %broadcast_in_dim3A_71 = vector.broadcast %jit3A_69 : f32 to vector<128x1024xf32>
    %broadcast_in_dim3A_72 = vector.broadcast %jit3A_70 : f32 to vector<128x1024xf32>
    %select_n3A_73 = arith.select %eq3A_68, %broadcast_in_dim3A_71, %broadcast_in_dim3A_72 : vector<128x1024xi1>, vector<128x1024xf32>
    %add3A_74 = arith.addf %add3A_65, %select_n3A_73 : vector<128x1024xf32>
    %slice3A_75 = vector.extract_strided_slice %get3A_13 {offsets = [0, 7], sizes = [128, 1], strides = [1, 1]} : vector<128x16xi32> to vector<128x1xi32>
    %eq3A_76 = vector.broadcast %slice3A_75 : vector<128x1xi32> to vector<128x1024xi32>
    %eq3A_77 = arith.cmpi eq, %eq3A_76, %iota3A : vector<128x1024xi32>
    %jit3A_78 = arith.constant 1.000000e+00 : f32
    %jit3A_79 = arith.constant 0.000000e+00 : f32
    %broadcast_in_dim3A_80 = vector.broadcast %jit3A_78 : f32 to vector<128x1024xf32>
    %broadcast_in_dim3A_81 = vector.broadcast %jit3A_79 : f32 to vector<128x1024xf32>
    %select_n3A_82 = arith.select %eq3A_77, %broadcast_in_dim3A_80, %broadcast_in_dim3A_81 : vector<128x1024xi1>, vector<128x1024xf32>
    %add3A_83 = arith.addf %add3A_74, %select_n3A_82 : vector<128x1024xf32>
    %slice3A_84 = vector.extract_strided_slice %get3A_13 {offsets = [0, 8], sizes = [128, 1], strides = [1, 1]} : vector<128x16xi32> to vector<128x1xi32>
    %eq3A_85 = vector.broadcast %slice3A_84 : vector<128x1xi32> to vector<128x1024xi32>
    %eq3A_86 = arith.cmpi eq, %eq3A_85, %iota3A : vector<128x1024xi32>
    %jit3A_87 = arith.constant 1.000000e+00 : f32
    %jit3A_88 = arith.constant 0.000000e+00 : f32
    %broadcast_in_dim3A_89 = vector.broadcast %jit3A_87 : f32 to vector<128x1024xf32>
    %broadcast_in_dim3A_90 = vector.broadcast %jit3A_88 : f32 to vector<128x1024xf32>
    %select_n3A_91 = arith.select %eq3A_86, %broadcast_in_dim3A_89, %broadcast_in_dim3A_90 : vector<128x1024xi1>, vector<128x1024xf32>
    %add3A_92 = arith.addf %add3A_83, %select_n3A_91 : vector<128x1024xf32>
    %slice3A_93 = vector.extract_strided_slice %get3A_13 {offsets = [0, 9], sizes = [128, 1], strides = [1, 1]} : vector<128x16xi32> to vector<128x1xi32>
    %eq3A_94 = vector.broadcast %slice3A_93 : vector<128x1xi32> to vector<128x1024xi32>
    %eq3A_95 = arith.cmpi eq, %eq3A_94, %iota3A : vector<128x1024xi32>
    %jit3A_96 = arith.constant 1.000000e+00 : f32
    %jit3A_97 = arith.constant 0.000000e+00 : f32
    %broadcast_in_dim3A_98 = vector.broadcast %jit3A_96 : f32 to vector<128x1024xf32>
    %broadcast_in_dim3A_99 = vector.broadcast %jit3A_97 : f32 to vector<128x1024xf32>
    %select_n3A_100 = arith.select %eq3A_95, %broadcast_in_dim3A_98, %broadcast_in_dim3A_99 : vector<128x1024xi1>, vector<128x1024xf32>
    %add3A_101 = arith.addf %add3A_92, %select_n3A_100 : vector<128x1024xf32>
    %slice3A_102 = vector.extract_strided_slice %get3A_13 {offsets = [0, 10], sizes = [128, 1], strides = [1, 1]} : vector<128x16xi32> to vector<128x1xi32>
    %eq3A_103 = vector.broadcast %slice3A_102 : vector<128x1xi32> to vector<128x1024xi32>
    %eq3A_104 = arith.cmpi eq, %eq3A_103, %iota3A : vector<128x1024xi32>
    %jit3A_105 = arith.constant 1.000000e+00 : f32
    %jit3A_106 = arith.constant 0.000000e+00 : f32
    %broadcast_in_dim3A_107 = vector.broadcast %jit3A_105 : f32 to vector<128x1024xf32>
    %broadcast_in_dim3A_108 = vector.broadcast %jit3A_106 : f32 to vector<128x1024xf32>
    %select_n3A_109 = arith.select %eq3A_104, %broadcast_in_dim3A_107, %broadcast_in_dim3A_108 : vector<128x1024xi1>, vector<128x1024xf32>
    %add3A_110 = arith.addf %add3A_101, %select_n3A_109 : vector<128x1024xf32>
    %slice3A_111 = vector.extract_strided_slice %get3A_13 {offsets = [0, 11], sizes = [128, 1], strides = [1, 1]} : vector<128x16xi32> to vector<128x1xi32>
    %eq3A_112 = vector.broadcast %slice3A_111 : vector<128x1xi32> to vector<128x1024xi32>
    %eq3A_113 = arith.cmpi eq, %eq3A_112, %iota3A : vector<128x1024xi32>
    %jit3A_114 = arith.constant 1.000000e+00 : f32
    %jit3A_115 = arith.constant 0.000000e+00 : f32
    %broadcast_in_dim3A_116 = vector.broadcast %jit3A_114 : f32 to vector<128x1024xf32>
    %broadcast_in_dim3A_117 = vector.broadcast %jit3A_115 : f32 to vector<128x1024xf32>
    %select_n3A_118 = arith.select %eq3A_113, %broadcast_in_dim3A_116, %broadcast_in_dim3A_117 : vector<128x1024xi1>, vector<128x1024xf32>
    %add3A_119 = arith.addf %add3A_110, %select_n3A_118 : vector<128x1024xf32>
    %slice3A_120 = vector.extract_strided_slice %get3A_13 {offsets = [0, 12], sizes = [128, 1], strides = [1, 1]} : vector<128x16xi32> to vector<128x1xi32>
    %eq3A_121 = vector.broadcast %slice3A_120 : vector<128x1xi32> to vector<128x1024xi32>
    %eq3A_122 = arith.cmpi eq, %eq3A_121, %iota3A : vector<128x1024xi32>
    %jit3A_123 = arith.constant 1.000000e+00 : f32
    %jit3A_124 = arith.constant 0.000000e+00 : f32
    %broadcast_in_dim3A_125 = vector.broadcast %jit3A_123 : f32 to vector<128x1024xf32>
    %broadcast_in_dim3A_126 = vector.broadcast %jit3A_124 : f32 to vector<128x1024xf32>
    %select_n3A_127 = arith.select %eq3A_122, %broadcast_in_dim3A_125, %broadcast_in_dim3A_126 : vector<128x1024xi1>, vector<128x1024xf32>
    %add3A_128 = arith.addf %add3A_119, %select_n3A_127 : vector<128x1024xf32>
    %slice3A_129 = vector.extract_strided_slice %get3A_13 {offsets = [0, 13], sizes = [128, 1], strides = [1, 1]} : vector<128x16xi32> to vector<128x1xi32>
    %eq3A_130 = vector.broadcast %slice3A_129 : vector<128x1xi32> to vector<128x1024xi32>
    %eq3A_131 = arith.cmpi eq, %eq3A_130, %iota3A : vector<128x1024xi32>
    %jit3A_132 = arith.constant 1.000000e+00 : f32
    %jit3A_133 = arith.constant 0.000000e+00 : f32
    %broadcast_in_dim3A_134 = vector.broadcast %jit3A_132 : f32 to vector<128x1024xf32>
    %broadcast_in_dim3A_135 = vector.broadcast %jit3A_133 : f32 to vector<128x1024xf32>
    %select_n3A_136 = arith.select %eq3A_131, %broadcast_in_dim3A_134, %broadcast_in_dim3A_135 : vector<128x1024xi1>, vector<128x1024xf32>
    %add3A_137 = arith.addf %add3A_128, %select_n3A_136 : vector<128x1024xf32>
    %slice3A_138 = vector.extract_strided_slice %get3A_13 {offsets = [0, 14], sizes = [128, 1], strides = [1, 1]} : vector<128x16xi32> to vector<128x1xi32>
    %eq3A_139 = vector.broadcast %slice3A_138 : vector<128x1xi32> to vector<128x1024xi32>
    %eq3A_140 = arith.cmpi eq, %eq3A_139, %iota3A : vector<128x1024xi32>
    %jit3A_141 = arith.constant 1.000000e+00 : f32
    %jit3A_142 = arith.constant 0.000000e+00 : f32
    %broadcast_in_dim3A_143 = vector.broadcast %jit3A_141 : f32 to vector<128x1024xf32>
    %broadcast_in_dim3A_144 = vector.broadcast %jit3A_142 : f32 to vector<128x1024xf32>
    %select_n3A_145 = arith.select %eq3A_140, %broadcast_in_dim3A_143, %broadcast_in_dim3A_144 : vector<128x1024xi1>, vector<128x1024xf32>
    %add3A_146 = arith.addf %add3A_137, %select_n3A_145 : vector<128x1024xf32>
    %slice3A_147 = vector.extract_strided_slice %get3A_13 {offsets = [0, 15], sizes = [128, 1], strides = [1, 1]} : vector<128x16xi32> to vector<128x1xi32>
    %eq3A_148 = vector.broadcast %slice3A_147 : vector<128x1xi32> to vector<128x1024xi32>
    %eq3A_149 = arith.cmpi eq, %eq3A_148, %iota3A : vector<128x1024xi32>
    %jit3A_150 = arith.constant 1.000000e+00 : f32
    %jit3A_151 = arith.constant 0.000000e+00 : f32
    %broadcast_in_dim3A_152 = vector.broadcast %jit3A_150 : f32 to vector<128x1024xf32>
    %broadcast_in_dim3A_153 = vector.broadcast %jit3A_151 : f32 to vector<128x1024xf32>
    %select_n3A_154 = arith.select %eq3A_149, %broadcast_in_dim3A_152, %broadcast_in_dim3A_153 : vector<128x1024xi1>, vector<128x1024xf32>
    %add3A_155 = arith.addf %add3A_146, %select_n3A_154 : vector<128x1024xf32>
    %mul3A = arith.constant 6.250000e-02 : f32
    %mul3A_156 = vector.broadcast %mul3A : f32 to vector<128x1024xf32>
    %mul3A_157 = arith.mulf %add3A_155, %mul3A_156 : vector<128x1024xf32>
    %convert_element_type3A = arith.truncf %mul3A_157 : vector<128x1024xf32> to vector<128x1024xbf16>
    %swap3A_158 = arith.constant 0 : index
    %swap3A_159 = arith.constant 0 : index
    %swap3A_160 = vector.load %arg10[%swap3A_158, %swap3A_159] : memref<128x1024xbf16, #tpu.memory_space<vmem>>, vector<128x1024xbf16>
    tpu.vector_store %arg10[%swap3A_158, %swap3A_159], %convert_element_type3A {strides = array<i32>} : memref<128x1024xbf16, #tpu.memory_space<vmem>>, vector<128x1024xbf16>,
    %get3A_161 = arith.constant 0 : index
    %get3A_162 = arith.constant 0 : index
    %get3A_163 = vector.load %arg5[%get3A_161, %get3A_162] : memref<128x64xf32, #tpu.memory_space<vmem>>, vector<128x64xf32>
    %get3A_164 = arith.constant 0 : index
    %get3A_165 = vector.load %arg7[%get3A_164] : memref<64xf32, #tpu.memory_space<vmem>>, vector<64xf32>
    %broadcast_in_dim3A_166 = vector.shape_cast %get3A_165 : vector<64xf32> to vector<1x64xf32>
    %mul3A_167 = vector.broadcast %broadcast_in_dim3A_166 : vector<1x64xf32> to vector<128x64xf32>
    %mul3A_168 = arith.mulf %get3A_163, %mul3A_167 : vector<128x64xf32>
    %reduce_sum3A = arith.constant dense<0.000000e+00> : vector<128xf32>
    %reduce_sum3A_169 = vector.multi_reduction <add>, %mul3A_168, %reduce_sum3A [1] : vector<128x64xf32> to vector<128xf32>
    %swap3A_170 = arith.constant 0 : index
    %swap3A_171 = vector.load %arg11[%swap3A_170] : memref<128xf32, #tpu.memory_space<vmem>>, vector<128xf32>
    tpu.vector_store %arg11[%swap3A_170], %reduce_sum3A_169 {strides = array<i32>} : memref<128xf32, #tpu.memory_space<vmem>>, vector<128xf32>,
    %get3A_172 = arith.constant 0 : index
    %get3A_173 = vector.load %arg8[%get3A_172] : memref<64xf32, #tpu.memory_space<vmem>>, vector<64xf32>
    %broadcast_in_dim3A_174 = vector.shape_cast %get3A_173 : vector<64xf32> to vector<1x64xf32>
    %mul3A_175 = vector.broadcast %broadcast_in_dim3A_174 : vector<1x64xf32> to vector<128x64xf32>
    %mul3A_176 = arith.mulf %get3A_163, %mul3A_175 : vector<128x64xf32>
    %reduce_sum3A_177 = arith.constant dense<0.000000e+00> : vector<128xf32>
    %reduce_sum3A_178 = vector.multi_reduction <add>, %mul3A_176, %reduce_sum3A_177 [1] : vector<128x64xf32> to vector<128xf32>
    %get3A_179 = arith.constant 0 : index
    %get3A_180 = vector.load %arg6[%get3A_179] : memref<128xf32, #tpu.memory_space<vmem>>, vector<128xf32>
    %add3A_181 = arith.addf %reduce_sum3A_178, %get3A_180 : vector<128xf32>
    %swap3A_182 = arith.constant 0 : index
    %swap3A_183 = vector.load %arg12[%swap3A_182] : memref<128xf32, #tpu.memory_space<vmem>>, vector<128xf32>
    tpu.vector_store %arg12[%swap3A_182], %add3A_181 {strides = array<i32>} : memref<128xf32, #tpu.memory_space<vmem>>, vector<128xf32>,
    return
  }
  func.func @transform_0(%arg0: i32) -> (i32, i32) {
    %c0_i32 = arith.constant 0 : i32
    %c0_i32_0 = arith.constant 0 : i32
    return %arg0, %c0_i32 : i32, i32
  }
  func.func @transform_1(%arg0: i32) -> (i32, i32) {
    %c0_i32 = arith.constant 0 : i32
    %c0_i32_0 = arith.constant 0 : i32
    %c0_i32_1 = arith.constant 0 : i32
    return %c0_i32, %c0_i32_0 : i32, i32
  }
  func.func @transform_2(%arg0: i32) -> i32 {
    %c0_i32 = arith.constant 0 : i32
    %c0_i32_0 = arith.constant 0 : i32
    return %c0_i32 : i32
  }
  func.func @transform_3(%arg0: i32) -> (i32, i32) {
    %c0_i32 = arith.constant 0 : i32
    %c0_i32_0 = arith.constant 0 : i32
    return %arg0, %c0_i32 : i32, i32
  }
  func.func @transform_4(%arg0: i32) -> (i32, i32) {
    %c0_i32 = arith.constant 0 : i32
    %c0_i32_0 = arith.constant 0 : i32
    %c0_i32_1 = arith.constant 0 : i32
    return %c0_i32, %c0_i32_0 : i32, i32
  }
  func.func @transform_5(%arg0: i32) -> i32 {
    %c0_i32 = arith.constant 0 : i32
    %c0_i32_0 = arith.constant 0 : i32
    return %c0_i32 : i32
  }
  func.func @transform_6(%arg0: i32) -> i32 {
    %c0_i32 = arith.constant 0 : i32
    %c0_i32_0 = arith.constant 0 : i32
    return %c0_i32 : i32
  }
  func.func @transform_7(%arg0: i32) -> i32 {
    %c0_i32 = arith.constant 0 : i32
    %c0_i32_0 = arith.constant 0 : i32
    return %c0_i32 : i32
  }
  func.func @transform_8(%arg0: i32) -> (i32, i32) {
    %c0_i32 = arith.constant 0 : i32
    %c0_i32_0 = arith.constant 0 : i32
    return %arg0, %c0_i32 : i32, i32
  }
  func.func @transform_9(%arg0: i32) -> (i32, i32) {
    %c0_i32 = arith.constant 0 : i32
    %c0_i32_0 = arith.constant 0 : i32
    return %arg0, %c0_i32 : i32, i32
  }
  func.func @transform_10(%arg0: i32) -> i32 {
    %c0_i32 = arith.constant 0 : i32
    %c0_i32_0 = arith.constant 0 : i32
    return %c0_i32 : i32
  }
  func.func @transform_11(%arg0: i32) -> i32 {
    %c0_i32 = arith.constant 0 : i32
    %c0_i32_0 = arith.constant 0 : i32
    return %c0_i32 : i32
  }
}

module attributes {stable_mosaic.version = 14 : i64} {
  func.func @_sattn_pre_kernel(%arg0: i32, %arg1: memref<1x2x1024xf32, #tpu.memory_space<vmem>>, %arg2: memref<1024x64xf32, #tpu.memory_space<vmem>>, %arg3: memref<64xf32, #tpu.memory_space<vmem>>, %arg4: memref<64xf32, #tpu.memory_space<vmem>>, %arg5: memref<1x1x128xf32, #tpu.memory_space<smem>>, %arg6: memref<1x2x1024x64xf32, #tpu.memory_space<vmem>>) attributes {dimension_semantics = [#tpu.dimension_semantics<arbitrary>], iteration_bounds = array<i64: 60>, scalar_prefetch = 0 : i64, scratch_operands = 0 : i64, tpu.core_type = #tpu.core_type<tc>, window_params = [{transform_indices = @transform_0, window_bounds = array<i64: 1, 2, 1024>}, {pipeline_mode = #tpu.pipeline_mode<synchronous>, transform_indices = @transform_1, window_bounds = array<i64: 1024, 64>}, {pipeline_mode = #tpu.pipeline_mode<synchronous>, transform_indices = @transform_2, window_bounds = array<i64: 64>}, {pipeline_mode = #tpu.pipeline_mode<synchronous>, transform_indices = @transform_3, window_bounds = array<i64: 64>}, {transform_indices = @transform_4, window_bounds = array<i64: 1, 1, 128>}, {transform_indices = @transform_5, window_bounds = array<i64: 1, 2, 1024, 64>}]} {
    %get3A = arith.constant 0 : index
    %get3A_0 = arith.constant 0 : index
    %get3A_1 = vector.load %arg2[%get3A, %get3A_0] : memref<1024x64xf32, #tpu.memory_space<vmem>>, vector<1024x64xf32>
    %get3A_2 = arith.constant 0 : index
    %get3A_3 = vector.load %arg3[%get3A_2] : memref<64xf32, #tpu.memory_space<vmem>>, vector<64xf32>
    %get3A_4 = arith.constant 0 : index
    %get3A_5 = vector.load %arg4[%get3A_4] : memref<64xf32, #tpu.memory_space<vmem>>, vector<64xf32>
    %get3A_6 = arith.constant 0 : index
    %get3A_7 = arith.constant 0 : index
    %get3A_8 = arith.constant 0 : index
    %get3A_9 = vector.load %arg1[%get3A_6, %get3A_7, %get3A_8] : memref<1x2x1024xf32, #tpu.memory_space<vmem>>, vector<1x2x1024xf32>
    %get3A_10 = vector.shape_cast %get3A_9 : vector<1x2x1024xf32> to vector<2x1024xf32>
    %broadcast_in_dim3A = vector.shape_cast %get3A_10 : vector<2x1024xf32> to vector<2x1024x1xf32>
    %broadcast_in_dim3A_11 = vector.shape_cast %get3A_3 : vector<64xf32> to vector<1x1x64xf32>
    %mul3A = vector.broadcast %broadcast_in_dim3A : vector<2x1024x1xf32> to vector<2x1024x64xf32>
    %mul3A_12 = vector.broadcast %broadcast_in_dim3A_11 : vector<1x1x64xf32> to vector<2x1024x64xf32>
    %mul3A_13 = arith.mulf %mul3A, %mul3A_12 : vector<2x1024x64xf32>
    %broadcast_in_dim3A_14 = vector.shape_cast %get3A_5 : vector<64xf32> to vector<1x1x64xf32>
    %add3A = vector.broadcast %broadcast_in_dim3A_14 : vector<1x1x64xf32> to vector<2x1024x64xf32>
    %add3A_15 = arith.addf %mul3A_13, %add3A : vector<2x1024x64xf32>
    %broadcast_in_dim3A_16 = vector.shape_cast %get3A_1 : vector<1024x64xf32> to vector<1x1024x64xf32>
    %add3A_17 = vector.broadcast %broadcast_in_dim3A_16 : vector<1x1024x64xf32> to vector<2x1024x64xf32>
    %add3A_18 = arith.addf %add3A_15, %add3A_17 : vector<2x1024x64xf32>
    %get3A_19 = arith.constant 0 : index
    %get3A_20 = arith.constant 0 : index
    %get3A_21 = arith.constant 0 : index
    %get3A_22 = memref.load %arg5[%get3A_19, %get3A_20, %get3A_21] : memref<1x1x128xf32, #tpu.memory_space<smem>>
    %mul3A_23 = vector.broadcast %get3A_22 : f32 to vector<2x1024x64xf32>
    %mul3A_24 = arith.mulf %add3A_18, %mul3A_23 : vector<2x1024x64xf32>
    %get3A_25 = arith.constant 0 : index
    %get3A_26 = arith.constant 0 : index
    %get3A_27 = arith.constant 1 : index
    %get3A_28 = memref.load %arg5[%get3A_25, %get3A_26, %get3A_27] : memref<1x1x128xf32, #tpu.memory_space<smem>>
    %add3A_29 = vector.broadcast %get3A_28 : f32 to vector<2x1024x64xf32>
    %add3A_30 = arith.addf %mul3A_24, %add3A_29 : vector<2x1024x64xf32>
    %get3A_31 = arith.constant 0 : index
    %get3A_32 = arith.constant 0 : index
    %get3A_33 = arith.constant 2 : index
    %get3A_34 = memref.load %arg5[%get3A_31, %get3A_32, %get3A_33] : memref<1x1x128xf32, #tpu.memory_space<smem>>
    %get3A_35 = arith.constant 0 : index
    %get3A_36 = arith.constant 0 : index
    %get3A_37 = arith.constant 3 : index
    %get3A_38 = memref.load %arg5[%get3A_35, %get3A_36, %get3A_37] : memref<1x1x128xf32, #tpu.memory_space<smem>>
    %get3A_39 = arith.constant 0 : index
    %get3A_40 = arith.constant 0 : index
    %get3A_41 = arith.constant 4 : index
    %get3A_42 = memref.load %arg5[%get3A_39, %get3A_40, %get3A_41] : memref<1x1x128xf32, #tpu.memory_space<smem>>
    %get3A_43 = arith.constant 0 : index
    %get3A_44 = arith.constant 0 : index
    %get3A_45 = arith.constant 5 : index
    %get3A_46 = memref.load %arg5[%get3A_43, %get3A_44, %get3A_45] : memref<1x1x128xf32, #tpu.memory_space<smem>>
    %get3A_47 = arith.constant 0 : index
    %get3A_48 = arith.constant 0 : index
    %get3A_49 = arith.constant 6 : index
    %get3A_50 = memref.load %arg5[%get3A_47, %get3A_48, %get3A_49] : memref<1x1x128xf32, #tpu.memory_space<smem>>
    %get3A_51 = arith.constant 0 : index
    %get3A_52 = arith.constant 0 : index
    %get3A_53 = arith.constant 7 : index
    %get3A_54 = memref.load %arg5[%get3A_51, %get3A_52, %get3A_53] : memref<1x1x128xf32, #tpu.memory_space<smem>>
    %get3A_55 = arith.constant 0 : index
    %get3A_56 = arith.constant 0 : index
    %get3A_57 = arith.constant 8 : index
    %get3A_58 = memref.load %arg5[%get3A_55, %get3A_56, %get3A_57] : memref<1x1x128xf32, #tpu.memory_space<smem>>
    %get3A_59 = arith.constant 0 : index
    %get3A_60 = arith.constant 0 : index
    %get3A_61 = arith.constant 10 : index
    %get3A_62 = memref.load %arg5[%get3A_59, %get3A_60, %get3A_61] : memref<1x1x128xf32, #tpu.memory_space<smem>>
    %get3A_63 = arith.constant 0 : index
    %get3A_64 = arith.constant 0 : index
    %get3A_65 = arith.constant 11 : index
    %get3A_66 = memref.load %arg5[%get3A_63, %get3A_64, %get3A_65] : memref<1x1x128xf32, #tpu.memory_space<smem>>
    %get3A_67 = arith.constant 0 : index
    %get3A_68 = arith.constant 0 : index
    %get3A_69 = arith.constant 12 : index
    %get3A_70 = memref.load %arg5[%get3A_67, %get3A_68, %get3A_69] : memref<1x1x128xf32, #tpu.memory_space<smem>>
    %get3A_71 = arith.constant 0 : index
    %get3A_72 = arith.constant 0 : index
    %get3A_73 = arith.constant 13 : index
    %get3A_74 = memref.load %arg5[%get3A_71, %get3A_72, %get3A_73] : memref<1x1x128xf32, #tpu.memory_space<smem>>
    %get3A_75 = arith.constant 0 : index
    %get3A_76 = arith.constant 0 : index
    %get3A_77 = arith.constant 14 : index
    %get3A_78 = memref.load %arg5[%get3A_75, %get3A_76, %get3A_77] : memref<1x1x128xf32, #tpu.memory_space<smem>>
    %get3A_79 = arith.constant 0 : index
    %get3A_80 = arith.constant 0 : index
    %get3A_81 = arith.constant 15 : index
    %get3A_82 = memref.load %arg5[%get3A_79, %get3A_80, %get3A_81] : memref<1x1x128xf32, #tpu.memory_space<smem>>
    %get3A_83 = arith.constant 0 : index
    %get3A_84 = arith.constant 0 : index
    %get3A_85 = arith.constant 16 : index
    %get3A_86 = memref.load %arg5[%get3A_83, %get3A_84, %get3A_85] : memref<1x1x128xf32, #tpu.memory_space<smem>>
    %get3A_87 = arith.constant 0 : index
    %get3A_88 = arith.constant 0 : index
    %get3A_89 = arith.constant 18 : index
    %get3A_90 = memref.load %arg5[%get3A_87, %get3A_88, %get3A_89] : memref<1x1x128xf32, #tpu.memory_space<smem>>
    %get3A_91 = arith.constant 0 : index
    %get3A_92 = arith.constant 0 : index
    %get3A_93 = arith.constant 19 : index
    %get3A_94 = memref.load %arg5[%get3A_91, %get3A_92, %get3A_93] : memref<1x1x128xf32, #tpu.memory_space<smem>>
    %get3A_95 = arith.constant 0 : index
    %get3A_96 = arith.constant 0 : index
    %get3A_97 = arith.constant 20 : index
    %get3A_98 = memref.load %arg5[%get3A_95, %get3A_96, %get3A_97] : memref<1x1x128xf32, #tpu.memory_space<smem>>
    %get3A_99 = arith.constant 0 : index
    %get3A_100 = arith.constant 0 : index
    %get3A_101 = arith.constant 21 : index
    %get3A_102 = memref.load %arg5[%get3A_99, %get3A_100, %get3A_101] : memref<1x1x128xf32, #tpu.memory_space<smem>>
    %get3A_103 = arith.constant 0 : index
    %get3A_104 = arith.constant 0 : index
    %get3A_105 = arith.constant 22 : index
    %get3A_106 = memref.load %arg5[%get3A_103, %get3A_104, %get3A_105] : memref<1x1x128xf32, #tpu.memory_space<smem>>
    %get3A_107 = arith.constant 0 : index
    %get3A_108 = arith.constant 0 : index
    %get3A_109 = arith.constant 23 : index
    %get3A_110 = memref.load %arg5[%get3A_107, %get3A_108, %get3A_109] : memref<1x1x128xf32, #tpu.memory_space<smem>>
    %get3A_111 = arith.constant 0 : index
    %get3A_112 = arith.constant 0 : index
    %get3A_113 = arith.constant 24 : index
    %get3A_114 = memref.load %arg5[%get3A_111, %get3A_112, %get3A_113] : memref<1x1x128xf32, #tpu.memory_space<smem>>
    %get3A_115 = arith.constant 0 : index
    %get3A_116 = arith.constant 0 : index
    %get3A_117 = arith.constant 25 : index
    %get3A_118 = memref.load %arg5[%get3A_115, %get3A_116, %get3A_117] : memref<1x1x128xf32, #tpu.memory_space<smem>>
    %get3A_119 = arith.constant 0 : index
    %get3A_120 = arith.constant 0 : index
    %get3A_121 = arith.constant 26 : index
    %get3A_122 = memref.load %arg5[%get3A_119, %get3A_120, %get3A_121] : memref<1x1x128xf32, #tpu.memory_space<smem>>
    %get3A_123 = arith.constant 0 : index
    %get3A_124 = arith.constant 0 : index
    %get3A_125 = arith.constant 27 : index
    %get3A_126 = memref.load %arg5[%get3A_123, %get3A_124, %get3A_125] : memref<1x1x128xf32, #tpu.memory_space<smem>>
    %get3A_127 = arith.constant 0 : index
    %get3A_128 = arith.constant 0 : index
    %get3A_129 = arith.constant 28 : index
    %get3A_130 = memref.load %arg5[%get3A_127, %get3A_128, %get3A_129] : memref<1x1x128xf32, #tpu.memory_space<smem>>
    %get3A_131 = arith.constant 0 : index
    %get3A_132 = arith.constant 0 : index
    %get3A_133 = arith.constant 30 : index
    %get3A_134 = memref.load %arg5[%get3A_131, %get3A_132, %get3A_133] : memref<1x1x128xf32, #tpu.memory_space<smem>>
    %get3A_135 = arith.constant 0 : index
    %get3A_136 = arith.constant 0 : index
    %get3A_137 = arith.constant 31 : index
    %get3A_138 = memref.load %arg5[%get3A_135, %get3A_136, %get3A_137] : memref<1x1x128xf32, #tpu.memory_space<smem>>
    %get3A_139 = arith.constant 0 : index
    %get3A_140 = arith.constant 0 : index
    %get3A_141 = arith.constant 32 : index
    %get3A_142 = memref.load %arg5[%get3A_139, %get3A_140, %get3A_141] : memref<1x1x128xf32, #tpu.memory_space<smem>>
    %get3A_143 = arith.constant 0 : index
    %get3A_144 = arith.constant 0 : index
    %get3A_145 = arith.constant 33 : index
    %get3A_146 = memref.load %arg5[%get3A_143, %get3A_144, %get3A_145] : memref<1x1x128xf32, #tpu.memory_space<smem>>
    %get3A_147 = arith.constant 0 : index
    %get3A_148 = arith.constant 0 : index
    %get3A_149 = arith.constant 34 : index
    %get3A_150 = memref.load %arg5[%get3A_147, %get3A_148, %get3A_149] : memref<1x1x128xf32, #tpu.memory_space<smem>>
    %get3A_151 = arith.constant 0 : index
    %get3A_152 = arith.constant 0 : index
    %get3A_153 = arith.constant 35 : index
    %get3A_154 = memref.load %arg5[%get3A_151, %get3A_152, %get3A_153] : memref<1x1x128xf32, #tpu.memory_space<smem>>
    %get3A_155 = arith.constant 0 : index
    %get3A_156 = arith.constant 0 : index
    %get3A_157 = arith.constant 36 : index
    %get3A_158 = memref.load %arg5[%get3A_155, %get3A_156, %get3A_157] : memref<1x1x128xf32, #tpu.memory_space<smem>>
    %get3A_159 = arith.constant 0 : index
    %get3A_160 = arith.constant 0 : index
    %get3A_161 = arith.constant 37 : index
    %get3A_162 = memref.load %arg5[%get3A_159, %get3A_160, %get3A_161] : memref<1x1x128xf32, #tpu.memory_space<smem>>
    %get3A_163 = arith.constant 0 : index
    %get3A_164 = arith.constant 0 : index
    %get3A_165 = arith.constant 38 : index
    %get3A_166 = memref.load %arg5[%get3A_163, %get3A_164, %get3A_165] : memref<1x1x128xf32, #tpu.memory_space<smem>>
    %get3A_167 = arith.constant 0 : index
    %get3A_168 = arith.constant 0 : index
    %get3A_169 = arith.constant 39 : index
    %get3A_170 = memref.load %arg5[%get3A_167, %get3A_168, %get3A_169] : memref<1x1x128xf32, #tpu.memory_space<smem>>
    %get3A_171 = arith.constant 0 : index
    %get3A_172 = arith.constant 0 : index
    %get3A_173 = arith.constant 40 : index
    %get3A_174 = memref.load %arg5[%get3A_171, %get3A_172, %get3A_173] : memref<1x1x128xf32, #tpu.memory_space<smem>>
    %get3A_175 = arith.constant 0 : index
    %get3A_176 = arith.constant 0 : index
    %get3A_177 = arith.constant 42 : index
    %get3A_178 = memref.load %arg5[%get3A_175, %get3A_176, %get3A_177] : memref<1x1x128xf32, #tpu.memory_space<smem>>
    %get3A_179 = arith.constant 0 : index
    %get3A_180 = arith.constant 0 : index
    %get3A_181 = arith.constant 43 : index
    %get3A_182 = memref.load %arg5[%get3A_179, %get3A_180, %get3A_181] : memref<1x1x128xf32, #tpu.memory_space<smem>>
    %get3A_183 = arith.constant 0 : index
    %get3A_184 = arith.constant 0 : index
    %get3A_185 = arith.constant 44 : index
    %get3A_186 = memref.load %arg5[%get3A_183, %get3A_184, %get3A_185] : memref<1x1x128xf32, #tpu.memory_space<smem>>
    %get3A_187 = arith.constant 0 : index
    %get3A_188 = arith.constant 0 : index
    %get3A_189 = arith.constant 45 : index
    %get3A_190 = memref.load %arg5[%get3A_187, %get3A_188, %get3A_189] : memref<1x1x128xf32, #tpu.memory_space<smem>>
    %get3A_191 = arith.constant 0 : index
    %get3A_192 = arith.constant 0 : index
    %get3A_193 = arith.constant 46 : index
    %get3A_194 = memref.load %arg5[%get3A_191, %get3A_192, %get3A_193] : memref<1x1x128xf32, #tpu.memory_space<smem>>
    %get3A_195 = arith.constant 0 : index
    %get3A_196 = arith.constant 0 : index
    %get3A_197 = arith.constant 47 : index
    %get3A_198 = memref.load %arg5[%get3A_195, %get3A_196, %get3A_197] : memref<1x1x128xf32, #tpu.memory_space<smem>>
    %get3A_199 = arith.constant 0 : index
    %get3A_200 = arith.constant 0 : index
    %get3A_201 = arith.constant 48 : index
    %get3A_202 = memref.load %arg5[%get3A_199, %get3A_200, %get3A_201] : memref<1x1x128xf32, #tpu.memory_space<smem>>
    %get3A_203 = arith.constant 0 : index
    %get3A_204 = arith.constant 0 : index
    %get3A_205 = arith.constant 49 : index
    %get3A_206 = memref.load %arg5[%get3A_203, %get3A_204, %get3A_205] : memref<1x1x128xf32, #tpu.memory_space<smem>>
    %get3A_207 = arith.constant 0 : index
    %get3A_208 = arith.constant 0 : index
    %get3A_209 = arith.constant 50 : index
    %get3A_210 = memref.load %arg5[%get3A_207, %get3A_208, %get3A_209] : memref<1x1x128xf32, #tpu.memory_space<smem>>
    %get3A_211 = arith.constant 0 : index
    %get3A_212 = arith.constant 0 : index
    %get3A_213 = arith.constant 51 : index
    %get3A_214 = memref.load %arg5[%get3A_211, %get3A_212, %get3A_213] : memref<1x1x128xf32, #tpu.memory_space<smem>>
    %get3A_215 = arith.constant 0 : index
    %get3A_216 = arith.constant 0 : index
    %get3A_217 = arith.constant 52 : index
    %get3A_218 = memref.load %arg5[%get3A_215, %get3A_216, %get3A_217] : memref<1x1x128xf32, #tpu.memory_space<smem>>
    %get3A_219 = arith.constant 0 : index
    %get3A_220 = arith.constant 0 : index
    %get3A_221 = arith.constant 53 : index
    %get3A_222 = memref.load %arg5[%get3A_219, %get3A_220, %get3A_221] : memref<1x1x128xf32, #tpu.memory_space<smem>>
    %get3A_223 = arith.constant 0 : index
    %get3A_224 = arith.constant 0 : index
    %get3A_225 = arith.constant 54 : index
    %get3A_226 = memref.load %arg5[%get3A_223, %get3A_224, %get3A_225] : memref<1x1x128xf32, #tpu.memory_space<smem>>
    %get3A_227 = arith.constant 0 : index
    %get3A_228 = arith.constant 0 : index
    %get3A_229 = arith.constant 55 : index
    %get3A_230 = memref.load %arg5[%get3A_227, %get3A_228, %get3A_229] : memref<1x1x128xf32, #tpu.memory_space<smem>>
    %get3A_231 = arith.constant 0 : index
    %get3A_232 = arith.constant 0 : index
    %get3A_233 = arith.constant 56 : index
    %get3A_234 = memref.load %arg5[%get3A_231, %get3A_232, %get3A_233] : memref<1x1x128xf32, #tpu.memory_space<smem>>
    %get3A_235 = arith.constant 0 : index
    %get3A_236 = arith.constant 0 : index
    %get3A_237 = arith.constant 57 : index
    %get3A_238 = memref.load %arg5[%get3A_235, %get3A_236, %get3A_237] : memref<1x1x128xf32, #tpu.memory_space<smem>>
    %get3A_239 = arith.constant 0 : index
    %get3A_240 = arith.constant 0 : index
    %get3A_241 = arith.constant 58 : index
    %get3A_242 = memref.load %arg5[%get3A_239, %get3A_240, %get3A_241] : memref<1x1x128xf32, #tpu.memory_space<smem>>
    %get3A_243 = arith.constant 0 : index
    %get3A_244 = arith.constant 0 : index
    %get3A_245 = arith.constant 59 : index
    %get3A_246 = memref.load %arg5[%get3A_243, %get3A_244, %get3A_245] : memref<1x1x128xf32, #tpu.memory_space<smem>>
    %get3A_247 = arith.constant 0 : index
    %get3A_248 = arith.constant 0 : index
    %get3A_249 = arith.constant 60 : index
    %get3A_250 = memref.load %arg5[%get3A_247, %get3A_248, %get3A_249] : memref<1x1x128xf32, #tpu.memory_space<smem>>
    %get3A_251 = arith.constant 0 : index
    %get3A_252 = arith.constant 0 : index
    %get3A_253 = arith.constant 61 : index
    %get3A_254 = memref.load %arg5[%get3A_251, %get3A_252, %get3A_253] : memref<1x1x128xf32, #tpu.memory_space<smem>>
    %get3A_255 = arith.constant 0 : index
    %get3A_256 = arith.constant 0 : index
    %get3A_257 = arith.constant 62 : index
    %get3A_258 = memref.load %arg5[%get3A_255, %get3A_256, %get3A_257] : memref<1x1x128xf32, #tpu.memory_space<smem>>
    %get3A_259 = arith.constant 0 : index
    %get3A_260 = arith.constant 0 : index
    %get3A_261 = arith.constant 64 : index
    %get3A_262 = memref.load %arg5[%get3A_259, %get3A_260, %get3A_261] : memref<1x1x128xf32, #tpu.memory_space<smem>>
    %get3A_263 = arith.constant 0 : index
    %get3A_264 = arith.constant 0 : index
    %get3A_265 = arith.constant 65 : index
    %get3A_266 = memref.load %arg5[%get3A_263, %get3A_264, %get3A_265] : memref<1x1x128xf32, #tpu.memory_space<smem>>
    %get3A_267 = arith.constant 0 : index
    %get3A_268 = arith.constant 0 : index
    %get3A_269 = arith.constant 66 : index
    %get3A_270 = memref.load %arg5[%get3A_267, %get3A_268, %get3A_269] : memref<1x1x128xf32, #tpu.memory_space<smem>>
    %get3A_271 = arith.constant 0 : index
    %get3A_272 = arith.constant 0 : index
    %get3A_273 = arith.constant 67 : index
    %get3A_274 = memref.load %arg5[%get3A_271, %get3A_272, %get3A_273] : memref<1x1x128xf32, #tpu.memory_space<smem>>
    %get3A_275 = arith.constant 0 : index
    %get3A_276 = arith.constant 0 : index
    %get3A_277 = arith.constant 68 : index
    %get3A_278 = memref.load %arg5[%get3A_275, %get3A_276, %get3A_277] : memref<1x1x128xf32, #tpu.memory_space<smem>>
    %get3A_279 = arith.constant 0 : index
    %get3A_280 = arith.constant 0 : index
    %get3A_281 = arith.constant 69 : index
    %get3A_282 = memref.load %arg5[%get3A_279, %get3A_280, %get3A_281] : memref<1x1x128xf32, #tpu.memory_space<smem>>
    %get3A_283 = arith.constant 0 : index
    %get3A_284 = arith.constant 0 : index
    %get3A_285 = arith.constant 70 : index
    %get3A_286 = memref.load %arg5[%get3A_283, %get3A_284, %get3A_285] : memref<1x1x128xf32, #tpu.memory_space<smem>>
    %get3A_287 = arith.constant 0 : index
    %get3A_288 = arith.constant 0 : index
    %get3A_289 = arith.constant 71 : index
    %get3A_290 = memref.load %arg5[%get3A_287, %get3A_288, %get3A_289] : memref<1x1x128xf32, #tpu.memory_space<smem>>
    %get3A_291 = arith.constant 0 : index
    %get3A_292 = arith.constant 0 : index
    %get3A_293 = arith.constant 72 : index
    %get3A_294 = memref.load %arg5[%get3A_291, %get3A_292, %get3A_293] : memref<1x1x128xf32, #tpu.memory_space<smem>>
    %get3A_295 = arith.constant 0 : index
    %get3A_296 = arith.constant 0 : index
    %get3A_297 = arith.constant 73 : index
    %get3A_298 = memref.load %arg5[%get3A_295, %get3A_296, %get3A_297] : memref<1x1x128xf32, #tpu.memory_space<smem>>
    %get3A_299 = arith.constant 0 : index
    %get3A_300 = arith.constant 0 : index
    %get3A_301 = arith.constant 74 : index
    %get3A_302 = memref.load %arg5[%get3A_299, %get3A_300, %get3A_301] : memref<1x1x128xf32, #tpu.memory_space<smem>>
    %get3A_303 = arith.constant 0 : index
    %get3A_304 = arith.constant 0 : index
    %get3A_305 = arith.constant 75 : index
    %get3A_306 = memref.load %arg5[%get3A_303, %get3A_304, %get3A_305] : memref<1x1x128xf32, #tpu.memory_space<smem>>
    %get3A_307 = arith.constant 0 : index
    %get3A_308 = arith.constant 0 : index
    %get3A_309 = arith.constant 76 : index
    %get3A_310 = memref.load %arg5[%get3A_307, %get3A_308, %get3A_309] : memref<1x1x128xf32, #tpu.memory_space<smem>>
    %get3A_311 = arith.constant 0 : index
    %get3A_312 = arith.constant 0 : index
    %get3A_313 = arith.constant 77 : index
    %get3A_314 = memref.load %arg5[%get3A_311, %get3A_312, %get3A_313] : memref<1x1x128xf32, #tpu.memory_space<smem>>
    %get3A_315 = arith.constant 0 : index
    %get3A_316 = arith.constant 0 : index
    %get3A_317 = arith.constant 78 : index
    %get3A_318 = memref.load %arg5[%get3A_315, %get3A_316, %get3A_317] : memref<1x1x128xf32, #tpu.memory_space<smem>>
    %get3A_319 = arith.constant 0 : index
    %get3A_320 = arith.constant 0 : index
    %get3A_321 = arith.constant 79 : index
    %get3A_322 = memref.load %arg5[%get3A_319, %get3A_320, %get3A_321] : memref<1x1x128xf32, #tpu.memory_space<smem>>
    %get3A_323 = arith.constant 0 : index
    %get3A_324 = arith.constant 0 : index
    %get3A_325 = arith.constant 80 : index
    %get3A_326 = memref.load %arg5[%get3A_323, %get3A_324, %get3A_325] : memref<1x1x128xf32, #tpu.memory_space<smem>>
    %get3A_327 = arith.constant 0 : index
    %get3A_328 = arith.constant 0 : index
    %get3A_329 = arith.constant 81 : index
    %get3A_330 = memref.load %arg5[%get3A_327, %get3A_328, %get3A_329] : memref<1x1x128xf32, #tpu.memory_space<smem>>
    %get3A_331 = arith.constant 0 : index
    %get3A_332 = arith.constant 0 : index
    %get3A_333 = arith.constant 82 : index
    %get3A_334 = memref.load %arg5[%get3A_331, %get3A_332, %get3A_333] : memref<1x1x128xf32, #tpu.memory_space<smem>>
    %get3A_335 = arith.constant 0 : index
    %get3A_336 = arith.constant 0 : index
    %get3A_337 = arith.constant 83 : index
    %get3A_338 = memref.load %arg5[%get3A_335, %get3A_336, %get3A_337] : memref<1x1x128xf32, #tpu.memory_space<smem>>
    %get3A_339 = arith.constant 0 : index
    %get3A_340 = arith.constant 0 : index
    %get3A_341 = arith.constant 84 : index
    %get3A_342 = memref.load %arg5[%get3A_339, %get3A_340, %get3A_341] : memref<1x1x128xf32, #tpu.memory_space<smem>>
    %iota3A = tpu.iota {dimensions = array<i32: 0>} : vector<64x64xi32>
    %iota3A_343 = tpu.iota {dimensions = array<i32: 1>} : vector<64x64xi32>
    %sub3A = arith.subi %iota3A, %iota3A_343 : vector<64x64xi32>
    %add3A_344 = arith.constant 3 : i32
    %add3A_345 = vector.broadcast %add3A_344 : i32 to vector<64x64xi32>
    %add3A_346 = arith.addi %sub3A, %add3A_345 : vector<64x64xi32>
    %broadcast_in_dim3A_347 = arith.constant 0.000000e+00 : f32
    %broadcast_in_dim3A_348 = vector.broadcast %broadcast_in_dim3A_347 : f32 to vector<64x64xf32>
    %eq3A = arith.constant 0 : i32
    %eq3A_349 = vector.broadcast %eq3A : i32 to vector<64x64xi32>
    %eq3A_350 = arith.cmpi eq, %add3A_346, %eq3A_349 : vector<64x64xi32>
    %jit3A = arith.constant 0.000000e+00 : f32
    %broadcast_in_dim3A_351 = vector.broadcast %get3A_34 : f32 to vector<64x64xf32>
    %broadcast_in_dim3A_352 = vector.broadcast %jit3A : f32 to vector<64x64xf32>
    %select_n3A = arith.select %eq3A_350, %broadcast_in_dim3A_351, %broadcast_in_dim3A_352 : vector<64x64xi1>, vector<64x64xf32>
    %add3A_353 = arith.addf %broadcast_in_dim3A_348, %select_n3A : vector<64x64xf32>
    %eq3A_354 = arith.constant 1 : i32
    %eq3A_355 = vector.broadcast %eq3A_354 : i32 to vector<64x64xi32>
    %eq3A_356 = arith.cmpi eq, %add3A_346, %eq3A_355 : vector<64x64xi32>
    %jit3A_357 = arith.constant 0.000000e+00 : f32
    %broadcast_in_dim3A_358 = vector.broadcast %get3A_38 : f32 to vector<64x64xf32>
    %broadcast_in_dim3A_359 = vector.broadcast %jit3A_357 : f32 to vector<64x64xf32>
    %select_n3A_360 = arith.select %eq3A_356, %broadcast_in_dim3A_358, %broadcast_in_dim3A_359 : vector<64x64xi1>, vector<64x64xf32>
    %add3A_361 = arith.addf %add3A_353, %select_n3A_360 : vector<64x64xf32>
    %eq3A_362 = arith.constant 2 : i32
    %eq3A_363 = vector.broadcast %eq3A_362 : i32 to vector<64x64xi32>
    %eq3A_364 = arith.cmpi eq, %add3A_346, %eq3A_363 : vector<64x64xi32>
    %jit3A_365 = arith.constant 0.000000e+00 : f32
    %broadcast_in_dim3A_366 = vector.broadcast %get3A_42 : f32 to vector<64x64xf32>
    %broadcast_in_dim3A_367 = vector.broadcast %jit3A_365 : f32 to vector<64x64xf32>
    %select_n3A_368 = arith.select %eq3A_364, %broadcast_in_dim3A_366, %broadcast_in_dim3A_367 : vector<64x64xi1>, vector<64x64xf32>
    %add3A_369 = arith.addf %add3A_361, %select_n3A_368 : vector<64x64xf32>
    %eq3A_370 = arith.constant 3 : i32
    %eq3A_371 = vector.broadcast %eq3A_370 : i32 to vector<64x64xi32>
    %eq3A_372 = arith.cmpi eq, %add3A_346, %eq3A_371 : vector<64x64xi32>
    %jit3A_373 = arith.constant 0.000000e+00 : f32
    %broadcast_in_dim3A_374 = vector.broadcast %get3A_46 : f32 to vector<64x64xf32>
    %broadcast_in_dim3A_375 = vector.broadcast %jit3A_373 : f32 to vector<64x64xf32>
    %select_n3A_376 = arith.select %eq3A_372, %broadcast_in_dim3A_374, %broadcast_in_dim3A_375 : vector<64x64xi1>, vector<64x64xf32>
    %add3A_377 = arith.addf %add3A_369, %select_n3A_376 : vector<64x64xf32>
    %eq3A_378 = arith.constant 4 : i32
    %eq3A_379 = vector.broadcast %eq3A_378 : i32 to vector<64x64xi32>
    %eq3A_380 = arith.cmpi eq, %add3A_346, %eq3A_379 : vector<64x64xi32>
    %jit3A_381 = arith.constant 0.000000e+00 : f32
    %broadcast_in_dim3A_382 = vector.broadcast %get3A_50 : f32 to vector<64x64xf32>
    %broadcast_in_dim3A_383 = vector.broadcast %jit3A_381 : f32 to vector<64x64xf32>
    %select_n3A_384 = arith.select %eq3A_380, %broadcast_in_dim3A_382, %broadcast_in_dim3A_383 : vector<64x64xi1>, vector<64x64xf32>
    %add3A_385 = arith.addf %add3A_377, %select_n3A_384 : vector<64x64xf32>
    %eq3A_386 = arith.constant 5 : i32
    %eq3A_387 = vector.broadcast %eq3A_386 : i32 to vector<64x64xi32>
    %eq3A_388 = arith.cmpi eq, %add3A_346, %eq3A_387 : vector<64x64xi32>
    %jit3A_389 = arith.constant 0.000000e+00 : f32
    %broadcast_in_dim3A_390 = vector.broadcast %get3A_54 : f32 to vector<64x64xf32>
    %broadcast_in_dim3A_391 = vector.broadcast %jit3A_389 : f32 to vector<64x64xf32>
    %select_n3A_392 = arith.select %eq3A_388, %broadcast_in_dim3A_390, %broadcast_in_dim3A_391 : vector<64x64xi1>, vector<64x64xf32>
    %add3A_393 = arith.addf %add3A_385, %select_n3A_392 : vector<64x64xf32>
    %eq3A_394 = arith.constant 6 : i32
    %eq3A_395 = vector.broadcast %eq3A_394 : i32 to vector<64x64xi32>
    %eq3A_396 = arith.cmpi eq, %add3A_346, %eq3A_395 : vector<64x64xi32>
    %jit3A_397 = arith.constant 0.000000e+00 : f32
    %broadcast_in_dim3A_398 = vector.broadcast %get3A_58 : f32 to vector<64x64xf32>
    %broadcast_in_dim3A_399 = vector.broadcast %jit3A_397 : f32 to vector<64x64xf32>
    %select_n3A_400 = arith.select %eq3A_396, %broadcast_in_dim3A_398, %broadcast_in_dim3A_399 : vector<64x64xi1>, vector<64x64xf32>
    %add3A_401 = arith.addf %add3A_393, %select_n3A_400 : vector<64x64xf32>
    %iota3A_402 = tpu.iota {dimensions = array<i32: 0>} : vector<64x64xi32>
    %iota3A_403 = tpu.iota {dimensions = array<i32: 1>} : vector<64x64xi32>
    %sub3A_404 = arith.subi %iota3A_402, %iota3A_403 : vector<64x64xi32>
    %add3A_405 = arith.constant 5 : i32
    %add3A_406 = vector.broadcast %add3A_405 : i32 to vector<64x64xi32>
    %add3A_407 = arith.addi %sub3A_404, %add3A_406 : vector<64x64xi32>
    %broadcast_in_dim3A_408 = arith.constant 0.000000e+00 : f32
    %broadcast_in_dim3A_409 = vector.broadcast %broadcast_in_dim3A_408 : f32 to vector<64x64xf32>
    %eq3A_410 = arith.constant 0 : i32
    %eq3A_411 = vector.broadcast %eq3A_410 : i32 to vector<64x64xi32>
    %eq3A_412 = arith.cmpi eq, %add3A_407, %eq3A_411 : vector<64x64xi32>
    %jit3A_413 = arith.constant 0.000000e+00 : f32
    %broadcast_in_dim3A_414 = vector.broadcast %get3A_90 : f32 to vector<64x64xf32>
    %broadcast_in_dim3A_415 = vector.broadcast %jit3A_413 : f32 to vector<64x64xf32>
    %select_n3A_416 = arith.select %eq3A_412, %broadcast_in_dim3A_414, %broadcast_in_dim3A_415 : vector<64x64xi1>, vector<64x64xf32>
    %add3A_417 = arith.addf %broadcast_in_dim3A_409, %select_n3A_416 : vector<64x64xf32>
    %eq3A_418 = arith.constant 1 : i32
    %eq3A_419 = vector.broadcast %eq3A_418 : i32 to vector<64x64xi32>
    %eq3A_420 = arith.cmpi eq, %add3A_407, %eq3A_419 : vector<64x64xi32>
    %jit3A_421 = arith.constant 0.000000e+00 : f32
    %broadcast_in_dim3A_422 = vector.broadcast %get3A_94 : f32 to vector<64x64xf32>
    %broadcast_in_dim3A_423 = vector.broadcast %jit3A_421 : f32 to vector<64x64xf32>
    %select_n3A_424 = arith.select %eq3A_420, %broadcast_in_dim3A_422, %broadcast_in_dim3A_423 : vector<64x64xi1>, vector<64x64xf32>
    %add3A_425 = arith.addf %add3A_417, %select_n3A_424 : vector<64x64xf32>
    %eq3A_426 = arith.constant 2 : i32
    %eq3A_427 = vector.broadcast %eq3A_426 : i32 to vector<64x64xi32>
    %eq3A_428 = arith.cmpi eq, %add3A_407, %eq3A_427 : vector<64x64xi32>
    %jit3A_429 = arith.constant 0.000000e+00 : f32
    %broadcast_in_dim3A_430 = vector.broadcast %get3A_98 : f32 to vector<64x64xf32>
    %broadcast_in_dim3A_431 = vector.broadcast %jit3A_429 : f32 to vector<64x64xf32>
    %select_n3A_432 = arith.select %eq3A_428, %broadcast_in_dim3A_430, %broadcast_in_dim3A_431 : vector<64x64xi1>, vector<64x64xf32>
    %add3A_433 = arith.addf %add3A_425, %select_n3A_432 : vector<64x64xf32>
    %eq3A_434 = arith.constant 3 : i32
    %eq3A_435 = vector.broadcast %eq3A_434 : i32 to vector<64x64xi32>
    %eq3A_436 = arith.cmpi eq, %add3A_407, %eq3A_435 : vector<64x64xi32>
    %jit3A_437 = arith.constant 0.000000e+00 : f32
    %broadcast_in_dim3A_438 = vector.broadcast %get3A_102 : f32 to vector<64x64xf32>
    %broadcast_in_dim3A_439 = vector.broadcast %jit3A_437 : f32 to vector<64x64xf32>
    %select_n3A_440 = arith.select %eq3A_436, %broadcast_in_dim3A_438, %broadcast_in_dim3A_439 : vector<64x64xi1>, vector<64x64xf32>
    %add3A_441 = arith.addf %add3A_433, %select_n3A_440 : vector<64x64xf32>
    %eq3A_442 = arith.constant 4 : i32
    %eq3A_443 = vector.broadcast %eq3A_442 : i32 to vector<64x64xi32>
    %eq3A_444 = arith.cmpi eq, %add3A_407, %eq3A_443 : vector<64x64xi32>
    %jit3A_445 = arith.constant 0.000000e+00 : f32
    %broadcast_in_dim3A_446 = vector.broadcast %get3A_106 : f32 to vector<64x64xf32>
    %broadcast_in_dim3A_447 = vector.broadcast %jit3A_445 : f32 to vector<64x64xf32>
    %select_n3A_448 = arith.select %eq3A_444, %broadcast_in_dim3A_446, %broadcast_in_dim3A_447 : vector<64x64xi1>, vector<64x64xf32>
    %add3A_449 = arith.addf %add3A_441, %select_n3A_448 : vector<64x64xf32>
    %eq3A_450 = arith.constant 5 : i32
    %eq3A_451 = vector.broadcast %eq3A_450 : i32 to vector<64x64xi32>
    %eq3A_452 = arith.cmpi eq, %add3A_407, %eq3A_451 : vector<64x64xi32>
    %jit3A_453 = arith.constant 0.000000e+00 : f32
    %broadcast_in_dim3A_454 = vector.broadcast %get3A_110 : f32 to vector<64x64xf32>
    %broadcast_in_dim3A_455 = vector.broadcast %jit3A_453 : f32 to vector<64x64xf32>
    %select_n3A_456 = arith.select %eq3A_452, %broadcast_in_dim3A_454, %broadcast_in_dim3A_455 : vector<64x64xi1>, vector<64x64xf32>
    %add3A_457 = arith.addf %add3A_449, %select_n3A_456 : vector<64x64xf32>
    %eq3A_458 = arith.constant 6 : i32
    %eq3A_459 = vector.broadcast %eq3A_458 : i32 to vector<64x64xi32>
    %eq3A_460 = arith.cmpi eq, %add3A_407, %eq3A_459 : vector<64x64xi32>
    %jit3A_461 = arith.constant 0.000000e+00 : f32
    %broadcast_in_dim3A_462 = vector.broadcast %get3A_114 : f32 to vector<64x64xf32>
    %broadcast_in_dim3A_463 = vector.broadcast %jit3A_461 : f32 to vector<64x64xf32>
    %select_n3A_464 = arith.select %eq3A_460, %broadcast_in_dim3A_462, %broadcast_in_dim3A_463 : vector<64x64xi1>, vector<64x64xf32>
    %add3A_465 = arith.addf %add3A_457, %select_n3A_464 : vector<64x64xf32>
    %eq3A_466 = arith.constant 7 : i32
    %eq3A_467 = vector.broadcast %eq3A_466 : i32 to vector<64x64xi32>
    %eq3A_468 = arith.cmpi eq, %add3A_407, %eq3A_467 : vector<64x64xi32>
    %jit3A_469 = arith.constant 0.000000e+00 : f32
    %broadcast_in_dim3A_470 = vector.broadcast %get3A_118 : f32 to vector<64x64xf32>
    %broadcast_in_dim3A_471 = vector.broadcast %jit3A_469 : f32 to vector<64x64xf32>
    %select_n3A_472 = arith.select %eq3A_468, %broadcast_in_dim3A_470, %broadcast_in_dim3A_471 : vector<64x64xi1>, vector<64x64xf32>
    %add3A_473 = arith.addf %add3A_465, %select_n3A_472 : vector<64x64xf32>
    %eq3A_474 = arith.constant 8 : i32
    %eq3A_475 = vector.broadcast %eq3A_474 : i32 to vector<64x64xi32>
    %eq3A_476 = arith.cmpi eq, %add3A_407, %eq3A_475 : vector<64x64xi32>
    %jit3A_477 = arith.constant 0.000000e+00 : f32
    %broadcast_in_dim3A_478 = vector.broadcast %get3A_122 : f32 to vector<64x64xf32>
    %broadcast_in_dim3A_479 = vector.broadcast %jit3A_477 : f32 to vector<64x64xf32>
    %select_n3A_480 = arith.select %eq3A_476, %broadcast_in_dim3A_478, %broadcast_in_dim3A_479 : vector<64x64xi1>, vector<64x64xf32>
    %add3A_481 = arith.addf %add3A_473, %select_n3A_480 : vector<64x64xf32>
    %eq3A_482 = arith.constant 9 : i32
    %eq3A_483 = vector.broadcast %eq3A_482 : i32 to vector<64x64xi32>
    %eq3A_484 = arith.cmpi eq, %add3A_407, %eq3A_483 : vector<64x64xi32>
    %jit3A_485 = arith.constant 0.000000e+00 : f32
    %broadcast_in_dim3A_486 = vector.broadcast %get3A_126 : f32 to vector<64x64xf32>
    %broadcast_in_dim3A_487 = vector.broadcast %jit3A_485 : f32 to vector<64x64xf32>
    %select_n3A_488 = arith.select %eq3A_484, %broadcast_in_dim3A_486, %broadcast_in_dim3A_487 : vector<64x64xi1>, vector<64x64xf32>
    %add3A_489 = arith.addf %add3A_481, %select_n3A_488 : vector<64x64xf32>
    %eq3A_490 = arith.constant 10 : i32
    %eq3A_491 = vector.broadcast %eq3A_490 : i32 to vector<64x64xi32>
    %eq3A_492 = arith.cmpi eq, %add3A_407, %eq3A_491 : vector<64x64xi32>
    %jit3A_493 = arith.constant 0.000000e+00 : f32
    %broadcast_in_dim3A_494 = vector.broadcast %get3A_130 : f32 to vector<64x64xf32>
    %broadcast_in_dim3A_495 = vector.broadcast %jit3A_493 : f32 to vector<64x64xf32>
    %select_n3A_496 = arith.select %eq3A_492, %broadcast_in_dim3A_494, %broadcast_in_dim3A_495 : vector<64x64xi1>, vector<64x64xf32>
    %add3A_497 = arith.addf %add3A_489, %select_n3A_496 : vector<64x64xf32>
    %iota3A_498 = tpu.iota {dimensions = array<i32: 0>} : vector<64x64xi32>
    %iota3A_499 = tpu.iota {dimensions = array<i32: 1>} : vector<64x64xi32>
    %sub3A_500 = arith.subi %iota3A_498, %iota3A_499 : vector<64x64xi32>
    %add3A_501 = arith.constant 10 : i32
    %add3A_502 = vector.broadcast %add3A_501 : i32 to vector<64x64xi32>
    %add3A_503 = arith.addi %sub3A_500, %add3A_502 : vector<64x64xi32>
    %broadcast_in_dim3A_504 = arith.constant 0.000000e+00 : f32
    %broadcast_in_dim3A_505 = vector.broadcast %broadcast_in_dim3A_504 : f32 to vector<64x64xf32>
    %eq3A_506 = arith.constant 0 : i32
    %eq3A_507 = vector.broadcast %eq3A_506 : i32 to vector<64x64xi32>
    %eq3A_508 = arith.cmpi eq, %add3A_503, %eq3A_507 : vector<64x64xi32>
    %jit3A_509 = arith.constant 0.000000e+00 : f32
    %broadcast_in_dim3A_510 = vector.broadcast %get3A_178 : f32 to vector<64x64xf32>
    %broadcast_in_dim3A_511 = vector.broadcast %jit3A_509 : f32 to vector<64x64xf32>
    %select_n3A_512 = arith.select %eq3A_508, %broadcast_in_dim3A_510, %broadcast_in_dim3A_511 : vector<64x64xi1>, vector<64x64xf32>
    %add3A_513 = arith.addf %broadcast_in_dim3A_505, %select_n3A_512 : vector<64x64xf32>
    %eq3A_514 = arith.constant 1 : i32
    %eq3A_515 = vector.broadcast %eq3A_514 : i32 to vector<64x64xi32>
    %eq3A_516 = arith.cmpi eq, %add3A_503, %eq3A_515 : vector<64x64xi32>
    %jit3A_517 = arith.constant 0.000000e+00 : f32
    %broadcast_in_dim3A_518 = vector.broadcast %get3A_182 : f32 to vector<64x64xf32>
    %broadcast_in_dim3A_519 = vector.broadcast %jit3A_517 : f32 to vector<64x64xf32>
    %select_n3A_520 = arith.select %eq3A_516, %broadcast_in_dim3A_518, %broadcast_in_dim3A_519 : vector<64x64xi1>, vector<64x64xf32>
    %add3A_521 = arith.addf %add3A_513, %select_n3A_520 : vector<64x64xf32>
    %eq3A_522 = arith.constant 2 : i32
    %eq3A_523 = vector.broadcast %eq3A_522 : i32 to vector<64x64xi32>
    %eq3A_524 = arith.cmpi eq, %add3A_503, %eq3A_523 : vector<64x64xi32>
    %jit3A_525 = arith.constant 0.000000e+00 : f32
    %broadcast_in_dim3A_526 = vector.broadcast %get3A_186 : f32 to vector<64x64xf32>
    %broadcast_in_dim3A_527 = vector.broadcast %jit3A_525 : f32 to vector<64x64xf32>
    %select_n3A_528 = arith.select %eq3A_524, %broadcast_in_dim3A_526, %broadcast_in_dim3A_527 : vector<64x64xi1>, vector<64x64xf32>
    %add3A_529 = arith.addf %add3A_521, %select_n3A_528 : vector<64x64xf32>
    %eq3A_530 = arith.constant 3 : i32
    %eq3A_531 = vector.broadcast %eq3A_530 : i32 to vector<64x64xi32>
    %eq3A_532 = arith.cmpi eq, %add3A_503, %eq3A_531 : vector<64x64xi32>
    %jit3A_533 = arith.constant 0.000000e+00 : f32
    %broadcast_in_dim3A_534 = vector.broadcast %get3A_190 : f32 to vector<64x64xf32>
    %broadcast_in_dim3A_535 = vector.broadcast %jit3A_533 : f32 to vector<64x64xf32>
    %select_n3A_536 = arith.select %eq3A_532, %broadcast_in_dim3A_534, %broadcast_in_dim3A_535 : vector<64x64xi1>, vector<64x64xf32>
    %add3A_537 = arith.addf %add3A_529, %select_n3A_536 : vector<64x64xf32>
    %eq3A_538 = arith.constant 4 : i32
    %eq3A_539 = vector.broadcast %eq3A_538 : i32 to vector<64x64xi32>
    %eq3A_540 = arith.cmpi eq, %add3A_503, %eq3A_539 : vector<64x64xi32>
    %jit3A_541 = arith.constant 0.000000e+00 : f32
    %broadcast_in_dim3A_542 = vector.broadcast %get3A_194 : f32 to vector<64x64xf32>
    %broadcast_in_dim3A_543 = vector.broadcast %jit3A_541 : f32 to vector<64x64xf32>
    %select_n3A_544 = arith.select %eq3A_540, %broadcast_in_dim3A_542, %broadcast_in_dim3A_543 : vector<64x64xi1>, vector<64x64xf32>
    %add3A_545 = arith.addf %add3A_537, %select_n3A_544 : vector<64x64xf32>
    %eq3A_546 = arith.constant 5 : i32
    %eq3A_547 = vector.broadcast %eq3A_546 : i32 to vector<64x64xi32>
    %eq3A_548 = arith.cmpi eq, %add3A_503, %eq3A_547 : vector<64x64xi32>
    %jit3A_549 = arith.constant 0.000000e+00 : f32
    %broadcast_in_dim3A_550 = vector.broadcast %get3A_198 : f32 to vector<64x64xf32>
    %broadcast_in_dim3A_551 = vector.broadcast %jit3A_549 : f32 to vector<64x64xf32>
    %select_n3A_552 = arith.select %eq3A_548, %broadcast_in_dim3A_550, %broadcast_in_dim3A_551 : vector<64x64xi1>, vector<64x64xf32>
    %add3A_553 = arith.addf %add3A_545, %select_n3A_552 : vector<64x64xf32>
    %eq3A_554 = arith.constant 6 : i32
    %eq3A_555 = vector.broadcast %eq3A_554 : i32 to vector<64x64xi32>
    %eq3A_556 = arith.cmpi eq, %add3A_503, %eq3A_555 : vector<64x64xi32>
    %jit3A_557 = arith.constant 0.000000e+00 : f32
    %broadcast_in_dim3A_558 = vector.broadcast %get3A_202 : f32 to vector<64x64xf32>
    %broadcast_in_dim3A_559 = vector.broadcast %jit3A_557 : f32 to vector<64x64xf32>
    %select_n3A_560 = arith.select %eq3A_556, %broadcast_in_dim3A_558, %broadcast_in_dim3A_559 : vector<64x64xi1>, vector<64x64xf32>
    %add3A_561 = arith.addf %add3A_553, %select_n3A_560 : vector<64x64xf32>
    %eq3A_562 = arith.constant 7 : i32
    %eq3A_563 = vector.broadcast %eq3A_562 : i32 to vector<64x64xi32>
    %eq3A_564 = arith.cmpi eq, %add3A_503, %eq3A_563 : vector<64x64xi32>
    %jit3A_565 = arith.constant 0.000000e+00 : f32
    %broadcast_in_dim3A_566 = vector.broadcast %get3A_206 : f32 to vector<64x64xf32>
    %broadcast_in_dim3A_567 = vector.broadcast %jit3A_565 : f32 to vector<64x64xf32>
    %select_n3A_568 = arith.select %eq3A_564, %broadcast_in_dim3A_566, %broadcast_in_dim3A_567 : vector<64x64xi1>, vector<64x64xf32>
    %add3A_569 = arith.addf %add3A_561, %select_n3A_568 : vector<64x64xf32>
    %eq3A_570 = arith.constant 8 : i32
    %eq3A_571 = vector.broadcast %eq3A_570 : i32 to vector<64x64xi32>
    %eq3A_572 = arith.cmpi eq, %add3A_503, %eq3A_571 : vector<64x64xi32>
    %jit3A_573 = arith.constant 0.000000e+00 : f32
    %broadcast_in_dim3A_574 = vector.broadcast %get3A_210 : f32 to vector<64x64xf32>
    %broadcast_in_dim3A_575 = vector.broadcast %jit3A_573 : f32 to vector<64x64xf32>
    %select_n3A_576 = arith.select %eq3A_572, %broadcast_in_dim3A_574, %broadcast_in_dim3A_575 : vector<64x64xi1>, vector<64x64xf32>
    %add3A_577 = arith.addf %add3A_569, %select_n3A_576 : vector<64x64xf32>
    %eq3A_578 = arith.constant 9 : i32
    %eq3A_579 = vector.broadcast %eq3A_578 : i32 to vector<64x64xi32>
    %eq3A_580 = arith.cmpi eq, %add3A_503, %eq3A_579 : vector<64x64xi32>
    %jit3A_581 = arith.constant 0.000000e+00 : f32
    %broadcast_in_dim3A_582 = vector.broadcast %get3A_214 : f32 to vector<64x64xf32>
    %broadcast_in_dim3A_583 = vector.broadcast %jit3A_581 : f32 to vector<64x64xf32>
    %select_n3A_584 = arith.select %eq3A_580, %broadcast_in_dim3A_582, %broadcast_in_dim3A_583 : vector<64x64xi1>, vector<64x64xf32>
    %add3A_585 = arith.addf %add3A_577, %select_n3A_584 : vector<64x64xf32>
    %eq3A_586 = arith.constant 10 : i32
    %eq3A_587 = vector.broadcast %eq3A_586 : i32 to vector<64x64xi32>
    %eq3A_588 = arith.cmpi eq, %add3A_503, %eq3A_587 : vector<64x64xi32>
    %jit3A_589 = arith.constant 0.000000e+00 : f32
    %broadcast_in_dim3A_590 = vector.broadcast %get3A_218 : f32 to vector<64x64xf32>
    %broadcast_in_dim3A_591 = vector.broadcast %jit3A_589 : f32 to vector<64x64xf32>
    %select_n3A_592 = arith.select %eq3A_588, %broadcast_in_dim3A_590, %broadcast_in_dim3A_591 : vector<64x64xi1>, vector<64x64xf32>
    %add3A_593 = arith.addf %add3A_585, %select_n3A_592 : vector<64x64xf32>
    %eq3A_594 = arith.constant 11 : i32
    %eq3A_595 = vector.broadcast %eq3A_594 : i32 to vector<64x64xi32>
    %eq3A_596 = arith.cmpi eq, %add3A_503, %eq3A_595 : vector<64x64xi32>
    %jit3A_597 = arith.constant 0.000000e+00 : f32
    %broadcast_in_dim3A_598 = vector.broadcast %get3A_222 : f32 to vector<64x64xf32>
    %broadcast_in_dim3A_599 = vector.broadcast %jit3A_597 : f32 to vector<64x64xf32>
    %select_n3A_600 = arith.select %eq3A_596, %broadcast_in_dim3A_598, %broadcast_in_dim3A_599 : vector<64x64xi1>, vector<64x64xf32>
    %add3A_601 = arith.addf %add3A_593, %select_n3A_600 : vector<64x64xf32>
    %eq3A_602 = arith.constant 12 : i32
    %eq3A_603 = vector.broadcast %eq3A_602 : i32 to vector<64x64xi32>
    %eq3A_604 = arith.cmpi eq, %add3A_503, %eq3A_603 : vector<64x64xi32>
    %jit3A_605 = arith.constant 0.000000e+00 : f32
    %broadcast_in_dim3A_606 = vector.broadcast %get3A_226 : f32 to vector<64x64xf32>
    %broadcast_in_dim3A_607 = vector.broadcast %jit3A_605 : f32 to vector<64x64xf32>
    %select_n3A_608 = arith.select %eq3A_604, %broadcast_in_dim3A_606, %broadcast_in_dim3A_607 : vector<64x64xi1>, vector<64x64xf32>
    %add3A_609 = arith.addf %add3A_601, %select_n3A_608 : vector<64x64xf32>
    %eq3A_610 = arith.constant 13 : i32
    %eq3A_611 = vector.broadcast %eq3A_610 : i32 to vector<64x64xi32>
    %eq3A_612 = arith.cmpi eq, %add3A_503, %eq3A_611 : vector<64x64xi32>
    %jit3A_613 = arith.constant 0.000000e+00 : f32
    %broadcast_in_dim3A_614 = vector.broadcast %get3A_230 : f32 to vector<64x64xf32>
    %broadcast_in_dim3A_615 = vector.broadcast %jit3A_613 : f32 to vector<64x64xf32>
    %select_n3A_616 = arith.select %eq3A_612, %broadcast_in_dim3A_614, %broadcast_in_dim3A_615 : vector<64x64xi1>, vector<64x64xf32>
    %add3A_617 = arith.addf %add3A_609, %select_n3A_616 : vector<64x64xf32>
    %eq3A_618 = arith.constant 14 : i32
    %eq3A_619 = vector.broadcast %eq3A_618 : i32 to vector<64x64xi32>
    %eq3A_620 = arith.cmpi eq, %add3A_503, %eq3A_619 : vector<64x64xi32>
    %jit3A_621 = arith.constant 0.000000e+00 : f32
    %broadcast_in_dim3A_622 = vector.broadcast %get3A_234 : f32 to vector<64x64xf32>
    %broadcast_in_dim3A_623 = vector.broadcast %jit3A_621 : f32 to vector<64x64xf32>
    %select_n3A_624 = arith.select %eq3A_620, %broadcast_in_dim3A_622, %broadcast_in_dim3A_623 : vector<64x64xi1>, vector<64x64xf32>
    %add3A_625 = arith.addf %add3A_617, %select_n3A_624 : vector<64x64xf32>
    %eq3A_626 = arith.constant 15 : i32
    %eq3A_627 = vector.broadcast %eq3A_626 : i32 to vector<64x64xi32>
    %eq3A_628 = arith.cmpi eq, %add3A_503, %eq3A_627 : vector<64x64xi32>
    %jit3A_629 = arith.constant 0.000000e+00 : f32
    %broadcast_in_dim3A_630 = vector.broadcast %get3A_238 : f32 to vector<64x64xf32>
    %broadcast_in_dim3A_631 = vector.broadcast %jit3A_629 : f32 to vector<64x64xf32>
    %select_n3A_632 = arith.select %eq3A_628, %broadcast_in_dim3A_630, %broadcast_in_dim3A_631 : vector<64x64xi1>, vector<64x64xf32>
    %add3A_633 = arith.addf %add3A_625, %select_n3A_632 : vector<64x64xf32>
    %eq3A_634 = arith.constant 16 : i32
    %eq3A_635 = vector.broadcast %eq3A_634 : i32 to vector<64x64xi32>
    %eq3A_636 = arith.cmpi eq, %add3A_503, %eq3A_635 : vector<64x64xi32>
    %jit3A_637 = arith.constant 0.000000e+00 : f32
    %broadcast_in_dim3A_638 = vector.broadcast %get3A_242 : f32 to vector<64x64xf32>
    %broadcast_in_dim3A_639 = vector.broadcast %jit3A_637 : f32 to vector<64x64xf32>
    %select_n3A_640 = arith.select %eq3A_636, %broadcast_in_dim3A_638, %broadcast_in_dim3A_639 : vector<64x64xi1>, vector<64x64xf32>
    %add3A_641 = arith.addf %add3A_633, %select_n3A_640 : vector<64x64xf32>
    %eq3A_642 = arith.constant 17 : i32
    %eq3A_643 = vector.broadcast %eq3A_642 : i32 to vector<64x64xi32>
    %eq3A_644 = arith.cmpi eq, %add3A_503, %eq3A_643 : vector<64x64xi32>
    %jit3A_645 = arith.constant 0.000000e+00 : f32
    %broadcast_in_dim3A_646 = vector.broadcast %get3A_246 : f32 to vector<64x64xf32>
    %broadcast_in_dim3A_647 = vector.broadcast %jit3A_645 : f32 to vector<64x64xf32>
    %select_n3A_648 = arith.select %eq3A_644, %broadcast_in_dim3A_646, %broadcast_in_dim3A_647 : vector<64x64xi1>, vector<64x64xf32>
    %add3A_649 = arith.addf %add3A_641, %select_n3A_648 : vector<64x64xf32>
    %eq3A_650 = arith.constant 18 : i32
    %eq3A_651 = vector.broadcast %eq3A_650 : i32 to vector<64x64xi32>
    %eq3A_652 = arith.cmpi eq, %add3A_503, %eq3A_651 : vector<64x64xi32>
    %jit3A_653 = arith.constant 0.000000e+00 : f32
    %broadcast_in_dim3A_654 = vector.broadcast %get3A_250 : f32 to vector<64x64xf32>
    %broadcast_in_dim3A_655 = vector.broadcast %jit3A_653 : f32 to vector<64x64xf32>
    %select_n3A_656 = arith.select %eq3A_652, %broadcast_in_dim3A_654, %broadcast_in_dim3A_655 : vector<64x64xi1>, vector<64x64xf32>
    %add3A_657 = arith.addf %add3A_649, %select_n3A_656 : vector<64x64xf32>
    %eq3A_658 = arith.constant 19 : i32
    %eq3A_659 = vector.broadcast %eq3A_658 : i32 to vector<64x64xi32>
    %eq3A_660 = arith.cmpi eq, %add3A_503, %eq3A_659 : vector<64x64xi32>
    %jit3A_661 = arith.constant 0.000000e+00 : f32
    %broadcast_in_dim3A_662 = vector.broadcast %get3A_254 : f32 to vector<64x64xf32>
    %broadcast_in_dim3A_663 = vector.broadcast %jit3A_661 : f32 to vector<64x64xf32>
    %select_n3A_664 = arith.select %eq3A_660, %broadcast_in_dim3A_662, %broadcast_in_dim3A_663 : vector<64x64xi1>, vector<64x64xf32>
    %add3A_665 = arith.addf %add3A_657, %select_n3A_664 : vector<64x64xf32>
    %eq3A_666 = arith.constant 20 : i32
    %eq3A_667 = vector.broadcast %eq3A_666 : i32 to vector<64x64xi32>
    %eq3A_668 = arith.cmpi eq, %add3A_503, %eq3A_667 : vector<64x64xi32>
    %jit3A_669 = arith.constant 0.000000e+00 : f32
    %broadcast_in_dim3A_670 = vector.broadcast %get3A_258 : f32 to vector<64x64xf32>
    %broadcast_in_dim3A_671 = vector.broadcast %jit3A_669 : f32 to vector<64x64xf32>
    %select_n3A_672 = arith.select %eq3A_668, %broadcast_in_dim3A_670, %broadcast_in_dim3A_671 : vector<64x64xi1>, vector<64x64xf32>
    %add3A_673 = arith.addf %add3A_665, %select_n3A_672 : vector<64x64xf32>
    %concatenate3A = tpu.concatenate %add3A_401, %add3A_497, %add3A_673 in 1 : vector<64x64xf32>, vector<64x64xf32>, vector<64x64xf32> -> vector<64x192xf32>
    %reshape3A = vector.shape_cast %add3A_30 : vector<2x1024x64xf32> to vector<2048x64xf32>
    %dot_general3A = arith.constant dense<0.000000e+00> : vector<2048x192xf32>
    %dot_general3A_674 = tpu.matmul %reshape3A, %concatenate3A, %dot_general3A {dimension_numbers = #tpu.dot_dimension_numbers<[1], [0], [0], [1], [0, 0, 1, 1], [], []>, transpose_lhs_hint = false} : vector<2048x64xf32>, vector<64x192xf32>, vector<2048x192xf32> -> vector<2048x192xf32>
    %slice3A = vector.extract_strided_slice %dot_general3A_674 {offsets = [0, 0], sizes = [2048, 64], strides = [1, 1]} : vector<2048x192xf32> to vector<2048x64xf32>
    %reshape3A_675 = vector.shape_cast %slice3A : vector<2048x64xf32> to vector<2x1024x64xf32>
    %get3A_676 = arith.constant 0 : index
    %get3A_677 = arith.constant 0 : index
    %get3A_678 = arith.constant 9 : index
    %get3A_679 = memref.load %arg5[%get3A_676, %get3A_677, %get3A_678] : memref<1x1x128xf32, #tpu.memory_space<smem>>
    %add3A_680 = vector.broadcast %get3A_679 : f32 to vector<2x1024x64xf32>
    %add3A_681 = arith.addf %reshape3A_675, %add3A_680 : vector<2x1024x64xf32>
    %convert_element_type3A = arith.truncf %add3A_681 : vector<2x1024x64xf32> to vector<2x1024x64xbf16>
    %slice3A_682 = vector.extract_strided_slice %dot_general3A_674 {offsets = [0, 64], sizes = [2048, 64], strides = [1, 1]} : vector<2048x192xf32> to vector<2048x64xf32>
    %reshape3A_683 = vector.shape_cast %slice3A_682 : vector<2048x64xf32> to vector<2x1024x64xf32>
    %get3A_684 = arith.constant 0 : index
    %get3A_685 = arith.constant 0 : index
    %get3A_686 = arith.constant 29 : index
    %get3A_687 = memref.load %arg5[%get3A_684, %get3A_685, %get3A_686] : memref<1x1x128xf32, #tpu.memory_space<smem>>
    %add3A_688 = vector.broadcast %get3A_687 : f32 to vector<2x1024x64xf32>
    %add3A_689 = arith.addf %reshape3A_683, %add3A_688 : vector<2x1024x64xf32>
    %convert_element_type3A_690 = arith.truncf %add3A_689 : vector<2x1024x64xf32> to vector<2x1024x64xbf16>
    %slice3A_691 = vector.extract_strided_slice %dot_general3A_674 {offsets = [0, 128], sizes = [2048, 64], strides = [1, 1]} : vector<2048x192xf32> to vector<2048x64xf32>
    %reshape3A_692 = vector.shape_cast %slice3A_691 : vector<2048x64xf32> to vector<2x1024x64xf32>
    %get3A_693 = arith.constant 0 : index
    %get3A_694 = arith.constant 0 : index
    %get3A_695 = arith.constant 63 : index
    %get3A_696 = memref.load %arg5[%get3A_693, %get3A_694, %get3A_695] : memref<1x1x128xf32, #tpu.memory_space<smem>>
    %add3A_697 = vector.broadcast %get3A_696 : f32 to vector<2x1024x64xf32>
    %add3A_698 = arith.addf %reshape3A_692, %add3A_697 : vector<2x1024x64xf32>
    %convert_element_type3A_699 = arith.truncf %add3A_698 : vector<2x1024x64xf32> to vector<2x1024x64xbf16>
    %convert_element_type3A_700 = arith.truncf %get3A_62 : f32 to bf16
    %convert_element_type3A_701 = arith.truncf %get3A_66 : f32 to bf16
    %convert_element_type3A_702 = arith.truncf %get3A_70 : f32 to bf16
    %convert_element_type3A_703 = arith.truncf %get3A_74 : f32 to bf16
    %convert_element_type3A_704 = arith.truncf %get3A_78 : f32 to bf16
    %convert_element_type3A_705 = arith.truncf %get3A_82 : f32 to bf16
    %convert_element_type3A_706 = arith.truncf %get3A_86 : f32 to bf16
    %convert_element_type3A_707 = arith.truncf %get3A_134 : f32 to bf16
    %convert_element_type3A_708 = arith.truncf %get3A_138 : f32 to bf16
    %convert_element_type3A_709 = arith.truncf %get3A_142 : f32 to bf16
    %convert_element_type3A_710 = arith.truncf %get3A_146 : f32 to bf16
    %convert_element_type3A_711 = arith.truncf %get3A_150 : f32 to bf16
    %convert_element_type3A_712 = arith.truncf %get3A_154 : f32 to bf16
    %convert_element_type3A_713 = arith.truncf %get3A_158 : f32 to bf16
    %convert_element_type3A_714 = arith.truncf %get3A_162 : f32 to bf16
    %convert_element_type3A_715 = arith.truncf %get3A_166 : f32 to bf16
    %convert_element_type3A_716 = arith.truncf %get3A_170 : f32 to bf16
    %convert_element_type3A_717 = arith.truncf %get3A_174 : f32 to bf16
    %convert_element_type3A_718 = arith.truncf %get3A_262 : f32 to bf16
    %convert_element_type3A_719 = arith.truncf %get3A_266 : f32 to bf16
    %convert_element_type3A_720 = arith.truncf %get3A_270 : f32 to bf16
    %convert_element_type3A_721 = arith.truncf %get3A_274 : f32 to bf16
    %convert_element_type3A_722 = arith.truncf %get3A_278 : f32 to bf16
    %convert_element_type3A_723 = arith.truncf %get3A_282 : f32 to bf16
    %convert_element_type3A_724 = arith.truncf %get3A_286 : f32 to bf16
    %convert_element_type3A_725 = arith.truncf %get3A_290 : f32 to bf16
    %convert_element_type3A_726 = arith.truncf %get3A_294 : f32 to bf16
    %convert_element_type3A_727 = arith.truncf %get3A_298 : f32 to bf16
    %convert_element_type3A_728 = arith.truncf %get3A_302 : f32 to bf16
    %convert_element_type3A_729 = arith.truncf %get3A_306 : f32 to bf16
    %convert_element_type3A_730 = arith.truncf %get3A_310 : f32 to bf16
    %convert_element_type3A_731 = arith.truncf %get3A_314 : f32 to bf16
    %convert_element_type3A_732 = arith.truncf %get3A_318 : f32 to bf16
    %convert_element_type3A_733 = arith.truncf %get3A_322 : f32 to bf16
    %convert_element_type3A_734 = arith.truncf %get3A_326 : f32 to bf16
    %convert_element_type3A_735 = arith.truncf %get3A_330 : f32 to bf16
    %convert_element_type3A_736 = arith.truncf %get3A_334 : f32 to bf16
    %convert_element_type3A_737 = arith.truncf %get3A_338 : f32 to bf16
    %convert_element_type3A_738 = arith.truncf %get3A_342 : f32 to bf16
    %broadcast_in_dim3A_739 = arith.constant 0.000000e+00 : bf16
    %broadcast_in_dim3A_740 = vector.broadcast %broadcast_in_dim3A_739 : bf16 to vector<2x3x64xbf16>
    %concatenate3A_741 = tpu.concatenate %broadcast_in_dim3A_740, %convert_element_type3A, %broadcast_in_dim3A_740 in 1 : vector<2x3x64xbf16>, vector<2x1024x64xbf16>, vector<2x3x64xbf16> -> vector<2x1030x64xbf16>
    %slice3A_742 = vector.extract_strided_slice %concatenate3A_741 {offsets = [0, 0, 0], sizes = [2, 1024, 64], strides = [1, 1, 1]} : vector<2x1030x64xbf16> to vector<2x1024x64xbf16>
    %mul3A_743 = vector.broadcast %convert_element_type3A_700 : bf16 to vector<2x1024x64xbf16>
    %mul3A_744 = arith.mulf %mul3A_743, %slice3A_742 : vector<2x1024x64xbf16>
    %slice3A_745 = vector.extract_strided_slice %concatenate3A_741 {offsets = [0, 1, 0], sizes = [2, 1024, 64], strides = [1, 1, 1]} : vector<2x1030x64xbf16> to vector<2x1024x64xbf16>
    %mul3A_746 = vector.broadcast %convert_element_type3A_701 : bf16 to vector<2x1024x64xbf16>
    %mul3A_747 = arith.mulf %mul3A_746, %slice3A_745 : vector<2x1024x64xbf16>
    %slice3A_748 = vector.extract_strided_slice %concatenate3A_741 {offsets = [0, 2, 0], sizes = [2, 1024, 64], strides = [1, 1, 1]} : vector<2x1030x64xbf16> to vector<2x1024x64xbf16>
    %mul3A_749 = vector.broadcast %convert_element_type3A_702 : bf16 to vector<2x1024x64xbf16>
    %mul3A_750 = arith.mulf %mul3A_749, %slice3A_748 : vector<2x1024x64xbf16>
    %slice3A_751 = vector.extract_strided_slice %concatenate3A_741 {offsets = [0, 3, 0], sizes = [2, 1024, 64], strides = [1, 1, 1]} : vector<2x1030x64xbf16> to vector<2x1024x64xbf16>
    %mul3A_752 = vector.broadcast %convert_element_type3A_703 : bf16 to vector<2x1024x64xbf16>
    %mul3A_753 = arith.mulf %mul3A_752, %slice3A_751 : vector<2x1024x64xbf16>
    %slice3A_754 = vector.extract_strided_slice %concatenate3A_741 {offsets = [0, 4, 0], sizes = [2, 1024, 64], strides = [1, 1, 1]} : vector<2x1030x64xbf16> to vector<2x1024x64xbf16>
    %mul3A_755 = vector.broadcast %convert_element_type3A_704 : bf16 to vector<2x1024x64xbf16>
    %mul3A_756 = arith.mulf %mul3A_755, %slice3A_754 : vector<2x1024x64xbf16>
    %add3A_757 = arith.addf %mul3A_744, %mul3A_756 : vector<2x1024x64xbf16>
    %slice3A_758 = vector.extract_strided_slice %concatenate3A_741 {offsets = [0, 5, 0], sizes = [2, 1024, 64], strides = [1, 1, 1]} : vector<2x1030x64xbf16> to vector<2x1024x64xbf16>
    %mul3A_759 = vector.broadcast %convert_element_type3A_705 : bf16 to vector<2x1024x64xbf16>
    %mul3A_760 = arith.mulf %mul3A_759, %slice3A_758 : vector<2x1024x64xbf16>
    %add3A_761 = arith.addf %mul3A_747, %mul3A_760 : vector<2x1024x64xbf16>
    %slice3A_762 = vector.extract_strided_slice %concatenate3A_741 {offsets = [0, 6, 0], sizes = [2, 1024, 64], strides = [1, 1, 1]} : vector<2x1030x64xbf16> to vector<2x1024x64xbf16>
    %mul3A_763 = vector.broadcast %convert_element_type3A_706 : bf16 to vector<2x1024x64xbf16>
    %mul3A_764 = arith.mulf %mul3A_763, %slice3A_762 : vector<2x1024x64xbf16>
    %add3A_765 = arith.addf %mul3A_750, %mul3A_764 : vector<2x1024x64xbf16>
    %add3A_766 = arith.addf %add3A_757, %add3A_761 : vector<2x1024x64xbf16>
    %add3A_767 = arith.addf %add3A_765, %mul3A_753 : vector<2x1024x64xbf16>
    %add3A_768 = arith.addf %add3A_766, %add3A_767 : vector<2x1024x64xbf16>
    %convert_element_type3A_769 = arith.extf %add3A_768 : vector<2x1024x64xbf16> to vector<2x1024x64xf32>
    %get3A_770 = arith.constant 0 : index
    %get3A_771 = arith.constant 0 : index
    %get3A_772 = arith.constant 17 : index
    %get3A_773 = memref.load %arg5[%get3A_770, %get3A_771, %get3A_772] : memref<1x1x128xf32, #tpu.memory_space<smem>>
    %add3A_774 = vector.broadcast %get3A_773 : f32 to vector<2x1024x64xf32>
    %add3A_775 = arith.addf %convert_element_type3A_769, %add3A_774 : vector<2x1024x64xf32>
    %broadcast_in_dim3A_776 = arith.constant 0.000000e+00 : bf16
    %broadcast_in_dim3A_777 = vector.broadcast %broadcast_in_dim3A_776 : bf16 to vector<2x5x64xbf16>
    %concatenate3A_778 = tpu.concatenate %broadcast_in_dim3A_777, %convert_element_type3A_690, %broadcast_in_dim3A_777 in 1 : vector<2x5x64xbf16>, vector<2x1024x64xbf16>, vector<2x5x64xbf16> -> vector<2x1034x64xbf16>
    %slice3A_779 = vector.extract_strided_slice %concatenate3A_778 {offsets = [0, 0, 0], sizes = [2, 1024, 64], strides = [1, 1, 1]} : vector<2x1034x64xbf16> to vector<2x1024x64xbf16>
    %mul3A_780 = vector.broadcast %convert_element_type3A_707 : bf16 to vector<2x1024x64xbf16>
    %mul3A_781 = arith.mulf %mul3A_780, %slice3A_779 : vector<2x1024x64xbf16>
    %slice3A_782 = vector.extract_strided_slice %concatenate3A_778 {offsets = [0, 1, 0], sizes = [2, 1024, 64], strides = [1, 1, 1]} : vector<2x1034x64xbf16> to vector<2x1024x64xbf16>
    %mul3A_783 = vector.broadcast %convert_element_type3A_708 : bf16 to vector<2x1024x64xbf16>
    %mul3A_784 = arith.mulf %mul3A_783, %slice3A_782 : vector<2x1024x64xbf16>
    %slice3A_785 = vector.extract_strided_slice %concatenate3A_778 {offsets = [0, 2, 0], sizes = [2, 1024, 64], strides = [1, 1, 1]} : vector<2x1034x64xbf16> to vector<2x1024x64xbf16>
    %mul3A_786 = vector.broadcast %convert_element_type3A_709 : bf16 to vector<2x1024x64xbf16>
    %mul3A_787 = arith.mulf %mul3A_786, %slice3A_785 : vector<2x1024x64xbf16>
    %slice3A_788 = vector.extract_strided_slice %concatenate3A_778 {offsets = [0, 3, 0], sizes = [2, 1024, 64], strides = [1, 1, 1]} : vector<2x1034x64xbf16> to vector<2x1024x64xbf16>
    %mul3A_789 = vector.broadcast %convert_element_type3A_710 : bf16 to vector<2x1024x64xbf16>
    %mul3A_790 = arith.mulf %mul3A_789, %slice3A_788 : vector<2x1024x64xbf16>
    %slice3A_791 = vector.extract_strided_slice %concatenate3A_778 {offsets = [0, 4, 0], sizes = [2, 1024, 64], strides = [1, 1, 1]} : vector<2x1034x64xbf16> to vector<2x1024x64xbf16>
    %mul3A_792 = vector.broadcast %convert_element_type3A_711 : bf16 to vector<2x1024x64xbf16>
    %mul3A_793 = arith.mulf %mul3A_792, %slice3A_791 : vector<2x1024x64xbf16>
    %add3A_794 = arith.addf %mul3A_781, %mul3A_793 : vector<2x1024x64xbf16>
    %slice3A_795 = vector.extract_strided_slice %concatenate3A_778 {offsets = [0, 5, 0], sizes = [2, 1024, 64], strides = [1, 1, 1]} : vector<2x1034x64xbf16> to vector<2x1024x64xbf16>
    %mul3A_796 = vector.broadcast %convert_element_type3A_712 : bf16 to vector<2x1024x64xbf16>
    %mul3A_797 = arith.mulf %mul3A_796, %slice3A_795 : vector<2x1024x64xbf16>
    %add3A_798 = arith.addf %mul3A_784, %mul3A_797 : vector<2x1024x64xbf16>
    %slice3A_799 = vector.extract_strided_slice %concatenate3A_778 {offsets = [0, 6, 0], sizes = [2, 1024, 64], strides = [1, 1, 1]} : vector<2x1034x64xbf16> to vector<2x1024x64xbf16>
    %mul3A_800 = vector.broadcast %convert_element_type3A_713 : bf16 to vector<2x1024x64xbf16>
    %mul3A_801 = arith.mulf %mul3A_800, %slice3A_799 : vector<2x1024x64xbf16>
    %add3A_802 = arith.addf %mul3A_787, %mul3A_801 : vector<2x1024x64xbf16>
    %slice3A_803 = vector.extract_strided_slice %concatenate3A_778 {offsets = [0, 7, 0], sizes = [2, 1024, 64], strides = [1, 1, 1]} : vector<2x1034x64xbf16> to vector<2x1024x64xbf16>
    %mul3A_804 = vector.broadcast %convert_element_type3A_714 : bf16 to vector<2x1024x64xbf16>
    %mul3A_805 = arith.mulf %mul3A_804, %slice3A_803 : vector<2x1024x64xbf16>
    %add3A_806 = arith.addf %mul3A_790, %mul3A_805 : vector<2x1024x64xbf16>
    %slice3A_807 = vector.extract_strided_slice %concatenate3A_778 {offsets = [0, 8, 0], sizes = [2, 1024, 64], strides = [1, 1, 1]} : vector<2x1034x64xbf16> to vector<2x1024x64xbf16>
    %mul3A_808 = vector.broadcast %convert_element_type3A_715 : bf16 to vector<2x1024x64xbf16>
    %mul3A_809 = arith.mulf %mul3A_808, %slice3A_807 : vector<2x1024x64xbf16>
    %add3A_810 = arith.addf %add3A_794, %mul3A_809 : vector<2x1024x64xbf16>
    %slice3A_811 = vector.extract_strided_slice %concatenate3A_778 {offsets = [0, 9, 0], sizes = [2, 1024, 64], strides = [1, 1, 1]} : vector<2x1034x64xbf16> to vector<2x1024x64xbf16>
    %mul3A_812 = vector.broadcast %convert_element_type3A_716 : bf16 to vector<2x1024x64xbf16>
    %mul3A_813 = arith.mulf %mul3A_812, %slice3A_811 : vector<2x1024x64xbf16>
    %add3A_814 = arith.addf %add3A_798, %mul3A_813 : vector<2x1024x64xbf16>
    %slice3A_815 = vector.extract_strided_slice %concatenate3A_778 {offsets = [0, 10, 0], sizes = [2, 1024, 64], strides = [1, 1, 1]} : vector<2x1034x64xbf16> to vector<2x1024x64xbf16>
    %mul3A_816 = vector.broadcast %convert_element_type3A_717 : bf16 to vector<2x1024x64xbf16>
    %mul3A_817 = arith.mulf %mul3A_816, %slice3A_815 : vector<2x1024x64xbf16>
    %add3A_818 = arith.addf %add3A_802, %mul3A_817 : vector<2x1024x64xbf16>
    %add3A_819 = arith.addf %add3A_810, %add3A_814 : vector<2x1024x64xbf16>
    %add3A_820 = arith.addf %add3A_818, %add3A_806 : vector<2x1024x64xbf16>
    %add3A_821 = arith.addf %add3A_819, %add3A_820 : vector<2x1024x64xbf16>
    %convert_element_type3A_822 = arith.extf %add3A_821 : vector<2x1024x64xbf16> to vector<2x1024x64xf32>
    %get3A_823 = arith.constant 0 : index
    %get3A_824 = arith.constant 0 : index
    %get3A_825 = arith.constant 41 : index
    %get3A_826 = memref.load %arg5[%get3A_823, %get3A_824, %get3A_825] : memref<1x1x128xf32, #tpu.memory_space<smem>>
    %add3A_827 = vector.broadcast %get3A_826 : f32 to vector<2x1024x64xf32>
    %add3A_828 = arith.addf %convert_element_type3A_822, %add3A_827 : vector<2x1024x64xf32>
    %broadcast_in_dim3A_829 = arith.constant 0.000000e+00 : bf16
    %broadcast_in_dim3A_830 = vector.broadcast %broadcast_in_dim3A_829 : bf16 to vector<2x10x64xbf16>
    %concatenate3A_831 = tpu.concatenate %broadcast_in_dim3A_830, %convert_element_type3A_699, %broadcast_in_dim3A_830 in 1 : vector<2x10x64xbf16>, vector<2x1024x64xbf16>, vector<2x10x64xbf16> -> vector<2x1044x64xbf16>
    %slice3A_832 = vector.extract_strided_slice %concatenate3A_831 {offsets = [0, 0, 0], sizes = [2, 1024, 64], strides = [1, 1, 1]} : vector<2x1044x64xbf16> to vector<2x1024x64xbf16>
    %mul3A_833 = vector.broadcast %convert_element_type3A_718 : bf16 to vector<2x1024x64xbf16>
    %mul3A_834 = arith.mulf %mul3A_833, %slice3A_832 : vector<2x1024x64xbf16>
    %slice3A_835 = vector.extract_strided_slice %concatenate3A_831 {offsets = [0, 1, 0], sizes = [2, 1024, 64], strides = [1, 1, 1]} : vector<2x1044x64xbf16> to vector<2x1024x64xbf16>
    %mul3A_836 = vector.broadcast %convert_element_type3A_719 : bf16 to vector<2x1024x64xbf16>
    %mul3A_837 = arith.mulf %mul3A_836, %slice3A_835 : vector<2x1024x64xbf16>
    %slice3A_838 = vector.extract_strided_slice %concatenate3A_831 {offsets = [0, 2, 0], sizes = [2, 1024, 64], strides = [1, 1, 1]} : vector<2x1044x64xbf16> to vector<2x1024x64xbf16>
    %mul3A_839 = vector.broadcast %convert_element_type3A_720 : bf16 to vector<2x1024x64xbf16>
    %mul3A_840 = arith.mulf %mul3A_839, %slice3A_838 : vector<2x1024x64xbf16>
    %slice3A_841 = vector.extract_strided_slice %concatenate3A_831 {offsets = [0, 3, 0], sizes = [2, 1024, 64], strides = [1, 1, 1]} : vector<2x1044x64xbf16> to vector<2x1024x64xbf16>
    %mul3A_842 = vector.broadcast %convert_element_type3A_721 : bf16 to vector<2x1024x64xbf16>
    %mul3A_843 = arith.mulf %mul3A_842, %slice3A_841 : vector<2x1024x64xbf16>
    %slice3A_844 = vector.extract_strided_slice %concatenate3A_831 {offsets = [0, 4, 0], sizes = [2, 1024, 64], strides = [1, 1, 1]} : vector<2x1044x64xbf16> to vector<2x1024x64xbf16>
    %mul3A_845 = vector.broadcast %convert_element_type3A_722 : bf16 to vector<2x1024x64xbf16>
    %mul3A_846 = arith.mulf %mul3A_845, %slice3A_844 : vector<2x1024x64xbf16>
    %add3A_847 = arith.addf %mul3A_834, %mul3A_846 : vector<2x1024x64xbf16>
    %slice3A_848 = vector.extract_strided_slice %concatenate3A_831 {offsets = [0, 5, 0], sizes = [2, 1024, 64], strides = [1, 1, 1]} : vector<2x1044x64xbf16> to vector<2x1024x64xbf16>
    %mul3A_849 = vector.broadcast %convert_element_type3A_723 : bf16 to vector<2x1024x64xbf16>
    %mul3A_850 = arith.mulf %mul3A_849, %slice3A_848 : vector<2x1024x64xbf16>
    %add3A_851 = arith.addf %mul3A_837, %mul3A_850 : vector<2x1024x64xbf16>
    %slice3A_852 = vector.extract_strided_slice %concatenate3A_831 {offsets = [0, 6, 0], sizes = [2, 1024, 64], strides = [1, 1, 1]} : vector<2x1044x64xbf16> to vector<2x1024x64xbf16>
    %mul3A_853 = vector.broadcast %convert_element_type3A_724 : bf16 to vector<2x1024x64xbf16>
    %mul3A_854 = arith.mulf %mul3A_853, %slice3A_852 : vector<2x1024x64xbf16>
    %add3A_855 = arith.addf %mul3A_840, %mul3A_854 : vector<2x1024x64xbf16>
    %slice3A_856 = vector.extract_strided_slice %concatenate3A_831 {offsets = [0, 7, 0], sizes = [2, 1024, 64], strides = [1, 1, 1]} : vector<2x1044x64xbf16> to vector<2x1024x64xbf16>
    %mul3A_857 = vector.broadcast %convert_element_type3A_725 : bf16 to vector<2x1024x64xbf16>
    %mul3A_858 = arith.mulf %mul3A_857, %slice3A_856 : vector<2x1024x64xbf16>
    %add3A_859 = arith.addf %mul3A_843, %mul3A_858 : vector<2x1024x64xbf16>
    %slice3A_860 = vector.extract_strided_slice %concatenate3A_831 {offsets = [0, 8, 0], sizes = [2, 1024, 64], strides = [1, 1, 1]} : vector<2x1044x64xbf16> to vector<2x1024x64xbf16>
    %mul3A_861 = vector.broadcast %convert_element_type3A_726 : bf16 to vector<2x1024x64xbf16>
    %mul3A_862 = arith.mulf %mul3A_861, %slice3A_860 : vector<2x1024x64xbf16>
    %add3A_863 = arith.addf %add3A_847, %mul3A_862 : vector<2x1024x64xbf16>
    %slice3A_864 = vector.extract_strided_slice %concatenate3A_831 {offsets = [0, 9, 0], sizes = [2, 1024, 64], strides = [1, 1, 1]} : vector<2x1044x64xbf16> to vector<2x1024x64xbf16>
    %mul3A_865 = vector.broadcast %convert_element_type3A_727 : bf16 to vector<2x1024x64xbf16>
    %mul3A_866 = arith.mulf %mul3A_865, %slice3A_864 : vector<2x1024x64xbf16>
    %add3A_867 = arith.addf %add3A_851, %mul3A_866 : vector<2x1024x64xbf16>
    %slice3A_868 = vector.extract_strided_slice %concatenate3A_831 {offsets = [0, 10, 0], sizes = [2, 1024, 64], strides = [1, 1, 1]} : vector<2x1044x64xbf16> to vector<2x1024x64xbf16>
    %mul3A_869 = vector.broadcast %convert_element_type3A_728 : bf16 to vector<2x1024x64xbf16>
    %mul3A_870 = arith.mulf %mul3A_869, %slice3A_868 : vector<2x1024x64xbf16>
    %add3A_871 = arith.addf %add3A_855, %mul3A_870 : vector<2x1024x64xbf16>
    %slice3A_872 = vector.extract_strided_slice %concatenate3A_831 {offsets = [0, 11, 0], sizes = [2, 1024, 64], strides = [1, 1, 1]} : vector<2x1044x64xbf16> to vector<2x1024x64xbf16>
    %mul3A_873 = vector.broadcast %convert_element_type3A_729 : bf16 to vector<2x1024x64xbf16>
    %mul3A_874 = arith.mulf %mul3A_873, %slice3A_872 : vector<2x1024x64xbf16>
    %add3A_875 = arith.addf %add3A_859, %mul3A_874 : vector<2x1024x64xbf16>
    %slice3A_876 = vector.extract_strided_slice %concatenate3A_831 {offsets = [0, 12, 0], sizes = [2, 1024, 64], strides = [1, 1, 1]} : vector<2x1044x64xbf16> to vector<2x1024x64xbf16>
    %mul3A_877 = vector.broadcast %convert_element_type3A_730 : bf16 to vector<2x1024x64xbf16>
    %mul3A_878 = arith.mulf %mul3A_877, %slice3A_876 : vector<2x1024x64xbf16>
    %add3A_879 = arith.addf %add3A_863, %mul3A_878 : vector<2x1024x64xbf16>
    %slice3A_880 = vector.extract_strided_slice %concatenate3A_831 {offsets = [0, 13, 0], sizes = [2, 1024, 64], strides = [1, 1, 1]} : vector<2x1044x64xbf16> to vector<2x1024x64xbf16>
    %mul3A_881 = vector.broadcast %convert_element_type3A_731 : bf16 to vector<2x1024x64xbf16>
    %mul3A_882 = arith.mulf %mul3A_881, %slice3A_880 : vector<2x1024x64xbf16>
    %add3A_883 = arith.addf %add3A_867, %mul3A_882 : vector<2x1024x64xbf16>
    %slice3A_884 = vector.extract_strided_slice %concatenate3A_831 {offsets = [0, 14, 0], sizes = [2, 1024, 64], strides = [1, 1, 1]} : vector<2x1044x64xbf16> to vector<2x1024x64xbf16>
    %mul3A_885 = vector.broadcast %convert_element_type3A_732 : bf16 to vector<2x1024x64xbf16>
    %mul3A_886 = arith.mulf %mul3A_885, %slice3A_884 : vector<2x1024x64xbf16>
    %add3A_887 = arith.addf %add3A_871, %mul3A_886 : vector<2x1024x64xbf16>
    %slice3A_888 = vector.extract_strided_slice %concatenate3A_831 {offsets = [0, 15, 0], sizes = [2, 1024, 64], strides = [1, 1, 1]} : vector<2x1044x64xbf16> to vector<2x1024x64xbf16>
    %mul3A_889 = vector.broadcast %convert_element_type3A_733 : bf16 to vector<2x1024x64xbf16>
    %mul3A_890 = arith.mulf %mul3A_889, %slice3A_888 : vector<2x1024x64xbf16>
    %add3A_891 = arith.addf %add3A_875, %mul3A_890 : vector<2x1024x64xbf16>
    %slice3A_892 = vector.extract_strided_slice %concatenate3A_831 {offsets = [0, 16, 0], sizes = [2, 1024, 64], strides = [1, 1, 1]} : vector<2x1044x64xbf16> to vector<2x1024x64xbf16>
    %mul3A_893 = vector.broadcast %convert_element_type3A_734 : bf16 to vector<2x1024x64xbf16>
    %mul3A_894 = arith.mulf %mul3A_893, %slice3A_892 : vector<2x1024x64xbf16>
    %add3A_895 = arith.addf %add3A_879, %mul3A_894 : vector<2x1024x64xbf16>
    %slice3A_896 = vector.extract_strided_slice %concatenate3A_831 {offsets = [0, 17, 0], sizes = [2, 1024, 64], strides = [1, 1, 1]} : vector<2x1044x64xbf16> to vector<2x1024x64xbf16>
    %mul3A_897 = vector.broadcast %convert_element_type3A_735 : bf16 to vector<2x1024x64xbf16>
    %mul3A_898 = arith.mulf %mul3A_897, %slice3A_896 : vector<2x1024x64xbf16>
    %add3A_899 = arith.addf %add3A_883, %mul3A_898 : vector<2x1024x64xbf16>
    %slice3A_900 = vector.extract_strided_slice %concatenate3A_831 {offsets = [0, 18, 0], sizes = [2, 1024, 64], strides = [1, 1, 1]} : vector<2x1044x64xbf16> to vector<2x1024x64xbf16>
    %mul3A_901 = vector.broadcast %convert_element_type3A_736 : bf16 to vector<2x1024x64xbf16>
    %mul3A_902 = arith.mulf %mul3A_901, %slice3A_900 : vector<2x1024x64xbf16>
    %add3A_903 = arith.addf %add3A_887, %mul3A_902 : vector<2x1024x64xbf16>
    %slice3A_904 = vector.extract_strided_slice %concatenate3A_831 {offsets = [0, 19, 0], sizes = [2, 1024, 64], strides = [1, 1, 1]} : vector<2x1044x64xbf16> to vector<2x1024x64xbf16>
    %mul3A_905 = vector.broadcast %convert_element_type3A_737 : bf16 to vector<2x1024x64xbf16>
    %mul3A_906 = arith.mulf %mul3A_905, %slice3A_904 : vector<2x1024x64xbf16>
    %add3A_907 = arith.addf %add3A_891, %mul3A_906 : vector<2x1024x64xbf16>
    %slice3A_908 = vector.extract_strided_slice %concatenate3A_831 {offsets = [0, 20, 0], sizes = [2, 1024, 64], strides = [1, 1, 1]} : vector<2x1044x64xbf16> to vector<2x1024x64xbf16>
    %mul3A_909 = vector.broadcast %convert_element_type3A_738 : bf16 to vector<2x1024x64xbf16>
    %mul3A_910 = arith.mulf %mul3A_909, %slice3A_908 : vector<2x1024x64xbf16>
    %add3A_911 = arith.addf %add3A_895, %mul3A_910 : vector<2x1024x64xbf16>
    %add3A_912 = arith.addf %add3A_911, %add3A_899 : vector<2x1024x64xbf16>
    %add3A_913 = arith.addf %add3A_903, %add3A_907 : vector<2x1024x64xbf16>
    %add3A_914 = arith.addf %add3A_912, %add3A_913 : vector<2x1024x64xbf16>
    %convert_element_type3A_915 = arith.extf %add3A_914 : vector<2x1024x64xbf16> to vector<2x1024x64xf32>
    %get3A_916 = arith.constant 0 : index
    %get3A_917 = arith.constant 0 : index
    %get3A_918 = arith.constant 85 : index
    %get3A_919 = memref.load %arg5[%get3A_916, %get3A_917, %get3A_918] : memref<1x1x128xf32, #tpu.memory_space<smem>>
    %add3A_920 = vector.broadcast %get3A_919 : f32 to vector<2x1024x64xf32>
    %add3A_921 = arith.addf %convert_element_type3A_915, %add3A_920 : vector<2x1024x64xf32>
    %add3A_922 = arith.addf %add3A_30, %add3A_775 : vector<2x1024x64xf32>
    %add3A_923 = arith.addf %add3A_922, %add3A_828 : vector<2x1024x64xf32>
    %add3A_924 = arith.addf %add3A_923, %add3A_921 : vector<2x1024x64xf32>
    %swap3A = arith.constant 0 : index
    %swap3A_925 = arith.constant 0 : index
    %swap3A_926 = arith.constant 0 : index
    %swap3A_927 = arith.constant 0 : index
    %swap3A_928 = vector.load %arg6[%swap3A, %swap3A_925, %swap3A_926, %swap3A_927] : memref<1x2x1024x64xf32, #tpu.memory_space<vmem>>, vector<1x2x1024x64xf32>
    %swap3A_929 = vector.shape_cast %swap3A_928 : vector<1x2x1024x64xf32> to vector<2x1024x64xf32>
    %swap3A_930 = vector.shape_cast %add3A_924 : vector<2x1024x64xf32> to vector<1x2x1024x64xf32>
    tpu.vector_store %arg6[%swap3A, %swap3A_925, %swap3A_926, %swap3A_927], %swap3A_930 {strides = array<i32>} : memref<1x2x1024x64xf32, #tpu.memory_space<vmem>>, vector<1x2x1024x64xf32>,
    return
  }
  func.func @transform_0(%arg0: i32) -> (i32, i32, i32) {
    %c0_i32 = arith.constant 0 : i32
    %c0_i32_0 = arith.constant 0 : i32
    %c0_i32_1 = arith.constant 0 : i32
    return %arg0, %c0_i32, %c0_i32_0 : i32, i32, i32
  }
  func.func @transform_1(%arg0: i32) -> (i32, i32) {
    %c0_i32 = arith.constant 0 : i32
    %c0_i32_0 = arith.constant 0 : i32
    %c0_i32_1 = arith.constant 0 : i32
    return %c0_i32, %c0_i32_0 : i32, i32
  }
  func.func @transform_2(%arg0: i32) -> i32 {
    %c0_i32 = arith.constant 0 : i32
    %c0_i32_0 = arith.constant 0 : i32
    return %c0_i32 : i32
  }
  func.func @transform_3(%arg0: i32) -> i32 {
    %c0_i32 = arith.constant 0 : i32
    %c0_i32_0 = arith.constant 0 : i32
    return %c0_i32 : i32
  }
  func.func @transform_4(%arg0: i32) -> (i32, i32, i32) {
    %c0_i32 = arith.constant 0 : i32
    %c0_i32_0 = arith.constant 0 : i32
    %c0_i32_1 = arith.constant 0 : i32
    return %arg0, %c0_i32, %c0_i32_0 : i32, i32, i32
  }
  func.func @transform_5(%arg0: i32) -> (i32, i32, i32, i32) {
    %c0_i32 = arith.constant 0 : i32
    %c0_i32_0 = arith.constant 0 : i32
    %c0_i32_1 = arith.constant 0 : i32
    %c0_i32_2 = arith.constant 0 : i32
    return %arg0, %c0_i32, %c0_i32_0, %c0_i32_1 : i32, i32, i32, i32
  }
}

module attributes {stable_mosaic.version = 14 : i64} {
  func.func @_gcn_kernel(%arg0: i32, %arg1: memref<1x2x1024xf32, #tpu.memory_space<vmem>>, %arg2: memref<1024x1024xbf16, #tpu.memory_space<vmem>>, %arg3: memref<128xf32, #tpu.memory_space<vmem>>, %arg4: memref<128xf32, #tpu.memory_space<vmem>>, %arg5: memref<64x128xf32, #tpu.memory_space<vmem>>, %arg6: memref<64xf32, #tpu.memory_space<vmem>>, %arg7: memref<1x2x1024x64xf32, #tpu.memory_space<vmem>>) attributes {dimension_semantics = [#tpu.dimension_semantics<arbitrary>], iteration_bounds = array<i64: 60>, scalar_prefetch = 0 : i64, scratch_operands = 0 : i64, tpu.core_type = #tpu.core_type<tc>, window_params = [{transform_indices = @transform_0, window_bounds = array<i64: 1, 2, 1024>}, {pipeline_mode = #tpu.pipeline_mode<synchronous>, transform_indices = @transform_1, window_bounds = array<i64: 1024, 1024>}, {pipeline_mode = #tpu.pipeline_mode<synchronous>, transform_indices = @transform_2, window_bounds = array<i64: 128>}, {pipeline_mode = #tpu.pipeline_mode<synchronous>, transform_indices = @transform_3, window_bounds = array<i64: 128>}, {pipeline_mode = #tpu.pipeline_mode<synchronous>, transform_indices = @transform_4, window_bounds = array<i64: 64, 128>}, {pipeline_mode = #tpu.pipeline_mode<synchronous>, transform_indices = @transform_5, window_bounds = array<i64: 64>}, {transform_indices = @transform_6, window_bounds = array<i64: 1, 2, 1024, 64>}]} {
    %get3A = arith.constant 0 : index
    %get3A_0 = arith.constant 0 : index
    %get3A_1 = vector.load %arg2[%get3A, %get3A_0] : memref<1024x1024xbf16, #tpu.memory_space<vmem>>, vector<1024x1024xbf16>
    %get3A_2 = arith.constant 0 : index
    %get3A_3 = vector.load %arg3[%get3A_2] : memref<128xf32, #tpu.memory_space<vmem>>, vector<128xf32>
    %get3A_4 = arith.constant 0 : index
    %get3A_5 = vector.load %arg4[%get3A_4] : memref<128xf32, #tpu.memory_space<vmem>>, vector<128xf32>
    %get3A_6 = arith.constant 0 : index
    %get3A_7 = arith.constant 0 : index
    %get3A_8 = arith.constant 0 : index
    %get3A_9 = vector.load %arg1[%get3A_6, %get3A_7, %get3A_8] : memref<1x2x1024xf32, #tpu.memory_space<vmem>>, vector<1x1x1024xf32>
    %get3A_10 = vector.shape_cast %get3A_9 : vector<1x1x1024xf32> to vector<1024xf32>
    %broadcast_in_dim3A = vector.shape_cast %get3A_10 : vector<1024xf32> to vector<1024x1xf32>
    %broadcast_in_dim3A_11 = vector.shape_cast %get3A_3 : vector<128xf32> to vector<1x128xf32>
    %mul3A = vector.broadcast %broadcast_in_dim3A : vector<1024x1xf32> to vector<1024x128xf32>
    %mul3A_12 = vector.broadcast %broadcast_in_dim3A_11 : vector<1x128xf32> to vector<1024x128xf32>
    %mul3A_13 = arith.mulf %mul3A, %mul3A_12 : vector<1024x128xf32>
    %broadcast_in_dim3A_14 = vector.shape_cast %get3A_5 : vector<128xf32> to vector<1x128xf32>
    %add3A = vector.broadcast %broadcast_in_dim3A_14 : vector<1x128xf32> to vector<1024x128xf32>
    %add3A_15 = arith.addf %mul3A_13, %add3A : vector<1024x128xf32>
    %max3A = arith.constant 0.000000e+00 : f32
    %max3A_16 = vector.broadcast %max3A : f32 to vector<1024x128xf32>
    %max3A_17 = arith.maximumf %add3A_15, %max3A_16 : vector<1024x128xf32>
    %get3A_18 = arith.constant 0 : index
    %get3A_19 = arith.constant 1 : index
    %get3A_20 = arith.constant 0 : index
    %get3A_21 = vector.load %arg1[%get3A_18, %get3A_19, %get3A_20] : memref<1x2x1024xf32, #tpu.memory_space<vmem>>, vector<1x1x1024xf32>
    %get3A_22 = vector.shape_cast %get3A_21 : vector<1x1x1024xf32> to vector<1024xf32>
    %broadcast_in_dim3A_23 = vector.shape_cast %get3A_22 : vector<1024xf32> to vector<1024x1xf32>
    %broadcast_in_dim3A_24 = vector.shape_cast %get3A_3 : vector<128xf32> to vector<1x128xf32>
    %mul3A_25 = vector.broadcast %broadcast_in_dim3A_23 : vector<1024x1xf32> to vector<1024x128xf32>
    %mul3A_26 = vector.broadcast %broadcast_in_dim3A_24 : vector<1x128xf32> to vector<1024x128xf32>
    %mul3A_27 = arith.mulf %mul3A_25, %mul3A_26 : vector<1024x128xf32>
    %broadcast_in_dim3A_28 = vector.shape_cast %get3A_5 : vector<128xf32> to vector<1x128xf32>
    %add3A_29 = vector.broadcast %broadcast_in_dim3A_28 : vector<1x128xf32> to vector<1024x128xf32>
    %add3A_30 = arith.addf %mul3A_27, %add3A_29 : vector<1024x128xf32>
    %max3A_31 = arith.constant 0.000000e+00 : f32
    %max3A_32 = vector.broadcast %max3A_31 : f32 to vector<1024x128xf32>
    %max3A_33 = arith.maximumf %add3A_30, %max3A_32 : vector<1024x128xf32>
    %concatenate3A = tpu.concatenate %max3A_17, %max3A_33 in 1 : vector<1024x128xf32>, vector<1024x128xf32> -> vector<1024x256xf32>
    %convert_element_type3A = arith.truncf %concatenate3A : vector<1024x256xf32> to vector<1024x256xbf16>
    %dot_general3A = arith.constant dense<0.000000e+00> : vector<1024x256xf32>
    %dot_general3A_34 = tpu.matmul %get3A_1, %convert_element_type3A, %dot_general3A {dimension_numbers = #tpu.dot_dimension_numbers<[1], [0], [0], [1], [0, 0, 1, 1], [], []>, transpose_lhs_hint = false} : vector<1024x1024xbf16>, vector<1024x256xbf16>, vector<1024x256xf32> -> vector<1024x256xf32>
    %slice3A = vector.extract_strided_slice %dot_general3A_34 {offsets = [0, 0], sizes = [1024, 128], strides = [1, 1]} : vector<1024x256xf32> to vector<1024x128xf32>
    %get3A_35 = arith.constant 0 : index
    %get3A_36 = arith.constant 0 : index
    %get3A_37 = vector.load %arg5[%get3A_35, %get3A_36] : memref<64x128xf32, #tpu.memory_space<vmem>>, vector<64x128xf32>
    %transpose3A = tpu.transpose %get3A_37, [1, 0] : vector<64x128xf32> -> vector<128x64xf32>
    %dot_general3A_38 = arith.constant dense<0.000000e+00> : vector<1024x64xf32>
    %dot_general3A_39 = tpu.matmul %slice3A, %transpose3A, %dot_general3A_38 {dimension_numbers = #tpu.dot_dimension_numbers<[1], [0], [0], [1], [0, 0, 1, 1], [], []>, transpose_lhs_hint = false} : vector<1024x128xf32>, vector<128x64xf32>, vector<1024x64xf32> -> vector<1024x64xf32>
    %get3A_40 = arith.constant 0 : index
    %get3A_41 = vector.load %arg6[%get3A_40] : memref<64xf32, #tpu.memory_space<vmem>>, vector<64xf32>
    %broadcast_in_dim3A_42 = vector.shape_cast %get3A_41 : vector<64xf32> to vector<1x64xf32>
    %add3A_43 = vector.broadcast %broadcast_in_dim3A_42 : vector<1x64xf32> to vector<1024x64xf32>
    %add3A_44 = arith.addf %dot_general3A_39, %add3A_43 : vector<1024x64xf32>
    %swap3A = arith.constant 0 : index
    %swap3A_45 = arith.constant 0 : index
    %swap3A_46 = arith.constant 0 : index
    %swap3A_47 = arith.constant 0 : index
    %swap3A_48 = vector.load %arg7[%swap3A, %swap3A_45, %swap3A_46, %swap3A_47] : memref<1x2x1024x64xf32, #tpu.memory_space<vmem>>, vector<1x1x1024x64xf32>
    %swap3A_49 = vector.shape_cast %swap3A_48 : vector<1x1x1024x64xf32> to vector<1024x64xf32>
    %swap3A_50 = vector.shape_cast %add3A_44 : vector<1024x64xf32> to vector<1x1x1024x64xf32>
    tpu.vector_store %arg7[%swap3A, %swap3A_45, %swap3A_46, %swap3A_47], %swap3A_50 {strides = array<i32>} : memref<1x2x1024x64xf32, #tpu.memory_space<vmem>>, vector<1x1x1024x64xf32>,
    %slice3A_51 = vector.extract_strided_slice %dot_general3A_34 {offsets = [0, 128], sizes = [1024, 128], strides = [1, 1]} : vector<1024x256xf32> to vector<1024x128xf32>
    %get3A_52 = arith.constant 0 : index
    %get3A_53 = arith.constant 0 : index
    %get3A_54 = vector.load %arg5[%get3A_52, %get3A_53] : memref<64x128xf32, #tpu.memory_space<vmem>>, vector<64x128xf32>
    %transpose3A_55 = tpu.transpose %get3A_54, [1, 0] : vector<64x128xf32> -> vector<128x64xf32>
    %dot_general3A_56 = arith.constant dense<0.000000e+00> : vector<1024x64xf32>
    %dot_general3A_57 = tpu.matmul %slice3A_51, %transpose3A_55, %dot_general3A_56 {dimension_numbers = #tpu.dot_dimension_numbers<[1], [0], [0], [1], [0, 0, 1, 1], [], []>, transpose_lhs_hint = false} : vector<1024x128xf32>, vector<128x64xf32>, vector<1024x64xf32> -> vector<1024x64xf32>
    %get3A_58 = arith.constant 0 : index
    %get3A_59 = vector.load %arg6[%get3A_58] : memref<64xf32, #tpu.memory_space<vmem>>, vector<64xf32>
    %broadcast_in_dim3A_60 = vector.shape_cast %get3A_59 : vector<64xf32> to vector<1x64xf32>
    %add3A_61 = vector.broadcast %broadcast_in_dim3A_60 : vector<1x64xf32> to vector<1024x64xf32>
    %add3A_62 = arith.addf %dot_general3A_57, %add3A_61 : vector<1024x64xf32>
    %swap3A_63 = arith.constant 0 : index
    %swap3A_64 = arith.constant 1 : index
    %swap3A_65 = arith.constant 0 : index
    %swap3A_66 = arith.constant 0 : index
    %swap3A_67 = vector.load %arg7[%swap3A_63, %swap3A_64, %swap3A_65, %swap3A_66] : memref<1x2x1024x64xf32, #tpu.memory_space<vmem>>, vector<1x1x1024x64xf32>
    %swap3A_68 = vector.shape_cast %swap3A_67 : vector<1x1x1024x64xf32> to vector<1024x64xf32>
    %swap3A_69 = vector.shape_cast %add3A_62 : vector<1024x64xf32> to vector<1x1x1024x64xf32>
    tpu.vector_store %arg7[%swap3A_63, %swap3A_64, %swap3A_65, %swap3A_66], %swap3A_69 {strides = array<i32>} : memref<1x2x1024x64xf32, #tpu.memory_space<vmem>>, vector<1x1x1024x64xf32>,
    return
  }
  func.func @transform_0(%arg0: i32) -> (i32, i32, i32) {
    %c0_i32 = arith.constant 0 : i32
    %c0_i32_0 = arith.constant 0 : i32
    %c0_i32_1 = arith.constant 0 : i32
    return %arg0, %c0_i32, %c0_i32_0 : i32, i32, i32
  }
  func.func @transform_1(%arg0: i32) -> (i32, i32) {
    %c0_i32 = arith.constant 0 : i32
    %c0_i32_0 = arith.constant 0 : i32
    %c0_i32_1 = arith.constant 0 : i32
    return %c0_i32, %c0_i32_0 : i32, i32
  }
  func.func @transform_2(%arg0: i32) -> i32 {
    %c0_i32 = arith.constant 0 : i32
    %c0_i32_0 = arith.constant 0 : i32
    return %c0_i32 : i32
  }
  func.func @transform_3(%arg0: i32) -> i32 {
    %c0_i32 = arith.constant 0 : i32
    %c0_i32_0 = arith.constant 0 : i32
    return %c0_i32 : i32
  }
  func.func @transform_4(%arg0: i32) -> (i32, i32) {
    %c0_i32 = arith.constant 0 : i32
    %c0_i32_0 = arith.constant 0 : i32
    %c0_i32_1 = arith.constant 0 : i32
    return %c0_i32, %c0_i32_0 : i32, i32
  }
  func.func @transform_5(%arg0: i32) -> i32 {
    %c0_i32 = arith.constant 0 : i32
    %c0_i32_0 = arith.constant 0 : i32
    return %c0_i32 : i32
  }
  func.func @transform_6(%arg0: i32) -> (i32, i32, i32, i32) {
    %c0_i32 = arith.constant 0 : i32
    %c0_i32_0 = arith.constant 0 : i32
    %c0_i32_1 = arith.constant 0 : i32
    %c0_i32_2 = arith.constant 0 : i32
    return %arg0, %c0_i32, %c0_i32_0, %c0_i32_1 : i32, i32, i32, i32
  }
}

module attributes {stable_mosaic.version = 14 : i64} {
  func.func @_final_kernel(%arg0: i32, %arg1: memref<1x2x1024xf32, #tpu.memory_space<vmem>>, %arg2: memref<1x2x1024x64xf32, #tpu.memory_space<vmem>>, %arg3: memref<1x2x1024x64xf32, #tpu.memory_space<vmem>>, %arg4: memref<1024x64xf32, #tpu.memory_space<vmem>>, %arg5: memref<64xf32, #tpu.memory_space<vmem>>, %arg6: memref<64xf32, #tpu.memory_space<vmem>>, %arg7: memref<64xf32, #tpu.memory_space<vmem>>, %arg8: memref<64xf32, #tpu.memory_space<vmem>>, %arg9: memref<64xf32, #tpu.memory_space<vmem>>, %arg10: memref<64xf32, #tpu.memory_space<vmem>>, %arg11: memref<256x64xf32, #tpu.memory_space<vmem>>, %arg12: memref<256xf32, #tpu.memory_space<vmem>>, %arg13: memref<64x256xf32, #tpu.memory_space<vmem>>, %arg14: memref<64xf32, #tpu.memory_space<vmem>>, %arg15: memref<64x64xf32, #tpu.memory_space<vmem>>, %arg16: memref<64xf32, #tpu.memory_space<vmem>>, %arg17: memref<64x64xf32, #tpu.memory_space<vmem>>, %arg18: memref<64xf32, #tpu.memory_space<vmem>>, %arg19: memref<64xf32, #tpu.memory_space<vmem>>, %arg20: memref<64xf32, #tpu.memory_space<vmem>>, %arg21: memref<64xf32, #tpu.memory_space<vmem>>, %arg22: memref<64xf32, #tpu.memory_space<vmem>>, %arg23: memref<64xf32, #tpu.memory_space<vmem>>, %arg24: memref<1x1xf32, #tpu.memory_space<smem>>, %arg25: memref<1x2x1024xf32, #tpu.memory_space<vmem>>) attributes {dimension_semantics = [#tpu.dimension_semantics<arbitrary>], iteration_bounds = array<i64: 60>, scalar_prefetch = 0 : i64, scratch_operands = 0 : i64, tpu.core_type = #tpu.core_type<tc>, window_params = [{transform_indices = @transform_0, window_bounds = array<i64: 1, 2, 1024>}, {transform_indices = @transform_1, window_bounds = array<i64: 1, 2, 1024, 64>}, {transform_indices = @transform_2, window_bounds = array<i64: 1, 2, 1024, 64>}, {pipeline_mode = #tpu.pipeline_mode<synchronous>, transform_indices = @transform_3, window_bounds = array<i64: 1024, 64>}, {pipeline_mode = #tpu.pipeline_mode<synchronous>, transform_indices = @transform_4, window_bounds = array<i64: 64>}, {pipeline_mode = #tpu.pipeline_mode<synchronous>, transform_indices = @transform_5, window_bounds = array<i64: 64>}, {pipeline_mode = #tpu.pipeline_mode<synchronous>, transform_indices = @transform_6, window_bounds = array<i64: 64>}, {pipeline_mode = #tpu.pipeline_mode<synchronous>, transform_indices = @transform_7, window_bounds = array<i64: 64>}, {pipeline_mode = #tpu.pipeline_mode<synchronous>, transform_indices = @transform_8, window_bounds = array<i64: 64>}, {pipeline_mode = #tpu.pipeline_mode<synchronous>, transform_indices = @transform_9, window_bounds = array<i64: 64>}, {pipeline_mode = #tpu.pipeline_mode<synchronous>, transform_indices = @transform_10, window_bounds = array<i64: 256, 64>}, {pipeline_mode = #tpu.pipeline_mode<synchronous>, transform_indices = @transform_11, window_bounds = array<i64: 256>}, {pipeline_mode = #tpu.pipeline_mode<synchronous>, transform_indices = @transform_12, window_bounds = array<i64: 64, 256>}, {pipeline_mode = #tpu.pipeline_mode<synchronous>, transform_indices = @transform_13, window_bounds = array<i64: 64>}, {pipeline_mode = #tpu.pipeline_mode<synchronous>, transform_indices = @transform_14, window_bounds = array<i64: 64, 64>}, {pipeline_mode = #tpu.pipeline_mode<synchronous>, transform_indices = @transform_15, window_bounds = array<i64: 64>}, {pipeline_mode = #tpu.pipeline_mode<synchronous>, transform_indices = @transform_16, window_bounds = array<i64: 64, 64>}, {pipeline_mode = #tpu.pipeline_mode<synchronous>, transform_indices = @transform_17, window_bounds = array<i64: 64>}, {pipeline_mode = #tpu.pipeline_mode<synchronous>, transform_indices = @transform_18, window_bounds = array<i64: 64>}, {pipeline_mode = #tpu.pipeline_mode<synchronous>, transform_indices = @transform_19, window_bounds = array<i64: 64>}, {pipeline_mode = #tpu.pipeline_mode<synchronous>, transform_indices = @transform_20, window_bounds = array<i64: 64>}, {pipeline_mode = #tpu.pipeline_mode<synchronous>, transform_indices = @transform_21, window_bounds = array<i64: 64>}, {pipeline_mode = #tpu.pipeline_mode<synchronous>, transform_indices = @transform_22, window_bounds = array<i64: 64>}, {transform_indices = @transform_23, window_bounds = array<i64: 1, 1>}, {transform_indices = @transform_24, window_bounds = array<i64: 1, 2, 1024>}]} {
    %get3A = arith.constant 0 : index
    %get3A_0 = vector.load %arg5[%get3A] : memref<64xf32, #tpu.memory_space<vmem>>, vector<64xf32>
    %get3A_1 = arith.constant 0 : index
    %get3A_2 = vector.load %arg6[%get3A_1] : memref<64xf32, #tpu.memory_space<vmem>>, vector<64xf32>
    %get3A_3 = arith.constant 0 : index
    %get3A_4 = arith.constant 0 : index
    %get3A_5 = vector.load %arg4[%get3A_3, %get3A_4] : memref<1024x64xf32, #tpu.memory_space<vmem>>, vector<1024x64xf32>
    %get3A_6 = arith.constant 0 : index
    %get3A_7 = arith.constant 0 : index
    %get3A_8 = arith.constant 0 : index
    %get3A_9 = vector.load %arg1[%get3A_6, %get3A_7, %get3A_8] : memref<1x2x1024xf32, #tpu.memory_space<vmem>>, vector<1x2x1024xf32>
    %get3A_10 = vector.shape_cast %get3A_9 : vector<1x2x1024xf32> to vector<2x1024xf32>
    %broadcast_in_dim3A = vector.shape_cast %get3A_10 : vector<2x1024xf32> to vector<2x1024x1xf32>
    %broadcast_in_dim3A_11 = vector.shape_cast %get3A_0 : vector<64xf32> to vector<1x1x64xf32>
    %mul3A = vector.broadcast %broadcast_in_dim3A : vector<2x1024x1xf32> to vector<2x1024x64xf32>
    %mul3A_12 = vector.broadcast %broadcast_in_dim3A_11 : vector<1x1x64xf32> to vector<2x1024x64xf32>
    %mul3A_13 = arith.mulf %mul3A, %mul3A_12 : vector<2x1024x64xf32>
    %broadcast_in_dim3A_14 = vector.shape_cast %get3A_2 : vector<64xf32> to vector<1x1x64xf32>
    %add3A = vector.broadcast %broadcast_in_dim3A_14 : vector<1x1x64xf32> to vector<2x1024x64xf32>
    %add3A_15 = arith.addf %mul3A_13, %add3A : vector<2x1024x64xf32>
    %reshape3A = vector.shape_cast %add3A_15 : vector<2x1024x64xf32> to vector<2048x64xf32>
    %concatenate3A = tpu.concatenate %get3A_5, %get3A_5 in 0 : vector<1024x64xf32>, vector<1024x64xf32> -> vector<2048x64xf32>
    %add3A_16 = arith.addf %reshape3A, %concatenate3A : vector<2048x64xf32>
    %get3A_17 = arith.constant 0 : index
    %get3A_18 = arith.constant 0 : index
    %get3A_19 = arith.constant 0 : index
    %get3A_20 = arith.constant 0 : index
    %get3A_21 = vector.load %arg2[%get3A_17, %get3A_18, %get3A_19, %get3A_20] : memref<1x2x1024x64xf32, #tpu.memory_space<vmem>>, vector<1x2x1024x64xf32>
    %get3A_22 = vector.shape_cast %get3A_21 : vector<1x2x1024x64xf32> to vector<2x1024x64xf32>
    %reshape3A_23 = vector.shape_cast %get3A_22 : vector<2x1024x64xf32> to vector<2048x64xf32>
    %get3A_24 = arith.constant 0 : index
    %get3A_25 = arith.constant 0 : index
    %get3A_26 = arith.constant 0 : index
    %get3A_27 = arith.constant 0 : index
    %get3A_28 = vector.load %arg3[%get3A_24, %get3A_25, %get3A_26, %get3A_27] : memref<1x2x1024x64xf32, #tpu.memory_space<vmem>>, vector<1x2x1024x64xf32>
    %get3A_29 = vector.shape_cast %get3A_28 : vector<1x2x1024x64xf32> to vector<2x1024x64xf32>
    %reshape3A_30 = vector.shape_cast %get3A_29 : vector<2x1024x64xf32> to vector<2048x64xf32>
    %mul3A_31 = arith.mulf %reshape3A_23, %add3A_16 : vector<2048x64xf32>
    %add3A_32 = arith.addf %mul3A_31, %add3A_16 : vector<2048x64xf32>
    %get3A_33 = arith.constant 0 : index
    %get3A_34 = vector.load %arg7[%get3A_33] : memref<64xf32, #tpu.memory_space<vmem>>, vector<64xf32>
    %get3A_35 = arith.constant 0 : index
    %get3A_36 = vector.load %arg8[%get3A_35] : memref<64xf32, #tpu.memory_space<vmem>>, vector<64xf32>
    %reduce_sum3A = arith.constant dense<0.000000e+00> : vector<2048xf32>
    %reduce_sum3A_37 = vector.multi_reduction <add>, %add3A_32, %reduce_sum3A [1] : vector<2048x64xf32> to vector<2048xf32>
    %broadcast_in_dim3A_38 = vector.shape_cast %reduce_sum3A_37 : vector<2048xf32> to vector<2048x1xf32>
    %div3A = arith.constant 6.400000e+01 : f32
    %div3A_39 = vector.broadcast %div3A : f32 to vector<2048x1xf32>
    %div3A_40 = arith.divf %broadcast_in_dim3A_38, %div3A_39 : vector<2048x1xf32>
    %jit3A = arith.constant 0 : i32
    %reduce_sum3A_41 = arith.constant dense<0.000000e+00> : vector<2048xf32>
    %reduce_sum3A_42 = vector.multi_reduction <add>, %add3A_32, %reduce_sum3A_41 [1] : vector<2048x64xf32> to vector<2048xf32>
    %broadcast_in_dim3A_43 = vector.shape_cast %reduce_sum3A_42 : vector<2048xf32> to vector<2048x1xf32>
    %div3A_44 = arith.constant 6.400000e+01 : f32
    %div3A_45 = vector.broadcast %div3A_44 : f32 to vector<2048x1xf32>
    %div3A_46 = arith.divf %broadcast_in_dim3A_43, %div3A_45 : vector<2048x1xf32>
    %sub3A = vector.broadcast %div3A_46 : vector<2048x1xf32> to vector<2048x64xf32>
    %sub3A_47 = arith.subf %add3A_32, %sub3A : vector<2048x64xf32>
    %square3A = arith.mulf %sub3A_47, %sub3A_47 : vector<2048x64xf32>
    %convert_element_type3A = arith.sitofp %jit3A : i32 to f32
    %sub3A_48 = arith.constant 6.400000e+01 : f32
    %sub3A_49 = arith.subf %sub3A_48, %convert_element_type3A : f32
    %reduce_sum3A_50 = arith.constant dense<0.000000e+00> : vector<2048xf32>
    %reduce_sum3A_51 = vector.multi_reduction <add>, %square3A, %reduce_sum3A_50 [1] : vector<2048x64xf32> to vector<2048xf32>
    %broadcast_in_dim3A_52 = vector.shape_cast %reduce_sum3A_51 : vector<2048xf32> to vector<2048x1xf32>
    %div3A_53 = vector.broadcast %sub3A_49 : f32 to vector<2048x1xf32>
    %div3A_54 = arith.divf %broadcast_in_dim3A_52, %div3A_53 : vector<2048x1xf32>
    %gt3A = arith.constant 0.000000e+00 : f32
    %gt3A_55 = arith.cmpf ogt, %sub3A_49, %gt3A : f32
    %jit3A_56 = arith.constant 0x7FC00000 : f32
    %broadcast_in_dim3A_57 = vector.broadcast %jit3A_56 : f32 to vector<2048x1xf32>
    %select_n3A = arith.select %gt3A_55, %div3A_54, %broadcast_in_dim3A_57 : vector<2048x1xf32>
    %sub3A_58 = vector.broadcast %div3A_40 : vector<2048x1xf32> to vector<2048x64xf32>
    %sub3A_59 = arith.subf %add3A_32, %sub3A_58 : vector<2048x64xf32>
    %add3A_60 = arith.constant 9.99999974E-6 : f32
    %add3A_61 = vector.broadcast %add3A_60 : f32 to vector<2048x1xf32>
    %add3A_62 = arith.addf %select_n3A, %add3A_61 : vector<2048x1xf32>
    %sqrt3A = math.sqrt %add3A_62 : vector<2048x1xf32>
    %div3A_63 = vector.broadcast %sqrt3A : vector<2048x1xf32> to vector<2048x64xf32>
    %div3A_64 = arith.divf %sub3A_59, %div3A_63 : vector<2048x64xf32>
    %broadcast_in_dim3A_65 = vector.shape_cast %get3A_34 : vector<64xf32> to vector<1x64xf32>
    %mul3A_66 = vector.broadcast %broadcast_in_dim3A_65 : vector<1x64xf32> to vector<2048x64xf32>
    %mul3A_67 = arith.mulf %div3A_64, %mul3A_66 : vector<2048x64xf32>
    %broadcast_in_dim3A_68 = vector.shape_cast %get3A_36 : vector<64xf32> to vector<1x64xf32>
    %add3A_69 = vector.broadcast %broadcast_in_dim3A_68 : vector<1x64xf32> to vector<2048x64xf32>
    %add3A_70 = arith.addf %mul3A_67, %add3A_69 : vector<2048x64xf32>
    %convert_element_type3A_71 = arith.truncf %add3A_70 : vector<2048x64xf32> to vector<2048x64xbf16>
    %get3A_72 = arith.constant 0 : index
    %get3A_73 = arith.constant 0 : index
    %get3A_74 = vector.load %arg11[%get3A_72, %get3A_73] : memref<256x64xf32, #tpu.memory_space<vmem>>, vector<256x64xf32>
    %transpose3A = tpu.transpose %get3A_74, [1, 0] : vector<256x64xf32> -> vector<64x256xf32>
    %convert_element_type3A_75 = arith.truncf %transpose3A : vector<64x256xf32> to vector<64x256xbf16>
    %dot_general3A = arith.constant dense<0.000000e+00> : vector<2048x256xf32>
    %dot_general3A_76 = tpu.matmul %convert_element_type3A_71, %convert_element_type3A_75, %dot_general3A {dimension_numbers = #tpu.dot_dimension_numbers<[1], [0], [0], [1], [0, 0, 1, 1], [], []>, transpose_lhs_hint = false} : vector<2048x64xbf16>, vector<64x256xbf16>, vector<2048x256xf32> -> vector<2048x256xf32>
    %get3A_77 = arith.constant 0 : index
    %get3A_78 = vector.load %arg12[%get3A_77] : memref<256xf32, #tpu.memory_space<vmem>>, vector<256xf32>
    %broadcast_in_dim3A_79 = vector.shape_cast %get3A_78 : vector<256xf32> to vector<1x256xf32>
    %add3A_80 = vector.broadcast %broadcast_in_dim3A_79 : vector<1x256xf32> to vector<2048x256xf32>
    %add3A_81 = arith.addf %dot_general3A_76, %add3A_80 : vector<2048x256xf32>
    %max3A = arith.constant 0.000000e+00 : f32
    %max3A_82 = vector.broadcast %max3A : f32 to vector<2048x256xf32>
    %max3A_83 = arith.maximumf %add3A_81, %max3A_82 : vector<2048x256xf32>
    %convert_element_type3A_84 = arith.truncf %max3A_83 : vector<2048x256xf32> to vector<2048x256xbf16>
    %get3A_85 = arith.constant 0 : index
    %get3A_86 = arith.constant 0 : index
    %get3A_87 = vector.load %arg13[%get3A_85, %get3A_86] : memref<64x256xf32, #tpu.memory_space<vmem>>, vector<64x256xf32>
    %transpose3A_88 = tpu.transpose %get3A_87, [1, 0] : vector<64x256xf32> -> vector<256x64xf32>
    %convert_element_type3A_89 = arith.truncf %transpose3A_88 : vector<256x64xf32> to vector<256x64xbf16>
    %dot_general3A_90 = arith.constant dense<0.000000e+00> : vector<2048x64xf32>
    %dot_general3A_91 = tpu.matmul %convert_element_type3A_84, %convert_element_type3A_89, %dot_general3A_90 {dimension_numbers = #tpu.dot_dimension_numbers<[1], [0], [0], [1], [0, 0, 1, 1], [], []>, transpose_lhs_hint = false} : vector<2048x256xbf16>, vector<256x64xbf16>, vector<2048x64xf32> -> vector<2048x64xf32>
    %get3A_92 = arith.constant 0 : index
    %get3A_93 = vector.load %arg14[%get3A_92] : memref<64xf32, #tpu.memory_space<vmem>>, vector<64xf32>
    %broadcast_in_dim3A_94 = vector.shape_cast %get3A_93 : vector<64xf32> to vector<1x64xf32>
    %add3A_95 = vector.broadcast %broadcast_in_dim3A_94 : vector<1x64xf32> to vector<2048x64xf32>
    %add3A_96 = arith.addf %dot_general3A_91, %add3A_95 : vector<2048x64xf32>
    %add3A_97 = arith.addf %add3A_96, %add3A_70 : vector<2048x64xf32>
    %get3A_98 = arith.constant 0 : index
    %get3A_99 = vector.load %arg9[%get3A_98] : memref<64xf32, #tpu.memory_space<vmem>>, vector<64xf32>
    %get3A_100 = arith.constant 0 : index
    %get3A_101 = vector.load %arg10[%get3A_100] : memref<64xf32, #tpu.memory_space<vmem>>, vector<64xf32>
    %reduce_sum3A_102 = arith.constant dense<0.000000e+00> : vector<2048xf32>
    %reduce_sum3A_103 = vector.multi_reduction <add>, %add3A_97, %reduce_sum3A_102 [1] : vector<2048x64xf32> to vector<2048xf32>
    %broadcast_in_dim3A_104 = vector.shape_cast %reduce_sum3A_103 : vector<2048xf32> to vector<2048x1xf32>
    %div3A_105 = arith.constant 6.400000e+01 : f32
    %div3A_106 = vector.broadcast %div3A_105 : f32 to vector<2048x1xf32>
    %div3A_107 = arith.divf %broadcast_in_dim3A_104, %div3A_106 : vector<2048x1xf32>
    %jit3A_108 = arith.constant 0 : i32
    %reduce_sum3A_109 = arith.constant dense<0.000000e+00> : vector<2048xf32>
    %reduce_sum3A_110 = vector.multi_reduction <add>, %add3A_97, %reduce_sum3A_109 [1] : vector<2048x64xf32> to vector<2048xf32>
    %broadcast_in_dim3A_111 = vector.shape_cast %reduce_sum3A_110 : vector<2048xf32> to vector<2048x1xf32>
    %div3A_112 = arith.constant 6.400000e+01 : f32
    %div3A_113 = vector.broadcast %div3A_112 : f32 to vector<2048x1xf32>
    %div3A_114 = arith.divf %broadcast_in_dim3A_111, %div3A_113 : vector<2048x1xf32>
    %sub3A_115 = vector.broadcast %div3A_114 : vector<2048x1xf32> to vector<2048x64xf32>
    %sub3A_116 = arith.subf %add3A_97, %sub3A_115 : vector<2048x64xf32>
    %square3A_117 = arith.mulf %sub3A_116, %sub3A_116 : vector<2048x64xf32>
    %convert_element_type3A_118 = arith.sitofp %jit3A_108 : i32 to f32
    %sub3A_119 = arith.constant 6.400000e+01 : f32
    %sub3A_120 = arith.subf %sub3A_119, %convert_element_type3A_118 : f32
    %reduce_sum3A_121 = arith.constant dense<0.000000e+00> : vector<2048xf32>
    %reduce_sum3A_122 = vector.multi_reduction <add>, %square3A_117, %reduce_sum3A_121 [1] : vector<2048x64xf32> to vector<2048xf32>
    %broadcast_in_dim3A_123 = vector.shape_cast %reduce_sum3A_122 : vector<2048xf32> to vector<2048x1xf32>
    %div3A_124 = vector.broadcast %sub3A_120 : f32 to vector<2048x1xf32>
    %div3A_125 = arith.divf %broadcast_in_dim3A_123, %div3A_124 : vector<2048x1xf32>
    %gt3A_126 = arith.constant 0.000000e+00 : f32
    %gt3A_127 = arith.cmpf ogt, %sub3A_120, %gt3A_126 : f32
    %jit3A_128 = arith.constant 0x7FC00000 : f32
    %broadcast_in_dim3A_129 = vector.broadcast %jit3A_128 : f32 to vector<2048x1xf32>
    %select_n3A_130 = arith.select %gt3A_127, %div3A_125, %broadcast_in_dim3A_129 : vector<2048x1xf32>
    %sub3A_131 = vector.broadcast %div3A_107 : vector<2048x1xf32> to vector<2048x64xf32>
    %sub3A_132 = arith.subf %add3A_97, %sub3A_131 : vector<2048x64xf32>
    %add3A_133 = arith.constant 9.99999974E-6 : f32
    %add3A_134 = vector.broadcast %add3A_133 : f32 to vector<2048x1xf32>
    %add3A_135 = arith.addf %select_n3A_130, %add3A_134 : vector<2048x1xf32>
    %sqrt3A_136 = math.sqrt %add3A_135 : vector<2048x1xf32>
    %div3A_137 = vector.broadcast %sqrt3A_136 : vector<2048x1xf32> to vector<2048x64xf32>
    %div3A_138 = arith.divf %sub3A_132, %div3A_137 : vector<2048x64xf32>
    %broadcast_in_dim3A_139 = vector.shape_cast %get3A_99 : vector<64xf32> to vector<1x64xf32>
    %mul3A_140 = vector.broadcast %broadcast_in_dim3A_139 : vector<1x64xf32> to vector<2048x64xf32>
    %mul3A_141 = arith.mulf %div3A_138, %mul3A_140 : vector<2048x64xf32>
    %broadcast_in_dim3A_142 = vector.shape_cast %get3A_101 : vector<64xf32> to vector<1x64xf32>
    %add3A_143 = vector.broadcast %broadcast_in_dim3A_142 : vector<1x64xf32> to vector<2048x64xf32>
    %add3A_144 = arith.addf %mul3A_141, %add3A_143 : vector<2048x64xf32>
    %get3A_145 = arith.constant 0 : index
    %get3A_146 = arith.constant 0 : index
    %get3A_147 = vector.load %arg15[%get3A_145, %get3A_146] : memref<64x64xf32, #tpu.memory_space<vmem>>, vector<64x64xf32>
    %transpose3A_148 = tpu.transpose %get3A_147, [1, 0] : vector<64x64xf32> -> vector<64x64xf32>
    %dot_general3A_149 = arith.constant dense<0.000000e+00> : vector<2048x64xf32>
    %dot_general3A_150 = tpu.matmul %add3A_144, %transpose3A_148, %dot_general3A_149 {dimension_numbers = #tpu.dot_dimension_numbers<[1], [0], [0], [1], [0, 0, 1, 1], [], []>, transpose_lhs_hint = false} : vector<2048x64xf32>, vector<64x64xf32>, vector<2048x64xf32> -> vector<2048x64xf32>
    %get3A_151 = arith.constant 0 : index
    %get3A_152 = vector.load %arg16[%get3A_151] : memref<64xf32, #tpu.memory_space<vmem>>, vector<64xf32>
    %broadcast_in_dim3A_153 = vector.shape_cast %get3A_152 : vector<64xf32> to vector<1x64xf32>
    %add3A_154 = vector.broadcast %broadcast_in_dim3A_153 : vector<1x64xf32> to vector<2048x64xf32>
    %add3A_155 = arith.addf %dot_general3A_150, %add3A_154 : vector<2048x64xf32>
    %get3A_156 = arith.constant 0 : index
    %get3A_157 = arith.constant 0 : index
    %get3A_158 = vector.load %arg17[%get3A_156, %get3A_157] : memref<64x64xf32, #tpu.memory_space<vmem>>, vector<64x64xf32>
    %transpose3A_159 = tpu.transpose %get3A_158, [1, 0] : vector<64x64xf32> -> vector<64x64xf32>
    %dot_general3A_160 = arith.constant dense<0.000000e+00> : vector<2048x64xf32>
    %dot_general3A_161 = tpu.matmul %reshape3A_30, %transpose3A_159, %dot_general3A_160 {dimension_numbers = #tpu.dot_dimension_numbers<[1], [0], [0], [1], [0, 0, 1, 1], [], []>, transpose_lhs_hint = false} : vector<2048x64xf32>, vector<64x64xf32>, vector<2048x64xf32> -> vector<2048x64xf32>
    %add3A_162 = arith.addf %add3A_155, %dot_general3A_161 : vector<2048x64xf32>
    %get3A_163 = arith.constant 0 : index
    %get3A_164 = vector.load %arg18[%get3A_163] : memref<64xf32, #tpu.memory_space<vmem>>, vector<64xf32>
    %broadcast_in_dim3A_165 = vector.shape_cast %get3A_164 : vector<64xf32> to vector<1x64xf32>
    %add3A_166 = vector.broadcast %broadcast_in_dim3A_165 : vector<1x64xf32> to vector<2048x64xf32>
    %add3A_167 = arith.addf %add3A_162, %add3A_166 : vector<2048x64xf32>
    %neg3A = arith.constant 0.000000e+00 : f32
    %neg3A_168 = vector.broadcast %neg3A : f32 to vector<2048x64xf32>
    %neg3A_169 = arith.subf %neg3A_168, %add3A_167 : vector<2048x64xf32>
    %exp3A = math.exp %neg3A_169 : vector<2048x64xf32>
    %add3A_170 = arith.constant 1.000000e+00 : f32
    %add3A_171 = vector.broadcast %add3A_170 : f32 to vector<2048x64xf32>
    %add3A_172 = arith.addf %add3A_171, %exp3A : vector<2048x64xf32>
    %div3A_173 = arith.constant 1.000000e+00 : f32
    %div3A_174 = vector.broadcast %div3A_173 : f32 to vector<2048x64xf32>
    %div3A_175 = arith.divf %div3A_174, %add3A_172 : vector<2048x64xf32>
    %mul3A_176 = arith.mulf %div3A_175, %add3A_144 : vector<2048x64xf32>
    %sub3A_177 = arith.constant 1.000000e+00 : f32
    %sub3A_178 = vector.broadcast %sub3A_177 : f32 to vector<2048x64xf32>
    %sub3A_179 = arith.subf %sub3A_178, %div3A_175 : vector<2048x64xf32>
    %mul3A_180 = arith.mulf %sub3A_179, %reshape3A_30 : vector<2048x64xf32>
    %add3A_181 = arith.addf %mul3A_176, %mul3A_180 : vector<2048x64xf32>
    %add3A_182 = arith.addf %add3A_181, %reshape3A : vector<2048x64xf32>
    %get3A_183 = arith.constant 0 : index
    %get3A_184 = vector.load %arg19[%get3A_183] : memref<64xf32, #tpu.memory_space<vmem>>, vector<64xf32>
    %get3A_185 = arith.constant 0 : index
    %get3A_186 = vector.load %arg20[%get3A_185] : memref<64xf32, #tpu.memory_space<vmem>>, vector<64xf32>
    %reduce_sum3A_187 = arith.constant dense<0.000000e+00> : vector<2048xf32>
    %reduce_sum3A_188 = vector.multi_reduction <add>, %add3A_182, %reduce_sum3A_187 [1] : vector<2048x64xf32> to vector<2048xf32>
    %broadcast_in_dim3A_189 = vector.shape_cast %reduce_sum3A_188 : vector<2048xf32> to vector<2048x1xf32>
    %div3A_190 = arith.constant 6.400000e+01 : f32
    %div3A_191 = vector.broadcast %div3A_190 : f32 to vector<2048x1xf32>
    %div3A_192 = arith.divf %broadcast_in_dim3A_189, %div3A_191 : vector<2048x1xf32>
    %jit3A_193 = arith.constant 0 : i32
    %reduce_sum3A_194 = arith.constant dense<0.000000e+00> : vector<2048xf32>
    %reduce_sum3A_195 = vector.multi_reduction <add>, %add3A_182, %reduce_sum3A_194 [1] : vector<2048x64xf32> to vector<2048xf32>
    %broadcast_in_dim3A_196 = vector.shape_cast %reduce_sum3A_195 : vector<2048xf32> to vector<2048x1xf32>
    %div3A_197 = arith.constant 6.400000e+01 : f32
    %div3A_198 = vector.broadcast %div3A_197 : f32 to vector<2048x1xf32>
    %div3A_199 = arith.divf %broadcast_in_dim3A_196, %div3A_198 : vector<2048x1xf32>
    %sub3A_200 = vector.broadcast %div3A_199 : vector<2048x1xf32> to vector<2048x64xf32>
    %sub3A_201 = arith.subf %add3A_182, %sub3A_200 : vector<2048x64xf32>
    %square3A_202 = arith.mulf %sub3A_201, %sub3A_201 : vector<2048x64xf32>
    %convert_element_type3A_203 = arith.sitofp %jit3A_193 : i32 to f32
    %sub3A_204 = arith.constant 6.400000e+01 : f32
    %sub3A_205 = arith.subf %sub3A_204, %convert_element_type3A_203 : f32
    %reduce_sum3A_206 = arith.constant dense<0.000000e+00> : vector<2048xf32>
    %reduce_sum3A_207 = vector.multi_reduction <add>, %square3A_202, %reduce_sum3A_206 [1] : vector<2048x64xf32> to vector<2048xf32>
    %broadcast_in_dim3A_208 = vector.shape_cast %reduce_sum3A_207 : vector<2048xf32> to vector<2048x1xf32>
    %div3A_209 = vector.broadcast %sub3A_205 : f32 to vector<2048x1xf32>
    %div3A_210 = arith.divf %broadcast_in_dim3A_208, %div3A_209 : vector<2048x1xf32>
    %gt3A_211 = arith.constant 0.000000e+00 : f32
    %gt3A_212 = arith.cmpf ogt, %sub3A_205, %gt3A_211 : f32
    %jit3A_213 = arith.constant 0x7FC00000 : f32
    %broadcast_in_dim3A_214 = vector.broadcast %jit3A_213 : f32 to vector<2048x1xf32>
    %select_n3A_215 = arith.select %gt3A_212, %div3A_210, %broadcast_in_dim3A_214 : vector<2048x1xf32>
    %sub3A_216 = vector.broadcast %div3A_192 : vector<2048x1xf32> to vector<2048x64xf32>
    %sub3A_217 = arith.subf %add3A_182, %sub3A_216 : vector<2048x64xf32>
    %add3A_218 = arith.constant 9.99999974E-6 : f32
    %add3A_219 = vector.broadcast %add3A_218 : f32 to vector<2048x1xf32>
    %add3A_220 = arith.addf %select_n3A_215, %add3A_219 : vector<2048x1xf32>
    %sqrt3A_221 = math.sqrt %add3A_220 : vector<2048x1xf32>
    %div3A_222 = vector.broadcast %sqrt3A_221 : vector<2048x1xf32> to vector<2048x64xf32>
    %div3A_223 = arith.divf %sub3A_217, %div3A_222 : vector<2048x64xf32>
    %broadcast_in_dim3A_224 = vector.shape_cast %get3A_184 : vector<64xf32> to vector<1x64xf32>
    %mul3A_225 = vector.broadcast %broadcast_in_dim3A_224 : vector<1x64xf32> to vector<2048x64xf32>
    %mul3A_226 = arith.mulf %div3A_223, %mul3A_225 : vector<2048x64xf32>
    %broadcast_in_dim3A_227 = vector.shape_cast %get3A_186 : vector<64xf32> to vector<1x64xf32>
    %add3A_228 = vector.broadcast %broadcast_in_dim3A_227 : vector<1x64xf32> to vector<2048x64xf32>
    %add3A_229 = arith.addf %mul3A_226, %add3A_228 : vector<2048x64xf32>
    %get3A_230 = arith.constant 0 : index
    %get3A_231 = vector.load %arg21[%get3A_230] : memref<64xf32, #tpu.memory_space<vmem>>, vector<64xf32>
    %get3A_232 = arith.constant 0 : index
    %get3A_233 = vector.load %arg22[%get3A_232] : memref<64xf32, #tpu.memory_space<vmem>>, vector<64xf32>
    %reduce_sum3A_234 = arith.constant dense<0.000000e+00> : vector<2048xf32>
    %reduce_sum3A_235 = vector.multi_reduction <add>, %add3A_229, %reduce_sum3A_234 [1] : vector<2048x64xf32> to vector<2048xf32>
    %broadcast_in_dim3A_236 = vector.shape_cast %reduce_sum3A_235 : vector<2048xf32> to vector<2048x1xf32>
    %div3A_237 = arith.constant 6.400000e+01 : f32
    %div3A_238 = vector.broadcast %div3A_237 : f32 to vector<2048x1xf32>
    %div3A_239 = arith.divf %broadcast_in_dim3A_236, %div3A_238 : vector<2048x1xf32>
    %jit3A_240 = arith.constant 0 : i32
    %reduce_sum3A_241 = arith.constant dense<0.000000e+00> : vector<2048xf32>
    %reduce_sum3A_242 = vector.multi_reduction <add>, %add3A_229, %reduce_sum3A_241 [1] : vector<2048x64xf32> to vector<2048xf32>
    %broadcast_in_dim3A_243 = vector.shape_cast %reduce_sum3A_242 : vector<2048xf32> to vector<2048x1xf32>
    %div3A_244 = arith.constant 6.400000e+01 : f32
    %div3A_245 = vector.broadcast %div3A_244 : f32 to vector<2048x1xf32>
    %div3A_246 = arith.divf %broadcast_in_dim3A_243, %div3A_245 : vector<2048x1xf32>
    %sub3A_247 = vector.broadcast %div3A_246 : vector<2048x1xf32> to vector<2048x64xf32>
    %sub3A_248 = arith.subf %add3A_229, %sub3A_247 : vector<2048x64xf32>
    %square3A_249 = arith.mulf %sub3A_248, %sub3A_248 : vector<2048x64xf32>
    %convert_element_type3A_250 = arith.sitofp %jit3A_240 : i32 to f32
    %sub3A_251 = arith.constant 6.400000e+01 : f32
    %sub3A_252 = arith.subf %sub3A_251, %convert_element_type3A_250 : f32
    %reduce_sum3A_253 = arith.constant dense<0.000000e+00> : vector<2048xf32>
    %reduce_sum3A_254 = vector.multi_reduction <add>, %square3A_249, %reduce_sum3A_253 [1] : vector<2048x64xf32> to vector<2048xf32>
    %broadcast_in_dim3A_255 = vector.shape_cast %reduce_sum3A_254 : vector<2048xf32> to vector<2048x1xf32>
    %div3A_256 = vector.broadcast %sub3A_252 : f32 to vector<2048x1xf32>
    %div3A_257 = arith.divf %broadcast_in_dim3A_255, %div3A_256 : vector<2048x1xf32>
    %gt3A_258 = arith.constant 0.000000e+00 : f32
    %gt3A_259 = arith.cmpf ogt, %sub3A_252, %gt3A_258 : f32
    %jit3A_260 = arith.constant 0x7FC00000 : f32
    %broadcast_in_dim3A_261 = vector.broadcast %jit3A_260 : f32 to vector<2048x1xf32>
    %select_n3A_262 = arith.select %gt3A_259, %div3A_257, %broadcast_in_dim3A_261 : vector<2048x1xf32>
    %sub3A_263 = vector.broadcast %div3A_239 : vector<2048x1xf32> to vector<2048x64xf32>
    %sub3A_264 = arith.subf %add3A_229, %sub3A_263 : vector<2048x64xf32>
    %add3A_265 = arith.constant 9.99999974E-6 : f32
    %add3A_266 = vector.broadcast %add3A_265 : f32 to vector<2048x1xf32>
    %add3A_267 = arith.addf %select_n3A_262, %add3A_266 : vector<2048x1xf32>
    %sqrt3A_268 = math.sqrt %add3A_267 : vector<2048x1xf32>
    %div3A_269 = vector.broadcast %sqrt3A_268 : vector<2048x1xf32> to vector<2048x64xf32>
    %div3A_270 = arith.divf %sub3A_264, %div3A_269 : vector<2048x64xf32>
    %broadcast_in_dim3A_271 = vector.shape_cast %get3A_231 : vector<64xf32> to vector<1x64xf32>
    %mul3A_272 = vector.broadcast %broadcast_in_dim3A_271 : vector<1x64xf32> to vector<2048x64xf32>
    %mul3A_273 = arith.mulf %div3A_270, %mul3A_272 : vector<2048x64xf32>
    %broadcast_in_dim3A_274 = vector.shape_cast %get3A_233 : vector<64xf32> to vector<1x64xf32>
    %add3A_275 = vector.broadcast %broadcast_in_dim3A_274 : vector<1x64xf32> to vector<2048x64xf32>
    %add3A_276 = arith.addf %mul3A_273, %add3A_275 : vector<2048x64xf32>
    %get3A_277 = arith.constant 0 : index
    %get3A_278 = vector.load %arg23[%get3A_277] : memref<64xf32, #tpu.memory_space<vmem>>, vector<64xf32>
    %broadcast_in_dim3A_279 = vector.shape_cast %get3A_278 : vector<64xf32> to vector<1x64xf32>
    %mul3A_280 = vector.broadcast %broadcast_in_dim3A_279 : vector<1x64xf32> to vector<2048x64xf32>
    %mul3A_281 = arith.mulf %add3A_276, %mul3A_280 : vector<2048x64xf32>
    %reduce_sum3A_282 = arith.constant dense<0.000000e+00> : vector<2048xf32>
    %reduce_sum3A_283 = vector.multi_reduction <add>, %mul3A_281, %reduce_sum3A_282 [1] : vector<2048x64xf32> to vector<2048xf32>
    %get3A_284 = arith.constant 0 : index
    %get3A_285 = arith.constant 0 : index
    %get3A_286 = memref.load %arg24[%get3A_284, %get3A_285] : memref<1x1xf32, #tpu.memory_space<smem>>
    %add3A_287 = vector.broadcast %get3A_286 : f32 to vector<2048xf32>
    %add3A_288 = arith.addf %reduce_sum3A_283, %add3A_287 : vector<2048xf32>
    %reshape3A_289 = vector.shape_cast %add3A_288 : vector<2048xf32> to vector<2x1024xf32>
    %swap3A = arith.constant 0 : index
    %swap3A_290 = arith.constant 0 : index
    %swap3A_291 = arith.constant 0 : index
    %swap3A_292 = vector.load %arg25[%swap3A, %swap3A_290, %swap3A_291] : memref<1x2x1024xf32, #tpu.memory_space<vmem>>, vector<1x2x1024xf32>
    %swap3A_293 = vector.shape_cast %swap3A_292 : vector<1x2x1024xf32> to vector<2x1024xf32>
    %swap3A_294 = vector.shape_cast %reshape3A_289 : vector<2x1024xf32> to vector<1x2x1024xf32>
    tpu.vector_store %arg25[%swap3A, %swap3A_290, %swap3A_291], %swap3A_294 {strides = array<i32>} : memref<1x2x1024xf32, #tpu.memory_space<vmem>>, vector<1x2x1024xf32>,
    return
  }
  func.func @transform_0(%arg0: i32) -> (i32, i32, i32) {
    %c0_i32 = arith.constant 0 : i32
    %c0_i32_0 = arith.constant 0 : i32
    %c0_i32_1 = arith.constant 0 : i32
    return %arg0, %c0_i32, %c0_i32_0 : i32, i32, i32
  }
  func.func @transform_1(%arg0: i32) -> (i32, i32, i32, i32) {
    %c0_i32 = arith.constant 0 : i32
    %c0_i32_0 = arith.constant 0 : i32
    %c0_i32_1 = arith.constant 0 : i32
    %c0_i32_2 = arith.constant 0 : i32
    return %arg0, %c0_i32, %c0_i32_0, %c0_i32_1 : i32, i32, i32, i32
  }
  func.func @transform_2(%arg0: i32) -> (i32, i32, i32, i32) {
    %c0_i32 = arith.constant 0 : i32
    %c0_i32_0 = arith.constant 0 : i32
    %c0_i32_1 = arith.constant 0 : i32
    %c0_i32_2 = arith.constant 0 : i32
    return %arg0, %c0_i32, %c0_i32_0, %c0_i32_1 : i32, i32, i32, i32
  }
  func.func @transform_3(%arg0: i32) -> (i32, i32) {
    %c0_i32 = arith.constant 0 : i32
    %c0_i32_0 = arith.constant 0 : i32
    %c0_i32_1 = arith.constant 0 : i32
    return %c0_i32, %c0_i32_0 : i32, i32
  }
  func.func @transform_4(%arg0: i32) -> i32 {
    %c0_i32 = arith.constant 0 : i32
    %c0_i32_0 = arith.constant 0 : i32
    return %c0_i32 : i32
  }
  func.func @transform_5(%arg0: i32) -> i32 {
    %c0_i32 = arith.constant 0 : i32
    %c0_i32_0 = arith.constant 0 : i32
    return %c0_i32 : i32
  }
  func.func @transform_6(%arg0: i32) -> i32 {
    %c0_i32 = arith.constant 0 : i32
    %c0_i32_0 = arith.constant 0 : i32
    return %c0_i32 : i32
  }
  func.func @transform_7(%arg0: i32) -> i32 {
    %c0_i32 = arith.constant 0 : i32
    %c0_i32_0 = arith.constant 0 : i32
    return %c0_i32 : i32
  }
  func.func @transform_8(%arg0: i32) -> i32 {
    %c0_i32 = arith.constant 0 : i32
    %c0_i32_0 = arith.constant 0 : i32
    return %c0_i32 : i32
  }
  func.func @transform_9(%arg0: i32) -> i32 {
    %c0_i32 = arith.constant 0 : i32
    %c0_i32_0 = arith.constant 0 : i32
    return %c0_i32 : i32
  }
  func.func @transform_10(%arg0: i32) -> (i32, i32) {
    %c0_i32 = arith.constant 0 : i32
    %c0_i32_0 = arith.constant 0 : i32
    %c0_i32_1 = arith.constant 0 : i32
    return %c0_i32, %c0_i32_0 : i32, i32
  }
  func.func @transform_11(%arg0: i32) -> i32 {
    %c0_i32 = arith.constant 0 : i32
    %c0_i32_0 = arith.constant 0 : i32
    return %c0_i32 : i32
  }
  func.func @transform_12(%arg0: i32) -> (i32, i32) {
    %c0_i32 = arith.constant 0 : i32
    %c0_i32_0 = arith.constant 0 : i32
    %c0_i32_1 = arith.constant 0 : i32
    return %c0_i32, %c0_i32_0 : i32, i32
  }
  func.func @transform_13(%arg0: i32) -> i32 {
    %c0_i32 = arith.constant 0 : i32
    %c0_i32_0 = arith.constant 0 : i32
    return %c0_i32 : i32
  }
  func.func @transform_14(%arg0: i32) -> (i32, i32) {
    %c0_i32 = arith.constant 0 : i32
    %c0_i32_0 = arith.constant 0 : i32
    %c0_i32_1 = arith.constant 0 : i32
    return %c0_i32, %c0_i32_0 : i32, i32
  }
  func.func @transform_15(%arg0: i32) -> i32 {
    %c0_i32 = arith.constant 0 : i32
    %c0_i32_0 = arith.constant 0 : i32
    return %c0_i32 : i32
  }
  func.func @transform_16(%arg0: i32) -> (i32, i32) {
    %c0_i32 = arith.constant 0 : i32
    %c0_i32_0 = arith.constant 0 : i32
    %c0_i32_1 = arith.constant 0 : i32
    return %c0_i32, %c0_i32_0 : i32, i32
  }
  func.func @transform_17(%arg0: i32) -> i32 {
    %c0_i32 = arith.constant 0 : i32
    %c0_i32_0 = arith.constant 0 : i32
    return %c0_i32 : i32
  }
  func.func @transform_18(%arg0: i32) -> i32 {
    %c0_i32 = arith.constant 0 : i32
    %c0_i32_0 = arith.constant 0 : i32
    return %c0_i32 : i32
  }
  func.func @transform_19(%arg0: i32) -> i32 {
    %c0_i32 = arith.constant 0 : i32
    %c0_i32_0 = arith.constant 0 : i32
    return %c0_i32 : i32
  }
  func.func @transform_20(%arg0: i32) -> i32 {
    %c0_i32 = arith.constant 0 : i32
    %c0_i32_0 = arith.constant 0 : i32
    return %c0_i32 : i32
  }
  func.func @transform_21(%arg0: i32) -> i32 {
    %c0_i32 = arith.constant 0 : i32
    %c0_i32_0 = arith.constant 0 : i32
    return %c0_i32 : i32
  }
  func.func @transform_22(%arg0: i32) -> i32 {
    %c0_i32 = arith.constant 0 : i32
    %c0_i32_0 = arith.constant 0 : i32
    return %c0_i32 : i32
  }
  func.func @transform_23(%arg0: i32) -> (i32, i32) {
    %c0_i32 = arith.constant 0 : i32
    %c0_i32_0 = arith.constant 0 : i32
    %c0_i32_1 = arith.constant 0 : i32
    return %c0_i32, %c0_i32_0 : i32, i32
  }
  func.func @transform_24(%arg0: i32) -> (i32, i32, i32) {
    %c0_i32 = arith.constant 0 : i32
    %c0_i32_0 = arith.constant 0 : i32
    %c0_i32_1 = arith.constant 0 : i32
    return %arg0, %c0_i32, %c0_i32_0 : i32, i32, i32
  }
}

</mosaic_0001>

<sc_bundles>
// kernel: kernel.8.cloned.1.call-start
scs
__scs_entry_jumppad:
0x0: {  	(pc) =	sbr.rel $0x88, $3  }
0x1: {  	(tag) =	ssettag $0x0;
	lr =	simm.s32 $0x1  }
0x2: {  	[smem:$0x3F74] =	sst lr;
	_ =	strace $0xD0000000  }
0x3: {  	_ = 	snop  }
0x4: {  	_ = 	snop  }
0x5: {  	_ = 	snop  }
0x6: {  	_ = 	snop  }
0x7: {  	_ = 	snop  }
__scs_overlays_trampoline_lowered:
0x8: {  	[smem:$0x3F83] =	sst s0  }
0x9: {  	[smem:$0x3F84] =	sst s1  }
0xa: {  	[smem:$0x3F85] =	sst s2  }
0xb: {  	[smem:$0x3F86] =	sst s3  }
0xc: {  	[smem:$0x3F87] =	sst s4  }
0xd: {  	[smem:$0x3F88] =	sst s5  }
0xe: {  	[smem:$0x3F89] =	sst s6  }
0xf: {  	[smem:$0x3F8A] =	sst s7  }
0x10: {  	[smem:$0x3F8B] =	sst s8  }
0x11: {  	[smem:$0x3F8C] =	sst s9;
	s0 =	simm.s32 @!p0 $0x0  }
0x12: {  	s1 =	sld [smem:$0x3F72];
	s0 =	simm.s32 @p0 $0x1  }
0x13: {  	[smem:$0x3F8D] =	sst s0;
	s0 =	simm.s32 @!p1 $0x0  }
0x14: {  	s2 =	sld [smem:$0x3F71];
	s0 =	simm.s32 @p1 $0x1  }
0x15: {  	[smem:$0x3F8E] =	sst s0;
	s0 =	simm.s32 @!p2 $0x0  }
0x16: {  	s3 =	sld [smem:$0x3FDB];
	s0 =	simm.s32 @p2 $0x1  }
0x17: {  	s4 =	simm.s32 $0x1BF5;
	[smem:$0x3F90] =	sst s0  }
0x18: {  	s0 =	sld [smem:$0x3F73];
	_ =	swait.ge [sflag:s4], $0x0  }
0x19: {  	s7 =	sld [smem:$0x3F74]  }
0x1a: {  	s8 =	sadd.s32 $0xFFFFE003, lr  }
0x1b: {  	s9 =	sadd.s32 $0xFFFFFEF7, lr;
	s5 =	simm.s32 $0xFFFFFFFF;
	p2 =	slt.u32 s8, $0xFFFFF086  }
0x1c: {  	p1 =	slt.u32 s9, $0xF7A;
	s5 =	simm.s32 @!p2 $0x0  }
0x1d: {  	s5 =	simm.s32 @p1 $0x1;
	p0 =	seq.s32 s7, s2  }
0x1e: {  	s7 =	smul.u32 @!p0 $0xF7A, s2;
	p2 =	seq.s32 @!p0 s5, $0x0  }
0x1f: {  	s9 =	smul.u32 $0xF7A, s1;
	s8 =	simm.s32 @!p0 $0x1BF5;
	p2 =	por !p2, p0  }
0x20: {  	[sflag:s8] =	ssyncset.s32 @!p0 $0xFFFFF086;
	s6 =	sadd.s32 @!p0 s3, s7;
	s7 =	simm.s32 @!p0 $0x108  }
0x21: {  	s3 =	sadd.s32 s3, s9;
	s6 =	sadd.s32 @!p0 $0x88, s6;
	s7 =	simm.s32 @p2 $0x1082  }
0x22: {  	[simem:s7], [sflag:s8] =	dma.local @!p0 [hbm:s6], $0xF7A  }
0x23: {  	s9 =	sor.u32 $0xD0000000, s2;
	s6 =	simm.s32 $0x108;
	_ =	swait.ge @!p0 [sflag:s8], $0x0  }
0x24: {  	s3 =	sadd.s32 $0x88, s3;
	s6 =	simm.s32 @!p1 $0x1082;
	[sflag:s4] =	ssyncset.s32 $0xFFFFF086  }
0x25: {  	[simem:s6], [sflag:s4] =	dma.local [hbm:s3], $0xF7A  }
0x26: {  	[smem:$0x3F74] =	sst s1;
	(tag) =	ssettag s2;
	_ =	strace s9  }
0x27: {  	s1 =	sld [smem:$0x3F84]  }
0x28: {  	s2 =	sld [smem:$0x3F85]  }
0x29: {  	s4 =	sld [smem:$0x3F87]  }
0x2a: {  	p0 =	seq.s32 s5, $0x0;
	s5 =	sld [smem:$0x3F88]  }
0x2b: {  	s6 =	sld [smem:$0x3F89]  }
0x2c: {  	s7 =	sld [smem:$0x3F8A]  }
0x2d: {  	s3 =	simm.s32 $0x108;
	s8 =	sld [smem:$0x3F8B]  }
0x2e: {  	s3 =	simm.s32 @!p0 $0x1082;
	s9 =	sld [smem:$0x3F8C]  }
0x2f: {  	lr =	sadd.s32 s0, s3;
	s0 =	sld [smem:$0x3F83]  }
0x30: {  	s3 =	sld [smem:$0x3F86]  }
0x31: {  	[smem:$0x3F8F] =	sst s10  }
0x32: {  	s10 =	sld [smem:$0x3F8D];
	_ =	sdelay $0x3  }
0x33: {  	p0 =	seq.s32 s10, $0x1;
	s10 =	sld [smem:$0x3F8F];
	_ =	sdelay $0x3  }
0x34: {  	[smem:$0x3F8F] =	sst s10  }
0x35: {  	s10 =	sld [smem:$0x3F8E];
	_ =	sdelay $0x3  }
0x36: {  	p1 =	seq.s32 s10, $0x1;
	s10 =	sld [smem:$0x3F8F];
	_ =	sdelay $0x3  }
0x37: {  	[smem:$0x3F8F] =	sst s10  }
0x38: {  	s10 =	sld [smem:$0x3F90]  }
0x39: {  	_ = 	snop;
	(pc) =	sbr.ind lr, $3  }
0x3a: {  	_ = 	snop  }
0x3b: {  	_ = 	snop  }
0x3c: {  	p2 =	seq.s32 s10, $0x1;
	s10 =	sld [smem:$0x3F8F]  }
0x3d: {  	_ =	shalt  }
0x3e: {  	_ =	shalt  }
0x3f: {  	_ =	shalt  }
0x40: {  	_ =	shalt  }
0x41: {  	_ =	shalt  }
0x42: {  	_ =	shalt  }
0x43: {  	_ =	shalt  }
0x44: {  	_ =	shalt  }
0x45: {  	_ =	shalt  }
0x46: {  	_ =	shalt  }
0x47: {  	_ =	shalt  }
0x48: {  	_ =	shalt  }
0x49: {  	_ =	shalt  }
0x4a: {  	_ =	shalt  }
0x4b: {  	_ =	shalt  }
0x4c: {  	_ =	shalt  }
0x4d: {  	_ =	shalt  }
0x4e: {  	_ =	shalt  }
0x4f: {  	_ =	shalt  }
0x50: {  	_ =	shalt  }
0x51: {  	_ =	shalt  }
0x52: {  	_ =	shalt  }
0x53: {  	_ =	shalt  }
0x54: {  	_ =	shalt  }
0x55: {  	_ =	shalt  }
0x56: {  	_ =	shalt  }
0x57: {  	_ =	shalt  }
0x58: {  	_ =	shalt  }
0x59: {  	_ =	shalt  }
0x5a: {  	_ =	shalt  }
0x5b: {  	_ =	shalt  }
0x5c: {  	_ =	shalt  }
0x5d: {  	_ =	shalt  }
0x5e: {  	_ =	shalt  }
0x5f: {  	_ =	shalt  }
0x60: {  	_ =	shalt  }
0x61: {  	_ =	shalt  }
0x62: {  	_ =	shalt  }
0x63: {  	_ =	shalt  }
0x64: {  	_ =	shalt  }
0x65: {  	_ =	shalt  }
0x66: {  	_ =	shalt  }
0x67: {  	_ =	shalt  }
0x68: {  	_ =	shalt  }
0x69: {  	_ =	shalt  }
0x6a: {  	_ =	shalt  }
0x6b: {  	_ =	shalt  }
0x6c: {  	_ =	shalt  }
0x6d: {  	_ =	shalt  }
0x6e: {  	_ =	shalt  }
0x6f: {  	_ =	shalt  }
0x70: {  	_ =	shalt  }
0x71: {  	_ =	shalt  }
0x72: {  	_ =	shalt  }
0x73: {  	_ =	shalt  }
0x74: {  	_ =	shalt  }
0x75: {  	_ =	shalt  }
0x76: {  	_ =	shalt  }
0x77: {  	_ =	shalt  }
0x78: {  	_ =	shalt  }
0x79: {  	_ =	shalt  }
0x7a: {  	_ =	shalt  }
0x7b: {  	_ =	shalt  }
0x7c: {  	_ =	shalt  }
0x7d: {  	_ =	shalt  }
0x7e: {  	_ =	shalt  }
0x7f: {  	_ =	shalt  }
0x80: {  	_ =	shalt  }
0x81: {  	_ =	shalt  }
0x82: {  	_ =	shalt  }
0x83: {  	_ =	shalt  }
0x84: {  	_ =	shalt  }
0x85: {  	_ =	shalt  }
0x86: {  	_ =	shalt  }
0x87: {  	_ =	shalt  }
.Lfunc_end0:
.L_simem_size_0:
called_computation_lowered:
.L_overlay_start_0:
0x88: {  	s2 =	sld [smem:$0x3FD9]  }
0x89: {  	s3 =	sld [smem:$0x3FFE];
	_ =	sdelay $0x1  }
0x8a: {  	s1 =	srdreg.scid  }
0x8b: {  	s0 =	sand.u32 $0x1, s1  }
0x8c: {  	s17 =	sshll.u32 s0, $0xA;
	s2 =	sadd.s32 s3, s2  }
0x8d: {  	s2 =	sadd.s32 s2, s17  }
0x8e: {  	[smem:$0x3F9B] =	sst s2  }
0x8f: {  	_ = 	snop  }
0x90: {  	s2 =	sld [smem:$0x3FD0];
	(tm) =	ssettm $0x1  }
0x91: {  	s18 =	sld [smem:$0x3FFB];
	_ =	sdelay $0x3  }
0x92: {  	_ =	strace s18  }
0x93: {  	s3 =	sld [smem:$0x3FFC];
	_ =	sdelay $0x3  }
0x94: {  	_ =	strace s3  }
0x95: {  	s3 =	sld [smem:$0x3FFD];
	_ =	sdelay $0x3  }
0x96: {  	_ =	strace s3  }
0x97: {  	_ =	strace $0x8FFFFFFF  }
0x98: {  	s19 =	sld [smem:$0x3FDB];
	_ =	sdelay $0x1  }
0x99: {  	s4 =	simm.s32 $_scs_section_size  }
0x9a: {  	s5 =	simm.s32 $_size__tile_overlayer_lowered;
	s6 =	simm.s32 $_tile_overlayer_lowered  }
0x9b: {  	s22 =	simm.s32 $0x1BFF;
	s21 =	sshll.u32 s6, $0x1;
	s3 =	sadd.s32 s4, s19  }
0x9c: {  	s7 =	simm.s32 $0x0;
	s20 =	sshll.u32 s5, $0x1;
	s5 =	sadd.s32 s21, s3  }
0x9d: {  	[timem:s7], [sflag:s22] =	dma.local [hbm:s5], s20  }
0x9e: {  	_ =	swait.ge [sflag:s22], s20  }
0x9f: {  	s4 =	ssub.s32 $0x0, s20;
	[sflag:s22] =	ssyncset.done $0x0  }
0xa0: {  	[sflag:s22] =	ssyncadd.s32 s4;
	_ =	sdelay $0x1  }
0xa1: {  	s23 =	simm.s32 $0x1B8B  }
0xa2: {  	_ =	swait.ge [sflag:s23], $0x1  }
0xa3: {  	[sflag:s23] =	ssyncset.done $0x0  }
0xa4: {  	s25 =	simm.s32 $0x1B8E;
	s24 =	sld [smem:$0x3FFE];
	[sflag:s23] =	ssyncadd.s32 $0xFFFFFFFF  }
0xa5: {  	s26 =	simm.s32 $execute0_lowered;
	[smem:$0x3FD2] =	sst s25  }
0xa6: {  	s5 =	sshll.u32 s26, $0x1;
	_ =	strace $0x80000046;
	[dreg:$0x1] =	wrdreg $0xFFFFFFFF  }
0xa7: {  	s28 =	simm.s32 $_size_execute0_lowered;
	s3 =	sadd.s32 s3, s5;
	[dreg:$0x0] =	wrdreg $0x0  }
0xa8: {  	s5 =	sshll.u32 s28, $0x1;
	[dreg:$0x2] =	wrdreg s3  }
0xa9: {  	[dreg:$0x3] =	wrdreg s5  }
0xaa: {  	[dreg:$0x4] =	wrdreg $0xC0  }
0xab: {  	_ =	task [dreg:s7], $0x5FFFF  }
0xac: {  	[dreg:$0x1] =	wrdreg $0xFFFFFFFF  }
0xad: {  	[dreg:$0x0] =	wrdreg $0x60  }
0xae: {  	[dreg:$0x2] =	wrdreg s24  }
0xaf: {  	[dreg:$0x3] =	wrdreg s2  }
0xb0: {  	[dreg:$0x4] =	wrdreg $0x9  }
0xb1: {  	_ =	task.clear_ibuf [dreg:s7], $0x5FFFF;
	_ =	strace $0x90000046  }
0xb2: {  	s29 =	simm.s32 $0x9;
	_ =	strace $0x80000048  }
0xb3: {  	_ =	swait.ge [sflag:s29], $0x1  }
0xb4: {  	[sflag:s29] =	ssyncadd.s32 $0xFFFFFFFF  }
0xb5: {  	_ =	strace $0x90000048  }
0xb6: {  	_ =	sfence  }
0xb7: {  	s30 =	sld [smem:$0x0];
	_ =	sdelay $0x2  }
0xb8: {  	s31 =	sshll.u32 s1, $0xD;
	s1 =	sshrl.u32 s1, $0x2  }
0xb9: {  	s3 =	sand.u32 $0x4000, s31;
	s1 =	sadd.s32 s1, s30  }
0xba: {  	s0 =	sor.u32 s3, s0;
	s1 =	sshll.u32 s1, $0x11  }
0xbb: {  	s0 =	sor.u32 s1, s0  }
0xbc: {  	s0 =	sadd.s32 $0x8F2B, s0  }
0xbd: {  	[sflag:s0] =	ssyncadd.remote.s32 $0x1  }
0xbe: {  	_ =	sfence.sel $0xFFFF  }
0xbf: {  	[dreg:$0x0] =	wrdreg $0xFFFFFFFF;
	(pc) =	sbr.abs _section_cstart, $3  }
0xc0: {  	[dreg:$0x1] =	wrdreg $0xFFFFFFFF  }
0xc1: {  	_ =	task.clear_ibuf [dreg:s7], $0x2FFFF;
	_ =	strace $0x9FFFFFFF  }
0xc2: {  	(tm) =	ssettm $0x7FFFFFFF  }
0xc3: {  	_ =	shalt  }
tec
execute0_lowered:
.L_overlay_start_1:
0x0: {  	(tag) =	ssettag $0x1  }
0x1: {  	s4 =	rddreg [dreg:$0x0]  }
0x2: {  	s5 =	rddreg [dreg:$0x1]  }
0x3: {  	s0 =	rddreg [dreg:$0x2];
	s2 =	simm.s32 $0x0;
	s3 =	srdreg.scid  }
0x4: {  	s1 =	stileid.u32;
	s9 =	simm.s32 $0x200;
	s10 =	simm.s32 $0x1  }
0x5: {  	s11 =	simm.s32 $0x4200;
	s12 =	simm.s32 $0x100;
	s13 =	simm.s32 $0x8200  }
0x6: {  	s14 =	simm.s32 $0x180;
	s15 =	simm.s32 $0xC200;
	s16 =	simm.s32 $0x10200  }
0x7: {  	s17 =	simm.s32 $0x0;
	s6 =	sand.u32 $0x1, s3;
	s30 =	sshll.u32 s1, $0x1  }
0x8: {  	[smem:$0x7FF] =	sst s2;
	s3 =	sadd.s32 $0x3A00, s4;
	s7 =	sor.u32 s6, s30  }
0x9: {  	_ =	strace $0x80000047;
	s6 =	ssub.s32 $0x2, s6;
	s8 =	sshll.u32 s7, $0x9  }
0xa: {  	s31 =	sshrl.u32 s6, $0x1;
	s7 =	sshll.u32 s7, $0x6;
	s8 =	sadd.s32 s8, s4  }
0xb: {  	s6 =	ssub.s32 s6, s31;
	s4 =	sadd.s32 s5, s7;
	s7 =	simm.s32 $0x2  }
0xc: {  	s5 =	sadd.s32 $0x7A00, s8;
	s6 =	smax.u32 s6, $0x1;
	s8 =	simm.s32 $0x80  }
.LBB2_1:
0xd: {  	[tilespmem:s2], [sflag:$0x2] =	stream.linear.gather [hbm4b:s4+s2], $0x200, $0x38;
	[tilespmem:$0x11200] =	vst v63  }
0xe: {  	_ =	swait.ge [sflag:s7], $0x200  }
0xf: {  	[sflag:s7] =	ssyncset.done $0x0  }
0x10: {  	[sflag:s7] =	ssyncadd.s32 $0xFFFFFE00  }
0x11: {  	[tilespmem:s9], [sflag:$0x1] =	stream.indirect.gather [hbm4b:s3+s8], $0x80, s2, s8, $0xb8;
	[tilespmem:$0x11200] =	vst v63  }
0x12: {  	_ =	swait.ge [sflag:s10], $0x4000  }
0x13: {  	[sflag:s10] =	ssyncset.done $0x0  }
0x14: {  	[sflag:s10] =	ssyncadd.s32 $0xFFFFC000  }
0x15: {  	[tilespmem:s11], [sflag:$0x1] =	stream.indirect.gather [hbm4b:s3+s8], $0x80, s8, s8, $0xb8;
	[tilespmem:$0x11200] =	vst v63  }
0x16: {  	_ =	swait.ge [sflag:s10], $0x4000  }
0x17: {  	[sflag:s10] =	ssyncset.done $0x0  }
0x18: {  	[sflag:s10] =	ssyncadd.s32 $0xFFFFC000  }
0x19: {  	[tilespmem:s13], [sflag:$0x1] =	stream.indirect.gather [hbm4b:s3+s8], $0x80, s12, s8, $0xb8;
	[tilespmem:$0x11200] =	vst v63  }
0x1a: {  	_ =	swait.ge [sflag:s10], $0x4000  }
0x1b: {  	[sflag:s10] =	ssyncset.done $0x0  }
0x1c: {  	[sflag:s10] =	ssyncadd.s32 $0xFFFFC000  }
0x1d: {  	[tilespmem:s15], [sflag:$0x1] =	stream.indirect.gather [hbm4b:s3+s8], $0x80, s14, s8, $0xb8;
	[tilespmem:$0x11200] =	vst v63  }
0x1e: {  	_ =	swait.ge [sflag:s10], $0x4000  }
0x1f: {  	[sflag:s10] =	ssyncset.done $0x0  }
0x20: {  	s18 =	simm.s32 $0x600;
	s19 =	simm.s32 $0x0;
	[sflag:s10] =	ssyncadd.s32 $0xFFFFC000  }
.LBB2_2:
0x21: {  	v0 =	vld [tilespmem:s18+$0xFFFFFC00]  }
0x22: {  	v1 =	vld [tilespmem:s18+$0xFFFFFC80]  }
0x23: {  	v2 =	vld [tilespmem:s18+$0xFFFFFD00]  }
0x24: {  	v3 =	vld [tilespmem:s18+$0xFFFFFD80]  }
0x25: {  	v4 =	vld [tilespmem:s18+$0xFFFFFE00]  }
0x26: {  	v5 =	vld [tilespmem:s18+$0xFFFFFE80]  }
0x27: {  	v6 =	vld [tilespmem:s18+$0xFFFFFF00]  }
0x28: {  	v7 =	vld [tilespmem:s18+$0xFFFFFF80]  }
0x29: {  	v8 =	vld [tilespmem:s18+$0x0]  }
0x2a: {  	v9 =	vld [tilespmem:s18+$0x80]  }
0x2b: {  	v10 =	vld [tilespmem:s18+$0x100]  }
0x2c: {  	v11 =	vld [tilespmem:s18+$0x180]  }
0x2d: {  	v12 =	vld [tilespmem:s18+$0x200]  }
0x2e: {  	v59 =	vld [tilespmem:s18+$0x280]  }
0x2f: {  	v62 =	vld [tilespmem:s18+$0x300]  }
0x30: {  	v63 =	vld [tilespmem:s18+$0x380]  }
0x31: {  	v0 =	vadd.f32 v1, v0;
	v58 =	vadd.f32 v3, v2  }
0x32: {  	v60 =	vadd.f32 v5, v4;
	v61 =	vadd.f32 v7, v6  }
0x33: {  	v13 =	vadd.f32 v9, v8;
	v14 =	vadd.f32 v11, v10  }
0x34: {  	v0 =	vadd.f32 v60, v0;
	v1 =	vadd.f32 v61, v58  }
0x35: {  	v2 =	vadd.f32 v59, v12;
	v15 =	vadd.f32 v63, v62  }
0x36: {  	v0 =	vadd.f32 v13, v0;
	v1 =	vadd.f32 v14, v1;
	_ =	sdelay $0x1  }
0x37: {  	v0 =	vadd.f32 v2, v0;
	v1 =	vadd.f32 v15, v1;
	_ =	sdelay $0x1  }
0x38: {  	v0 =	vadd.f32 v1, v0;
	_ =	sdelay $0x1  }
0x39: {  	v0 =	vmul.f32 $6.250000000e-02, v0  }
0x3a: {  	s20 =	sshra.s32 s19, $0x2  }
0x3b: {  	[tilespmem:s20+$0x10200] =	vst v0  }
0x3c: {  	v0 =	vld [tilespmem:s18+$0xFFFFFC10]  }
0x3d: {  	v16 =	vld [tilespmem:s18+$0xFFFFFC90]  }
0x3e: {  	v17 =	vld [tilespmem:s18+$0xFFFFFD10]  }
0x3f: {  	v18 =	vld [tilespmem:s18+$0xFFFFFD90]  }
0x40: {  	v19 =	vld [tilespmem:s18+$0xFFFFFE10]  }
0x41: {  	v20 =	vld [tilespmem:s18+$0xFFFFFE90]  }
0x42: {  	v21 =	vld [tilespmem:s18+$0xFFFFFF10]  }
0x43: {  	v22 =	vld [tilespmem:s18+$0xFFFFFF90]  }
0x44: {  	v23 =	vld [tilespmem:s18+$0x10]  }
0x45: {  	v24 =	vld [tilespmem:s18+$0x90]  }
0x46: {  	v25 =	vld [tilespmem:s18+$0x110]  }
0x47: {  	v26 =	vld [tilespmem:s18+$0x190]  }
0x48: {  	v27 =	vld [tilespmem:s18+$0x210]  }
0x49: {  	v29 =	vld [tilespmem:s18+$0x290]  }
0x4a: {  	v32 =	vld [tilespmem:s18+$0x310]  }
0x4b: {  	v33 =	vld [tilespmem:s18+$0x390]  }
0x4c: {  	v0 =	vadd.f32 v16, v0;
	v28 =	vadd.f32 v18, v17  }
0x4d: {  	v30 =	vadd.f32 v20, v19;
	v31 =	vadd.f32 v22, v21  }
0x4e: {  	v34 =	vadd.f32 v24, v23;
	v35 =	vadd.f32 v26, v25  }
0x4f: {  	v0 =	vadd.f32 v30, v0;
	v1 =	vadd.f32 v31, v28  }
0x50: {  	v2 =	vadd.f32 v29, v27;
	v36 =	vadd.f32 v33, v32  }
0x51: {  	v0 =	vadd.f32 v34, v0;
	v1 =	vadd.f32 v35, v1;
	_ =	sdelay $0x1  }
0x52: {  	v0 =	vadd.f32 v2, v0;
	v1 =	vadd.f32 v36, v1;
	_ =	sdelay $0x1  }
0x53: {  	v0 =	vadd.f32 v1, v0;
	_ =	sdelay $0x1  }
0x54: {  	v0 =	vmul.f32 $6.250000000e-02, v0;
	_ =	sdelay $0x1  }
0x55: {  	[tilespmem:s20+$0x10210] =	vst v0  }
0x56: {  	v0 =	vld [tilespmem:s18+$0xFFFFFC20]  }
0x57: {  	v37 =	vld [tilespmem:s18+$0xFFFFFCA0]  }
0x58: {  	v38 =	vld [tilespmem:s18+$0xFFFFFD20]  }
0x59: {  	v39 =	vld [tilespmem:s18+$0xFFFFFDA0]  }
0x5a: {  	v40 =	vld [tilespmem:s18+$0xFFFFFE20]  }
0x5b: {  	v41 =	vld [tilespmem:s18+$0xFFFFFEA0]  }
0x5c: {  	v42 =	vld [tilespmem:s18+$0xFFFFFF20]  }
0x5d: {  	v43 =	vld [tilespmem:s18+$0xFFFFFFA0]  }
0x5e: {  	v44 =	vld [tilespmem:s18+$0x20]  }
0x5f: {  	v45 =	vld [tilespmem:s18+$0xA0]  }
0x60: {  	v46 =	vld [tilespmem:s18+$0x120]  }
0x61: {  	v47 =	vld [tilespmem:s18+$0x1A0]  }
0x62: {  	v48 =	vld [tilespmem:s18+$0x220]  }
0x63: {  	v50 =	vld [tilespmem:s18+$0x2A0]  }
0x64: {  	v53 =	vld [tilespmem:s18+$0x320]  }
0x65: {  	v54 =	vld [tilespmem:s18+$0x3A0]  }
0x66: {  	v0 =	vadd.f32 v37, v0;
	v49 =	vadd.f32 v39, v38  }
0x67: {  	v51 =	vadd.f32 v41, v40;
	v52 =	vadd.f32 v43, v42  }
0x68: {  	v55 =	vadd.f32 v45, v44;
	v56 =	vadd.f32 v47, v46  }
0x69: {  	v0 =	vadd.f32 v51, v0;
	v1 =	vadd.f32 v52, v49  }
0x6a: {  	v2 =	vadd.f32 v50, v48;
	v57 =	vadd.f32 v54, v53  }
0x6b: {  	v0 =	vadd.f32 v55, v0;
	v1 =	vadd.f32 v56, v1;
	_ =	sdelay $0x1  }
0x6c: {  	v0 =	vadd.f32 v2, v0;
	v1 =	vadd.f32 v57, v1;
	_ =	sdelay $0x1  }
0x6d: {  	v0 =	vadd.f32 v1, v0;
	_ =	sdelay $0x1  }
0x6e: {  	v0 =	vmul.f32 $6.250000000e-02, v0;
	_ =	sdelay $0x1  }
0x6f: {  	[tilespmem:s20+$0x10220] =	vst v0  }
0x70: {  	v0 =	vld [tilespmem:s18+$0xFFFFFC30]  }
0x71: {  	v58 =	vld [tilespmem:s18+$0xFFFFFCB0]  }
0x72: {  	v59 =	vld [tilespmem:s18+$0xFFFFFD30]  }
0x73: {  	v60 =	vld [tilespmem:s18+$0xFFFFFDB0]  }
0x74: {  	v61 =	vld [tilespmem:s18+$0xFFFFFE30]  }
0x75: {  	v62 =	vld [tilespmem:s18+$0xFFFFFEB0]  }
0x76: {  	v63 =	vld [tilespmem:s18+$0xFFFFFF30]  }
0x77: {  	v16 =	vld [tilespmem:s18+$0xFFFFFFB0]  }
0x78: {  	v17 =	vld [tilespmem:s18+$0x30]  }
0x79: {  	v18 =	vld [tilespmem:s18+$0xB0]  }
0x7a: {  	v19 =	vld [tilespmem:s18+$0x130]  }
0x7b: {  	v20 =	vld [tilespmem:s18+$0x1B0]  }
0x7c: {  	v21 =	vld [tilespmem:s18+$0x230]  }
0x7d: {  	v23 =	vld [tilespmem:s18+$0x2B0]  }
0x7e: {  	v26 =	vld [tilespmem:s18+$0x330]  }
0x7f: {  	v27 =	vld [tilespmem:s18+$0x3B0]  }
0x80: {  	v0 =	vadd.f32 v58, v0;
	v22 =	vadd.f32 v60, v59  }
0x81: {  	v24 =	vadd.f32 v62, v61;
	v25 =	vadd.f32 v16, v63  }
0x82: {  	v28 =	vadd.f32 v18, v17;
	v29 =	vadd.f32 v20, v19  }
0x83: {  	v0 =	vadd.f32 v24, v0;
	v1 =	vadd.f32 v25, v22  }
0x84: {  	v2 =	vadd.f32 v23, v21;
	v30 =	vadd.f32 v27, v26  }
0x85: {  	v0 =	vadd.f32 v28, v0;
	v1 =	vadd.f32 v29, v1;
	_ =	sdelay $0x1  }
0x86: {  	v0 =	vadd.f32 v2, v0;
	v1 =	vadd.f32 v30, v1;
	_ =	sdelay $0x1  }
0x87: {  	v0 =	vadd.f32 v1, v0;
	_ =	sdelay $0x1  }
0x88: {  	v0 =	vmul.f32 $6.250000000e-02, v0;
	_ =	sdelay $0x1  }
0x89: {  	[tilespmem:s20+$0x10230] =	vst v0  }
0x8a: {  	v0 =	vld [tilespmem:s18+$0xFFFFFC40]  }
0x8b: {  	v31 =	vld [tilespmem:s18+$0xFFFFFCC0]  }
0x8c: {  	v32 =	vld [tilespmem:s18+$0xFFFFFD40]  }
0x8d: {  	v33 =	vld [tilespmem:s18+$0xFFFFFDC0]  }
0x8e: {  	v34 =	vld [tilespmem:s18+$0xFFFFFE40]  }
0x8f: {  	v35 =	vld [tilespmem:s18+$0xFFFFFEC0]  }
0x90: {  	v36 =	vld [tilespmem:s18+$0xFFFFFF40]  }
0x91: {  	v37 =	vld [tilespmem:s18+$0xFFFFFFC0]  }
0x92: {  	v38 =	vld [tilespmem:s18+$0x40]  }
0x93: {  	v39 =	vld [tilespmem:s18+$0xC0]  }
0x94: {  	v40 =	vld [tilespmem:s18+$0x140]  }
0x95: {  	v41 =	vld [tilespmem:s18+$0x1C0]  }
0x96: {  	v42 =	vld [tilespmem:s18+$0x240]  }
0x97: {  	v44 =	vld [tilespmem:s18+$0x2C0]  }
0x98: {  	v47 =	vld [tilespmem:s18+$0x340]  }
0x99: {  	v48 =	vld [tilespmem:s18+$0x3C0]  }
0x9a: {  	v0 =	vadd.f32 v31, v0;
	v43 =	vadd.f32 v33, v32  }
0x9b: {  	v45 =	vadd.f32 v35, v34;
	v46 =	vadd.f32 v37, v36  }
0x9c: {  	v49 =	vadd.f32 v39, v38;
	v50 =	vadd.f32 v41, v40  }
0x9d: {  	v0 =	vadd.f32 v45, v0;
	v1 =	vadd.f32 v46, v43  }
0x9e: {  	v2 =	vadd.f32 v44, v42;
	v51 =	vadd.f32 v48, v47  }
0x9f: {  	v0 =	vadd.f32 v49, v0;
	v1 =	vadd.f32 v50, v1;
	_ =	sdelay $0x1  }
0xa0: {  	v0 =	vadd.f32 v2, v0;
	v1 =	vadd.f32 v51, v1;
	_ =	sdelay $0x1  }
0xa1: {  	v0 =	vadd.f32 v1, v0;
	_ =	sdelay $0x1  }
0xa2: {  	v0 =	vmul.f32 $6.250000000e-02, v0;
	_ =	sdelay $0x1  }
0xa3: {  	[tilespmem:s20+$0x10240] =	vst v0  }
0xa4: {  	v0 =	vld [tilespmem:s18+$0xFFFFFC50]  }
0xa5: {  	v52 =	vld [tilespmem:s18+$0xFFFFFCD0]  }
0xa6: {  	v53 =	vld [tilespmem:s18+$0xFFFFFD50]  }
0xa7: {  	v54 =	vld [tilespmem:s18+$0xFFFFFDD0]  }
0xa8: {  	v55 =	vld [tilespmem:s18+$0xFFFFFE50]  }
0xa9: {  	v56 =	vld [tilespmem:s18+$0xFFFFFED0]  }
0xaa: {  	v57 =	vld [tilespmem:s18+$0xFFFFFF50]  }
0xab: {  	v58 =	vld [tilespmem:s18+$0xFFFFFFD0]  }
0xac: {  	v59 =	vld [tilespmem:s18+$0x50]  }
0xad: {  	v60 =	vld [tilespmem:s18+$0xD0]  }
0xae: {  	v61 =	vld [tilespmem:s18+$0x150]  }
0xaf: {  	v62 =	vld [tilespmem:s18+$0x1D0]  }
0xb0: {  	v63 =	vld [tilespmem:s18+$0x250]  }
0xb1: {  	v14 =	vld [tilespmem:s18+$0x2D0]  }
0xb2: {  	v17 =	vld [tilespmem:s18+$0x350]  }
0xb3: {  	v18 =	vld [tilespmem:s18+$0x3D0]  }
0xb4: {  	v0 =	vadd.f32 v52, v0;
	v13 =	vadd.f32 v54, v53  }
0xb5: {  	v15 =	vadd.f32 v56, v55;
	v16 =	vadd.f32 v58, v57  }
0xb6: {  	v19 =	vadd.f32 v60, v59;
	v20 =	vadd.f32 v62, v61  }
0xb7: {  	v0 =	vadd.f32 v15, v0;
	v1 =	vadd.f32 v16, v13  }
0xb8: {  	v2 =	vadd.f32 v14, v63;
	v21 =	vadd.f32 v18, v17  }
0xb9: {  	v0 =	vadd.f32 v19, v0;
	v1 =	vadd.f32 v20, v1;
	_ =	sdelay $0x1  }
0xba: {  	v0 =	vadd.f32 v2, v0;
	v1 =	vadd.f32 v21, v1;
	_ =	sdelay $0x1  }
0xbb: {  	v0 =	vadd.f32 v1, v0;
	_ =	sdelay $0x1  }
0xbc: {  	v0 =	vmul.f32 $6.250000000e-02, v0;
	_ =	sdelay $0x1  }
0xbd: {  	[tilespmem:s20+$0x10250] =	vst v0  }
0xbe: {  	v0 =	vld [tilespmem:s18+$0xFFFFFC60]  }
0xbf: {  	v22 =	vld [tilespmem:s18+$0xFFFFFCE0]  }
0xc0: {  	v23 =	vld [tilespmem:s18+$0xFFFFFD60]  }
0xc1: {  	v24 =	vld [tilespmem:s18+$0xFFFFFDE0]  }
0xc2: {  	v25 =	vld [tilespmem:s18+$0xFFFFFE60]  }
0xc3: {  	v26 =	vld [tilespmem:s18+$0xFFFFFEE0]  }
0xc4: {  	v27 =	vld [tilespmem:s18+$0xFFFFFF60]  }
0xc5: {  	v28 =	vld [tilespmem:s18+$0xFFFFFFE0]  }
0xc6: {  	v29 =	vld [tilespmem:s18+$0x60]  }
0xc7: {  	v30 =	vld [tilespmem:s18+$0xE0]  }
0xc8: {  	v31 =	vld [tilespmem:s18+$0x160]  }
0xc9: {  	v32 =	vld [tilespmem:s18+$0x1E0]  }
0xca: {  	v33 =	vld [tilespmem:s18+$0x260]  }
0xcb: {  	v35 =	vld [tilespmem:s18+$0x2E0]  }
0xcc: {  	v38 =	vld [tilespmem:s18+$0x360]  }
0xcd: {  	v39 =	vld [tilespmem:s18+$0x3E0]  }
0xce: {  	v0 =	vadd.f32 v22, v0;
	v34 =	vadd.f32 v24, v23  }
0xcf: {  	v36 =	vadd.f32 v26, v25;
	v37 =	vadd.f32 v28, v27  }
0xd0: {  	v40 =	vadd.f32 v30, v29;
	v41 =	vadd.f32 v32, v31  }
0xd1: {  	v0 =	vadd.f32 v36, v0;
	v1 =	vadd.f32 v37, v34  }
0xd2: {  	v2 =	vadd.f32 v35, v33;
	v42 =	vadd.f32 v39, v38  }
0xd3: {  	v0 =	vadd.f32 v40, v0;
	v1 =	vadd.f32 v41, v1;
	_ =	sdelay $0x1  }
0xd4: {  	v0 =	vadd.f32 v2, v0;
	v1 =	vadd.f32 v42, v1;
	_ =	sdelay $0x1  }
0xd5: {  	v0 =	vadd.f32 v1, v0;
	_ =	sdelay $0x1  }
0xd6: {  	v0 =	vmul.f32 $6.250000000e-02, v0;
	_ =	sdelay $0x1  }
0xd7: {  	[tilespmem:s20+$0x10260] =	vst v0  }
0xd8: {  	v0 =	vld [tilespmem:s18+$0xFFFFFC70]  }
0xd9: {  	v43 =	vld [tilespmem:s18+$0xFFFFFCF0]  }
0xda: {  	v44 =	vld [tilespmem:s18+$0xFFFFFD70]  }
0xdb: {  	v45 =	vld [tilespmem:s18+$0xFFFFFDF0]  }
0xdc: {  	v46 =	vld [tilespmem:s18+$0xFFFFFE70]  }
0xdd: {  	v47 =	vld [tilespmem:s18+$0xFFFFFEF0]  }
0xde: {  	v48 =	vld [tilespmem:s18+$0xFFFFFF70]  }
0xdf: {  	v49 =	vld [tilespmem:s18+$0xFFFFFFF0]  }
0xe0: {  	v50 =	vld [tilespmem:s18+$0x70]  }
0xe1: {  	v51 =	vld [tilespmem:s18+$0xF0]  }
0xe2: {  	v52 =	vld [tilespmem:s18+$0x170]  }
0xe3: {  	v53 =	vld [tilespmem:s18+$0x1F0]  }
0xe4: {  	v54 =	vld [tilespmem:s18+$0x270]  }
0xe5: {  	v56 =	vld [tilespmem:s18+$0x2F0]  }
0xe6: {  	v59 =	vld [tilespmem:s18+$0x370]  }
0xe7: {  	v60 =	vld [tilespmem:s18+$0x3F0]  }
0xe8: {  	v0 =	vadd.f32 v43, v0;
	v55 =	vadd.f32 v45, v44  }
0xe9: {  	v57 =	vadd.f32 v47, v46;
	v58 =	vadd.f32 v49, v48  }
0xea: {  	v61 =	vadd.f32 v51, v50;
	v62 =	vadd.f32 v53, v52  }
0xeb: {  	v0 =	vadd.f32 v57, v0;
	v1 =	vadd.f32 v58, v55  }
0xec: {  	v2 =	vadd.f32 v56, v54;
	v63 =	vadd.f32 v60, v59  }
0xed: {  	v0 =	vadd.f32 v61, v0;
	v1 =	vadd.f32 v62, v1;
	_ =	sdelay $0x1  }
0xee: {  	v0 =	vadd.f32 v2, v0;
	v1 =	vadd.f32 v63, v1  }
0xef: {  	p0 =	sne.s32 s19, $0x3E00  }
.Ltmp0:
0xf0: {  	v0 =	vadd.f32 v1, v0;
	(pc) =	sbr.rel @p0 .LBB2_2-.Ltmp0, $3  }
0xf1: {  	_ = 	snop  }
0xf2: {  	v0 =	vmul.f32 $6.250000000e-02, v0;
	_ =	sdelay $0x1  }
0xf3: {  	s19 =	sadd.s32 $0x200, s19;
	s18 =	sadd.s32 $0x800, s18;
	[tilespmem:s20+$0x10270] =	vst v0  }
0xf4: {  	s17 =	sadd.s32 $0x1, s17  }
0xf5: {  	p0 =	sne.s32 s17, s6  }
.Ltmp1:
0xf6: {  	_ = 	snop;
	(pc) =	sbr.rel @p0 .LBB2_1-.Ltmp1, $4  }
0xf7: {  	[hbm4b:s5+s2] =	stream.linear.scatter [tilespmem:s16], [sflag:$0x2], $0x1000, $0x38;
	[tilespmem:$0x11200] =	vst v63  }
0xf8: {  	_ =	swait.ge [sflag:s7], $0x1000  }
0xf9: {  	[sflag:s7] =	ssyncset.done $0x0  }
0xfa: {  	[sflag:s7] =	ssyncadd.s32 $0xFFFFF000  }
0xfb: {  	_ =	sfence.sel $0x180000  }
0xfc: {  	[bflag:$0x0] =	sbarrier.arrive $0xFFFF  }
0xfd: {  	p0 =	sne.s32 s1, $0x0;
	_ =	strace $0x90000047  }
0xfe: {  	s0 =	sadd.s32 @!p0 $0x100000, s0;
	[bflag:$0x2] =	sbarrier.arrive $0xFFFF  }
0xff: {  	[sflag:s0] =	ssyncadd.tile.s32 @!p0 $0x1;
	_ =	shalt  }
.Lfunc_end2:
_tile_overlayer_lowered:
.L_overlay_start_2:
0x100: {  	(tag) =	ssettag $0x2  }
0x101: {  	s0 =	rddreg [dreg:$0x0];
	s2 =	stileid.u32  }
0x102: {  	s1 =	rddreg [dreg:$0x1];
	p0 =	sne.s32 s2, $0x0  }
0x103: {  	s3 =	rddreg [dreg:$0x2];
	[bflag:$0x3] =	sbarrier.arrive $0xFFFF;
	s2 =	simm.s32 @!p0 $0x1C02  }
0x104: {  	[timem:s3], [sflag:s2] =	dma.local @!p0 [hbm:s0], s1  }
0x105: {  	s0 =	simm.s32 @!p0 $0x2  }
0x106: {  	_ =	swait.ge @!p0 [sflag:s0], s1  }
0x107: {  	s1 =	ssub.s32 @!p0 $0x0, s1;
	[sflag:s0] =	ssyncset.done @!p0 $0x0  }
0x108: {  	[sflag:s0] =	ssyncadd.s32 @!p0 s1  }
0x109: {  	[bflag:$0x3] =	sbarrier.arrive $0xFFFF  }
0x10a: {  	_ =	shalt  }

</sc_bundles>
